<compile_context>
chip_gen: v7x
topology: tpu7x:2x2x1
jax: 0.10.2.dev20260603
libtpu: 0.0.44.dev20260713+nightly
codegen_flags: <defaults>
</compile_context>

<pallas_src>
import jax
import jax.numpy as jnp
import numpy as np
from jax import lax
from jax.experimental import pallas as pl
from jax.experimental.pallas import tpu as pltpu
from jax.experimental.pallas import tpu_sc as plsc

_NUM_NODES = 100000
_NUM_EDGES = 3200000
_NUM_POSSIBLE = _NUM_NODES**2 - _NUM_NODES
_NUM_NONEDGES = _NUM_POSSIBLE - _NUM_EDGES
_EPS = float(-np.log(1.0 - _NUM_EDGES / _NUM_POSSIBLE))
_NEG_SCALE = float(_NUM_NONEDGES) / float(_NUM_EDGES)

_NC, _NS, _L = 2, 16, 16
_NW = _NC * _NS
_B = 262144
_TOT = 2 * _B
_PER_W = _TOT // _NW
_CHUNK = 128
_NCHUNK = _PER_W // _CHUNK
_D = 128
_KD = _D // _L


def _sc_dots_body(emb_hbm, li_hbm, ri_hbm, dots_hbm,
                  idx_l, idx_r, rows_l0, rows_r0, rows_l1, rows_r1,
                  part, dots_v, sem0, sem1):
    wid = lax.axis_index("s") * _NC + lax.axis_index("c")
    base = wid * _PER_W
    pltpu.sync_copy(li_hbm.at[pl.ds(base, _PER_W)], idx_l)
    pltpu.sync_copy(ri_hbm.at[pl.ds(base, _PER_W)], idx_r)

    def _issue(c, rl, rr, sem):
        pltpu.async_copy(emb_hbm.at[idx_l.at[pl.ds(c * _CHUNK, _CHUNK)]], rl, sem)
        pltpu.async_copy(emb_hbm.at[idx_r.at[pl.ds(c * _CHUNK, _CHUNK)]], rr, sem)

    def _wait(c, rl, rr, sem):
        pltpu.make_async_copy(
            emb_hbm.at[idx_l.at[pl.ds(c * _CHUNK, _CHUNK)]], rl, sem).wait()
        pltpu.make_async_copy(
            emb_hbm.at[idx_r.at[pl.ds(c * _CHUNK, _CHUNK)]], rr, sem).wait()

    def _compute(c, rl, rr):
        @pl.loop(0, _CHUNK, unroll=16)
        def _pair(p):
            s0 = pl.ds(0, _L)
            s1 = pl.ds(_L, _L)
            acc0 = plsc.bitcast(rl[p, s0], jnp.bfloat16) * plsc.bitcast(rr[p, s0], jnp.bfloat16)
            acc1 = plsc.bitcast(rl[p, s1], jnp.bfloat16) * plsc.bitcast(rr[p, s1], jnp.bfloat16)
            for k in range(2, _D // (2 * _L)):
                s = pl.ds(k * _L, _L)
                m = plsc.bitcast(rl[p, s], jnp.bfloat16) * plsc.bitcast(rr[p, s], jnp.bfloat16)
                if k % 2 == 0:
                    acc0 = acc0 + m
                else:
                    acc1 = acc1 + m
            a, b = plsc.unpack(acc0 + acc1, format=plsc.PackFormat.INTERLEAVED)
            part[pl.ds(p * _L, _L)] = a + b

        @pl.loop(0, _CHUNK // _L, unroll=2)
        def _grp(g):
            flat = (g * _L + lax.iota(jnp.int32, _L)) * _L
            s = plsc.load_gather(part, [flat])
            for j in range(1, _L):
                s = s + plsc.load_gather(part, [flat + j])
            dots_v[pl.ds(g * _L, _L)] = s

        pltpu.sync_copy(dots_v, dots_hbm.at[pl.ds(base + c * _CHUNK, _CHUNK)])

    bufs = ((rows_l0, rows_r0, sem0), (rows_l1, rows_r1, sem1))
    nbuf = len(bufs)
    for j in range(nbuf - 1):
        _issue(j, *bufs[j])

    @pl.loop(0, _NCHUNK, step=nbuf)
    def _c(c):
        _issue(c + nbuf - 1, *bufs[nbuf - 1])
        for j, (rl, rr, sem) in enumerate(bufs):
            cc = c + j
            _wait(cc, rl, rr, sem)
            _compute(cc, rl, rr)
            if j < nbuf - 1:
                nxt = cc + nbuf

                @pl.when(nxt < _NCHUNK)
                def _refill(nxt=nxt, rl=rl, rr=rr, sem=sem):
                    _issue(nxt, rl, rr, sem)


def _sc_dots(emb, li, ri):
    mesh = plsc.VectorSubcoreMesh(core_axis_name="c", subcore_axis_name="s",
                                  num_cores=_NC, num_subcores=_NS)
    return pl.kernel(
        _sc_dots_body,
        out_type=jax.ShapeDtypeStruct((_TOT,), jnp.float32),
        mesh=mesh,
        scratch_types=[
            pltpu.VMEM((_PER_W,), jnp.int32),
            pltpu.VMEM((_PER_W,), jnp.int32),
            pltpu.VMEM((_CHUNK, _D // 2), jnp.int32),
            pltpu.VMEM((_CHUNK, _D // 2), jnp.int32),
            pltpu.VMEM((_CHUNK, _D // 2), jnp.int32),
            pltpu.VMEM((_CHUNK, _D // 2), jnp.int32),
            pltpu.VMEM((_CHUNK * _L,), jnp.float32),
            pltpu.VMEM((_CHUNK,), jnp.float32),
            pltpu.SemaphoreType.DMA,
            pltpu.SemaphoreType.DMA,
        ],
        compiler_params=pltpu.CompilerParams(needs_layout_passes=False,
                                             use_tc_tiling_on_sc=False),
    )(emb, li, ri)


_PACK_ROWS = 10000


def _pack_tc_body(x_ref, o_ref):
    bits = lax.bitcast_convert_type(x_ref[...], jnp.uint32)
    one = jnp.uint32(1)
    half = jnp.uint32(0x7FFF)
    rnd = lambda v: (v + half + ((v >> 16) & one)) >> 16
    xe = rnd(bits[:_PACK_ROWS // 2, :])
    xo = rnd(bits[_PACK_ROWS // 2:, :])
    h = _D // 2
    pack_a = xe | (pltpu.roll(xe, h, axis=1) << 16)
    pack_b = pltpu.roll(xo, h, axis=1) | (xo << 16)
    lane = lax.broadcasted_iota(jnp.uint32, pack_a.shape, 1)
    o_ref[...] = lax.bitcast_convert_type(
        jnp.where(lane < h, pack_a, pack_b), jnp.int32)


def _pack_tc(emb):
    packed2 = pl.pallas_call(
        _pack_tc_body,
        out_shape=jax.ShapeDtypeStruct((_NUM_NODES // 2, _D), jnp.int32),
        grid=(_NUM_NODES // _PACK_ROWS,),
        in_specs=[pl.BlockSpec((_PACK_ROWS, _D), lambda i: (i, 0))],
        out_specs=pl.BlockSpec((_PACK_ROWS // 2, _D), lambda i: (i, 0)),
    )(emb)
    return jnp.reshape(packed2, (_NUM_NODES, _D // 2))


def _loss_tc_body(e_ref, z_ref, o_ref):
    e = e_ref[...]
    z = z_ref[...]
    loss_edges = -jnp.mean(jnp.log1p(-jnp.exp(-_EPS - e)))
    loss_non = jnp.mean(z)
    o_ref[0, 0] = (loss_edges + _NEG_SCALE * loss_non) / (1.0 + _NEG_SCALE)


def _loss_tc(edge_dots, non_dots):
    return pl.pallas_call(
        _loss_tc_body,
        out_shape=jax.ShapeDtypeStruct((1, 1), jnp.float32),
        out_specs=pl.BlockSpec(memory_space=pltpu.SMEM),
    )(edge_dots, non_dots)


@jax.jit
def kernel(emb, ones_idx, zeros_idx):
    li = jnp.concatenate([ones_idx[:, 0], zeros_idx[:, 0]]).astype(jnp.int32)
    ri = jnp.concatenate([ones_idx[:, 1], zeros_idx[:, 1]]).astype(jnp.int32)
    half = _PACK_ROWS // 2

    def _pi(n):
        i = n // _PACK_ROWS
        t = n - i * _PACK_ROWS
        return i * _PACK_ROWS + jnp.where(t < half, 2 * t, 2 * t - (_PACK_ROWS - 1))

    dots = _sc_dots(_pack_tc(emb), _pi(li), _pi(ri))
    edge_dots = dots[:_B].reshape(_B // _D, _D)
    non_dots = dots[_B:].reshape(_B // _D, _D)
    return _loss_tc(edge_dots, non_dots)[0, 0]

# --- scband reference (transcript-rebuilt; emitter-appended) ---
"""Pipeline reference for scband-berpo-decoder-23725399343419 (READ-ONLY COPY).

The authoritative reference and input builder live on the scoring server;
editing this copy changes nothing except your own understanding.
"""

import jax, jax.numpy as jnp
import numpy as np

NUM_NODES = 100000
NUM_EDGES = 3200000
NUM_POSSIBLE_EDGES = NUM_NODES ** 2 - NUM_NODES
NUM_NONEDGES = NUM_POSSIBLE_EDGES - NUM_EDGES
EPS = -np.log(1.0 - NUM_EDGES / NUM_POSSIBLE_EDGES)


def setup_inputs(seed: int = 0) -> dict:
    key = jax.random.key(seed)
    k1, k2, k3 = jax.random.split(key, 3)
    emb = jax.random.uniform(k1, (NUM_NODES, 128), dtype=jnp.float32)
    ones_idx = jax.random.randint(k2, (262144, 2), 0, NUM_NODES)
    zeros_idx = jax.random.randint(k3, (262144, 2), 0, NUM_NODES)
    return {"emb": emb, "ones_idx": ones_idx, "zeros_idx": zeros_idx}


def reference(emb, ones_idx, zeros_idx):
    # BerpoDecoder.loss_batch: BerPo loss for a batch of edges and non-edges.
    e1 = ones_idx[:, 0]
    e2 = ones_idx[:, 1]
    edge_dots = jnp.sum(jnp.take(emb, e1, axis=0) * jnp.take(emb, e2, axis=0), axis=1)
    loss_edges = -jnp.mean(jnp.log(-jnp.expm1(-EPS - edge_dots)))
    ne1 = zeros_idx[:, 0]
    ne2 = zeros_idx[:, 1]
    loss_nonedges = jnp.mean(jnp.sum(jnp.take(emb, ne1, axis=0) * jnp.take(emb, ne2, axis=0), axis=1))
    neg_scale = NUM_NONEDGES / NUM_EDGES  # balance_loss=False
    return (loss_edges + neg_scale * loss_nonedges) / (1.0 + neg_scale)

if __name__ == "__main__":
    import jax
    _d = setup_inputs()
    print(jax.jit(kernel)(*tuple(_d.values())))

</pallas_src>

<mosaic_0001>
#map = affine_map<(d0, d1) -> (0, 0)>
#map1 = affine_map<(d0, d1) -> (0)>
module attributes {stable_mosaic.version = 14 : i64} {
  func.func @_sc_dots_body(%arg0: i32, %arg1: i32, %arg2: memref<100000x64xi32, #tpu.memory_space<hbm>>, %arg3: memref<524288xi32, #tpu.memory_space<hbm>>, %arg4: memref<524288xi32, #tpu.memory_space<hbm>>, %arg5: memref<524288xf32, #tpu.memory_space<hbm>>, %arg6: memref<16384xi32, #tpu.memory_space<vmem>>, %arg7: memref<16384xi32, #tpu.memory_space<vmem>>, %arg8: memref<128x64xi32, #tpu.memory_space<vmem>>, %arg9: memref<128x64xi32, #tpu.memory_space<vmem>>, %arg10: memref<128x64xi32, #tpu.memory_space<vmem>>, %arg11: memref<128x64xi32, #tpu.memory_space<vmem>>, %arg12: memref<2048xf32, #tpu.memory_space<vmem>>, %arg13: memref<128xf32, #tpu.memory_space<vmem>>, %arg14: memref<!tpu.dma_semaphore, #tpu.memory_space<semaphore_mem>>, %arg15: memref<!tpu.dma_semaphore, #tpu.memory_space<semaphore_mem>>) attributes {dimension_semantics = [#tpu.dimension_semantics<core_parallel>, #tpu.dimension_semantics<subcore_parallel>], iteration_bounds = array<i64: 2, 16>, scalar_prefetch = 0 : i64, scratch_operands = 10 : i64, tpu.core_type = #tpu.core_type<sc_vector_subcore>, window_params = [{transform_indices = #map}, {transform_indices = #map1}, {transform_indices = #map1}, {transform_indices = #map1}]} {
    %mul3A = arith.constant 2 : i32
    %mul3A_0 = arith.muli %arg1, %mul3A : i32
    %add3A = arith.addi %mul3A_0, %arg0 : i32
    %mul3A_1 = arith.constant 16384 : i32
    %mul3A_2 = arith.muli %add3A, %mul3A_1 : i32
    "tpu.region"() ({
      %run_scoped3A = tpu.sem_alloc : memref<!tpu.dma_semaphore, #tpu.memory_space<semaphore_mem>>
      %dma_start3A_16 = tpu.memref_slice %arg3[%mul3A_2] : memref<524288xi32, #tpu.memory_space<hbm>> -> memref<16384xi32, #tpu.memory_space<hbm>>
      %dma_start3A_17 = tpu.memref_slice %arg3[%mul3A_2] : memref<524288xi32, #tpu.memory_space<hbm>> -> memref<16384xi32, #tpu.memory_space<hbm>>
      tpu.enqueue_dma source(%dma_start3A_17 : memref<16384xi32, #tpu.memory_space<hbm>>) target(%arg6 : memref<16384xi32, #tpu.memory_space<vmem>>) target_semaphore(%run_scoped3A : memref<!tpu.dma_semaphore, #tpu.memory_space<semaphore_mem>>)
      %dma_wait3A = tpu.memref_slice %arg3[%mul3A_2] : memref<524288xi32, #tpu.memory_space<hbm>> -> memref<16384xi32, #tpu.memory_space<hbm>>
      %dma_wait3A_18 = tpu.memref_slice %arg3[%mul3A_2] : memref<524288xi32, #tpu.memory_space<hbm>> -> memref<16384xi32, #tpu.memory_space<hbm>>
      tpu.wait_dma2 semaphore(%run_scoped3A : memref<!tpu.dma_semaphore, #tpu.memory_space<semaphore_mem>>) src(%dma_wait3A_18 : memref<16384xi32, #tpu.memory_space<hbm>>) dst(%arg6 : memref<16384xi32, #tpu.memory_space<vmem>>)
      tpu.yield
    }) : () -> ()
    "tpu.region"() ({
      %run_scoped3A = tpu.sem_alloc : memref<!tpu.dma_semaphore, #tpu.memory_space<semaphore_mem>>
      %dma_start3A_16 = tpu.memref_slice %arg4[%mul3A_2] : memref<524288xi32, #tpu.memory_space<hbm>> -> memref<16384xi32, #tpu.memory_space<hbm>>
      %dma_start3A_17 = tpu.memref_slice %arg4[%mul3A_2] : memref<524288xi32, #tpu.memory_space<hbm>> -> memref<16384xi32, #tpu.memory_space<hbm>>
      tpu.enqueue_dma source(%dma_start3A_17 : memref<16384xi32, #tpu.memory_space<hbm>>) target(%arg7 : memref<16384xi32, #tpu.memory_space<vmem>>) target_semaphore(%run_scoped3A : memref<!tpu.dma_semaphore, #tpu.memory_space<semaphore_mem>>)
      %dma_wait3A = tpu.memref_slice %arg4[%mul3A_2] : memref<524288xi32, #tpu.memory_space<hbm>> -> memref<16384xi32, #tpu.memory_space<hbm>>
      %dma_wait3A_18 = tpu.memref_slice %arg4[%mul3A_2] : memref<524288xi32, #tpu.memory_space<hbm>> -> memref<16384xi32, #tpu.memory_space<hbm>>
      tpu.wait_dma2 semaphore(%run_scoped3A : memref<!tpu.dma_semaphore, #tpu.memory_space<semaphore_mem>>) src(%dma_wait3A_18 : memref<16384xi32, #tpu.memory_space<hbm>>) dst(%arg7 : memref<16384xi32, #tpu.memory_space<vmem>>)
      tpu.yield
    }) : () -> ()
    %dma_start3A = arith.constant 0 : i32
    %dma_start3A_3 = tpu.memref_slice %arg6[%dma_start3A] : memref<16384xi32, #tpu.memory_space<vmem>> -> memref<128xi32, #tpu.memory_space<vmem>>
    %dma_start3A_4 = arith.constant 0 : i32
    %dma_start3A_5 = arith.constant 0 : i32
    %dma_start3A_6 = tpu.memref_slice %arg2[%dma_start3A_4, %dma_start3A_5] : memref<100000x64xi32, #tpu.memory_space<hbm>> -> memref<100000x64xi32, #tpu.memory_space<hbm>>
    tpu.enqueue_indirect_dma source(%dma_start3A_6 : memref<100000x64xi32, #tpu.memory_space<hbm>>) target(%arg8 : memref<128x64xi32, #tpu.memory_space<vmem>>) offsets(%dma_start3A_3 : memref<128xi32, #tpu.memory_space<vmem>>) semaphore(%arg14 : memref<!tpu.dma_semaphore, #tpu.memory_space<semaphore_mem>>)
    %dma_start3A_7 = arith.constant 0 : i32
    %dma_start3A_8 = tpu.memref_slice %arg7[%dma_start3A_7] : memref<16384xi32, #tpu.memory_space<vmem>> -> memref<128xi32, #tpu.memory_space<vmem>>
    %dma_start3A_9 = arith.constant 0 : i32
    %dma_start3A_10 = arith.constant 0 : i32
    %dma_start3A_11 = tpu.memref_slice %arg2[%dma_start3A_9, %dma_start3A_10] : memref<100000x64xi32, #tpu.memory_space<hbm>> -> memref<100000x64xi32, #tpu.memory_space<hbm>>
    tpu.enqueue_indirect_dma source(%dma_start3A_11 : memref<100000x64xi32, #tpu.memory_space<hbm>>) target(%arg9 : memref<128x64xi32, #tpu.memory_space<vmem>>) offsets(%dma_start3A_8 : memref<128xi32, #tpu.memory_space<vmem>>) semaphore(%arg14 : memref<!tpu.dma_semaphore, #tpu.memory_space<semaphore_mem>>)
    %scan3A = arith.constant 0 : i32
    %scan3A_12 = arith.constant 64 : i32
    %scan3A_13 = arith.addi %scan3A, %scan3A_12 : i32
    %scan3A_14 = arith.constant 1 : i32
    scf.for %scan3A_16 = %scan3A to %scan3A_13 step %scan3A_14  : i32 {
      %mul3A_17 = arith.constant 2 : i32
      %mul3A_18 = arith.muli %scan3A_16, %mul3A_17 : i32
      %add3A_19 = arith.constant 0 : i32
      %add3A_20 = arith.addi %add3A_19, %mul3A_18 : i32
      %add3A_21 = arith.constant 2 : i32
      %add3A_22 = arith.addi %add3A_20, %add3A_21 : i32
      %sub3A = arith.constant 1 : i32
      %sub3A_23 = arith.subi %add3A_22, %sub3A : i32
      %mul3A_24 = arith.constant 128 : i32
      %mul3A_25 = arith.muli %sub3A_23, %mul3A_24 : i32
      %dma_start3A_26 = tpu.memref_slice %arg6[%mul3A_25] : memref<16384xi32, #tpu.memory_space<vmem>> -> memref<128xi32, #tpu.memory_space<vmem>>
      %dma_start3A_27 = arith.constant 0 : i32
      %dma_start3A_28 = arith.constant 0 : i32
      %dma_start3A_29 = tpu.memref_slice %arg2[%dma_start3A_27, %dma_start3A_28] : memref<100000x64xi32, #tpu.memory_space<hbm>> -> memref<100000x64xi32, #tpu.memory_space<hbm>>
      tpu.enqueue_indirect_dma source(%dma_start3A_29 : memref<100000x64xi32, #tpu.memory_space<hbm>>) target(%arg10 : memref<128x64xi32, #tpu.memory_space<vmem>>) offsets(%dma_start3A_26 : memref<128xi32, #tpu.memory_space<vmem>>) semaphore(%arg15 : memref<!tpu.dma_semaphore, #tpu.memory_space<semaphore_mem>>)
      %mul3A_30 = arith.constant 128 : i32
      %mul3A_31 = arith.muli %sub3A_23, %mul3A_30 : i32
      %dma_start3A_32 = tpu.memref_slice %arg7[%mul3A_31] : memref<16384xi32, #tpu.memory_space<vmem>> -> memref<128xi32, #tpu.memory_space<vmem>>
      %dma_start3A_33 = arith.constant 0 : i32
      %dma_start3A_34 = arith.constant 0 : i32
      %dma_start3A_35 = tpu.memref_slice %arg2[%dma_start3A_33, %dma_start3A_34] : memref<100000x64xi32, #tpu.memory_space<hbm>> -> memref<100000x64xi32, #tpu.memory_space<hbm>>
      tpu.enqueue_indirect_dma source(%dma_start3A_35 : memref<100000x64xi32, #tpu.memory_space<hbm>>) target(%arg11 : memref<128x64xi32, #tpu.memory_space<vmem>>) offsets(%dma_start3A_32 : memref<128xi32, #tpu.memory_space<vmem>>) semaphore(%arg15 : memref<!tpu.dma_semaphore, #tpu.memory_space<semaphore_mem>>)
      %add3A_36 = arith.constant 0 : i32
      %add3A_37 = arith.addi %add3A_20, %add3A_36 : i32
      %mul3A_38 = arith.constant 128 : i32
      %mul3A_39 = arith.muli %add3A_37, %mul3A_38 : i32
      %dma_wait3A = tpu.memref_slice %arg6[%mul3A_39] : memref<16384xi32, #tpu.memory_space<vmem>> -> memref<128xi32, #tpu.memory_space<vmem>>
      %dma_wait3A_40 = arith.constant 0 : i32
      %dma_wait3A_41 = arith.constant 0 : i32
      %dma_wait3A_42 = tpu.memref_slice %arg2[%dma_wait3A_40, %dma_wait3A_41] : memref<100000x64xi32, #tpu.memory_space<hbm>> -> memref<100000x64xi32, #tpu.memory_space<hbm>>
      tpu.wait_indirect_dma semaphore(%arg14 : memref<!tpu.dma_semaphore, #tpu.memory_space<semaphore_mem>>) src(%dma_wait3A_42 : memref<100000x64xi32, #tpu.memory_space<hbm>>) dst(%arg8 : memref<128x64xi32, #tpu.memory_space<vmem>>)
      %mul3A_43 = arith.constant 128 : i32
      %mul3A_44 = arith.muli %add3A_37, %mul3A_43 : i32
      %dma_wait3A_45 = tpu.memref_slice %arg7[%mul3A_44] : memref<16384xi32, #tpu.memory_space<vmem>> -> memref<128xi32, #tpu.memory_space<vmem>>
      %dma_wait3A_46 = arith.constant 0 : i32
      %dma_wait3A_47 = arith.constant 0 : i32
      %dma_wait3A_48 = tpu.memref_slice %arg2[%dma_wait3A_46, %dma_wait3A_47] : memref<100000x64xi32, #tpu.memory_space<hbm>> -> memref<100000x64xi32, #tpu.memory_space<hbm>>
      tpu.wait_indirect_dma semaphore(%arg14 : memref<!tpu.dma_semaphore, #tpu.memory_space<semaphore_mem>>) src(%dma_wait3A_48 : memref<100000x64xi32, #tpu.memory_space<hbm>>) dst(%arg9 : memref<128x64xi32, #tpu.memory_space<vmem>>)
      %scan3A_49 = arith.constant 0 : i32
      %scan3A_50 = arith.constant 128 : i32
      %scan3A_51 = arith.addi %scan3A_49, %scan3A_50 : i32
      %scan3A_52 = arith.constant 16 : i32
      scf.for %scan3A_93 = %scan3A_49 to %scan3A_51 step %scan3A_52  : i32 {
        %mul3A_94 = arith.constant 1 : i32
        %mul3A_95 = arith.muli %scan3A_93, %mul3A_94 : i32
        %add3A_96 = arith.constant 0 : i32
        %add3A_97 = arith.addi %add3A_96, %mul3A_95 : i32
        %get3A = arith.index_cast %add3A_97 : i32 to index
        %get3A_98 = arith.constant 0 : index
        %get3A_99 = tpu.vector_load %arg8[%get3A, %get3A_98] {strides = array<i32>} : memref<128x64xi32, #tpu.memory_space<vmem>>, vector<16xi32>,
        %bitcast3A = vector.bitcast %get3A_99 : vector<16xi32> to vector<32xbf16>
        %get3A_100 = arith.index_cast %add3A_97 : i32 to index
        %get3A_101 = arith.constant 0 : index
        %get3A_102 = tpu.vector_load %arg9[%get3A_100, %get3A_101] {strides = array<i32>} : memref<128x64xi32, #tpu.memory_space<vmem>>, vector<16xi32>,
        %bitcast3A_103 = vector.bitcast %get3A_102 : vector<16xi32> to vector<32xbf16>
        %mul3A_104 = arith.mulf %bitcast3A, %bitcast3A_103 : vector<32xbf16>
        %get3A_105 = arith.index_cast %add3A_97 : i32 to index
        %get3A_106 = arith.constant 16 : index
        %get3A_107 = tpu.vector_load %arg8[%get3A_105, %get3A_106] {strides = array<i32>} : memref<128x64xi32, #tpu.memory_space<vmem>>, vector<16xi32>,
        %bitcast3A_108 = vector.bitcast %get3A_107 : vector<16xi32> to vector<32xbf16>
        %get3A_109 = arith.index_cast %add3A_97 : i32 to index
        %get3A_110 = arith.constant 16 : index
        %get3A_111 = tpu.vector_load %arg9[%get3A_109, %get3A_110] {strides = array<i32>} : memref<128x64xi32, #tpu.memory_space<vmem>>, vector<16xi32>,
        %bitcast3A_112 = vector.bitcast %get3A_111 : vector<16xi32> to vector<32xbf16>
        %mul3A_113 = arith.mulf %bitcast3A_108, %bitcast3A_112 : vector<32xbf16>
        %get3A_114 = arith.index_cast %add3A_97 : i32 to index
        %get3A_115 = arith.constant 32 : index
        %get3A_116 = tpu.vector_load %arg8[%get3A_114, %get3A_115] {strides = array<i32>} : memref<128x64xi32, #tpu.memory_space<vmem>>, vector<16xi32>,
        %bitcast3A_117 = vector.bitcast %get3A_116 : vector<16xi32> to vector<32xbf16>
        %get3A_118 = arith.index_cast %add3A_97 : i32 to index
        %get3A_119 = arith.constant 32 : index
        %get3A_120 = tpu.vector_load %arg9[%get3A_118, %get3A_119] {strides = array<i32>} : memref<128x64xi32, #tpu.memory_space<vmem>>, vector<16xi32>,
        %bitcast3A_121 = vector.bitcast %get3A_120 : vector<16xi32> to vector<32xbf16>
        %mul3A_122 = arith.mulf %bitcast3A_117, %bitcast3A_121 : vector<32xbf16>
        %add3A_123 = arith.addf %mul3A_104, %mul3A_122 : vector<32xbf16>
        %get3A_124 = arith.index_cast %add3A_97 : i32 to index
        %get3A_125 = arith.constant 48 : index
        %get3A_126 = tpu.vector_load %arg8[%get3A_124, %get3A_125] {strides = array<i32>} : memref<128x64xi32, #tpu.memory_space<vmem>>, vector<16xi32>,
        %bitcast3A_127 = vector.bitcast %get3A_126 : vector<16xi32> to vector<32xbf16>
        %get3A_128 = arith.index_cast %add3A_97 : i32 to index
        %get3A_129 = arith.constant 48 : index
        %get3A_130 = tpu.vector_load %arg9[%get3A_128, %get3A_129] {strides = array<i32>} : memref<128x64xi32, #tpu.memory_space<vmem>>, vector<16xi32>,
        %bitcast3A_131 = vector.bitcast %get3A_130 : vector<16xi32> to vector<32xbf16>
        %mul3A_132 = arith.mulf %bitcast3A_127, %bitcast3A_131 : vector<32xbf16>
        %add3A_133 = arith.addf %mul3A_113, %mul3A_132 : vector<32xbf16>
        %add3A_134 = arith.addf %add3A_123, %add3A_133 : vector<32xbf16>
        %unpack3A = tpu.unpack_subelements %add3A_134, 0 {pack_format = #tpu.pack_format<interleaved>} : vector<32xbf16> -> vector<16xf32>
        %unpack3A_135 = tpu.unpack_subelements %add3A_134, 1 {pack_format = #tpu.pack_format<interleaved>} : vector<32xbf16> -> vector<16xf32>
        %add3A_136 = arith.addf %unpack3A, %unpack3A_135 : vector<16xf32>
        %mul3A_137 = arith.constant 16 : i32
        %mul3A_138 = arith.muli %add3A_97, %mul3A_137 : i32
        %swap3A = arith.index_cast %mul3A_138 : i32 to index
        %swap3A_139 = tpu.vector_load %arg12[%swap3A] {strides = array<i32>} : memref<2048xf32, #tpu.memory_space<vmem>>, vector<16xf32>,
        tpu.vector_store %arg12[%swap3A], %add3A_136 {strides = array<i32>} : memref<2048xf32, #tpu.memory_space<vmem>>, vector<16xf32>,
        %scan3A_140 = arith.constant 1 : i32
        %scan3A_141 = arith.addi %scan3A_93, %scan3A_140 : i32
        %mul3A_142 = arith.constant 1 : i32
        %mul3A_143 = arith.muli %scan3A_141, %mul3A_142 : i32
        %add3A_144 = arith.constant 0 : i32
        %add3A_145 = arith.addi %add3A_144, %mul3A_143 : i32
        %get3A_146 = arith.index_cast %add3A_145 : i32 to index
        %get3A_147 = arith.constant 0 : index
        %get3A_148 = tpu.vector_load %arg8[%get3A_146, %get3A_147] {strides = array<i32>} : memref<128x64xi32, #tpu.memory_space<vmem>>, vector<16xi32>,
        %bitcast3A_149 = vector.bitcast %get3A_148 : vector<16xi32> to vector<32xbf16>
        %get3A_150 = arith.index_cast %add3A_145 : i32 to index
        %get3A_151 = arith.constant 0 : index
        %get3A_152 = tpu.vector_load %arg9[%get3A_150, %get3A_151] {strides = array<i32>} : memref<128x64xi32, #tpu.memory_space<vmem>>, vector<16xi32>,
        %bitcast3A_153 = vector.bitcast %get3A_152 : vector<16xi32> to vector<32xbf16>
        %mul3A_154 = arith.mulf %bitcast3A_149, %bitcast3A_153 : vector<32xbf16>
        %get3A_155 = arith.index_cast %add3A_145 : i32 to index
        %get3A_156 = arith.constant 16 : index
        %get3A_157 = tpu.vector_load %arg8[%get3A_155, %get3A_156] {strides = array<i32>} : memref<128x64xi32, #tpu.memory_space<vmem>>, vector<16xi32>,
        %bitcast3A_158 = vector.bitcast %get3A_157 : vector<16xi32> to vector<32xbf16>
        %get3A_159 = arith.index_cast %add3A_145 : i32 to index
        %get3A_160 = arith.constant 16 : index
        %get3A_161 = tpu.vector_load %arg9[%get3A_159, %get3A_160] {strides = array<i32>} : memref<128x64xi32, #tpu.memory_space<vmem>>, vector<16xi32>,
        %bitcast3A_162 = vector.bitcast %get3A_161 : vector<16xi32> to vector<32xbf16>
        %mul3A_163 = arith.mulf %bitcast3A_158, %bitcast3A_162 : vector<32xbf16>
        %get3A_164 = arith.index_cast %add3A_145 : i32 to index
        %get3A_165 = arith.constant 32 : index
        %get3A_166 = tpu.vector_load %arg8[%get3A_164, %get3A_165] {strides = array<i32>} : memref<128x64xi32, #tpu.memory_space<vmem>>, vector<16xi32>,
        %bitcast3A_167 = vector.bitcast %get3A_166 : vector<16xi32> to vector<32xbf16>
        %get3A_168 = arith.index_cast %add3A_145 : i32 to index
        %get3A_169 = arith.constant 32 : index
        %get3A_170 = tpu.vector_load %arg9[%get3A_168, %get3A_169] {strides = array<i32>} : memref<128x64xi32, #tpu.memory_space<vmem>>, vector<16xi32>,
        %bitcast3A_171 = vector.bitcast %get3A_170 : vector<16xi32> to vector<32xbf16>
        %mul3A_172 = arith.mulf %bitcast3A_167, %bitcast3A_171 : vector<32xbf16>
        %add3A_173 = arith.addf %mul3A_154, %mul3A_172 : vector<32xbf16>
        %get3A_174 = arith.index_cast %add3A_145 : i32 to index
        %get3A_175 = arith.constant 48 : index
        %get3A_176 = tpu.vector_load %arg8[%get3A_174, %get3A_175] {strides = array<i32>} : memref<128x64xi32, #tpu.memory_space<vmem>>, vector<16xi32>,
        %bitcast3A_177 = vector.bitcast %get3A_176 : vector<16xi32> to vector<32xbf16>
        %get3A_178 = arith.index_cast %add3A_145 : i32 to index
        %get3A_179 = arith.constant 48 : index
        %get3A_180 = tpu.vector_load %arg9[%get3A_178, %get3A_179] {strides = array<i32>} : memref<128x64xi32, #tpu.memory_space<vmem>>, vector<16xi32>,
        %bitcast3A_181 = vector.bitcast %get3A_180 : vector<16xi32> to vector<32xbf16>
        %mul3A_182 = arith.mulf %bitcast3A_177, %bitcast3A_181 : vector<32xbf16>
        %add3A_183 = arith.addf %mul3A_163, %mul3A_182 : vector<32xbf16>
        %add3A_184 = arith.addf %add3A_173, %add3A_183 : vector<32xbf16>
        %unpack3A_185 = tpu.unpack_subelements %add3A_184, 0 {pack_format = #tpu.pack_format<interleaved>} : vector<32xbf16> -> vector<16xf32>
        %unpack3A_186 = tpu.unpack_subelements %add3A_184, 1 {pack_format = #tpu.pack_format<interleaved>} : vector<32xbf16> -> vector<16xf32>
        %add3A_187 = arith.addf %unpack3A_185, %unpack3A_186 : vector<16xf32>
        %mul3A_188 = arith.constant 16 : i32
        %mul3A_189 = arith.muli %add3A_145, %mul3A_188 : i32
        %swap3A_190 = arith.index_cast %mul3A_189 : i32 to index
        %swap3A_191 = tpu.vector_load %arg12[%swap3A_190] {strides = array<i32>} : memref<2048xf32, #tpu.memory_space<vmem>>, vector<16xf32>,
        tpu.vector_store %arg12[%swap3A_190], %add3A_187 {strides = array<i32>} : memref<2048xf32, #tpu.memory_space<vmem>>, vector<16xf32>,
        %scan3A_192 = arith.constant 2 : i32
        %scan3A_193 = arith.addi %scan3A_93, %scan3A_192 : i32
        %mul3A_194 = arith.constant 1 : i32
        %mul3A_195 = arith.muli %scan3A_193, %mul3A_194 : i32
        %add3A_196 = arith.constant 0 : i32
        %add3A_197 = arith.addi %add3A_196, %mul3A_195 : i32
        %get3A_198 = arith.index_cast %add3A_197 : i32 to index
        %get3A_199 = arith.constant 0 : index
        %get3A_200 = tpu.vector_load %arg8[%get3A_198, %get3A_199] {strides = array<i32>} : memref<128x64xi32, #tpu.memory_space<vmem>>, vector<16xi32>,
        %bitcast3A_201 = vector.bitcast %get3A_200 : vector<16xi32> to vector<32xbf16>
        %get3A_202 = arith.index_cast %add3A_197 : i32 to index
        %get3A_203 = arith.constant 0 : index
        %get3A_204 = tpu.vector_load %arg9[%get3A_202, %get3A_203] {strides = array<i32>} : memref<128x64xi32, #tpu.memory_space<vmem>>, vector<16xi32>,
        %bitcast3A_205 = vector.bitcast %get3A_204 : vector<16xi32> to vector<32xbf16>
        %mul3A_206 = arith.mulf %bitcast3A_201, %bitcast3A_205 : vector<32xbf16>
        %get3A_207 = arith.index_cast %add3A_197 : i32 to index
        %get3A_208 = arith.constant 16 : index
        %get3A_209 = tpu.vector_load %arg8[%get3A_207, %get3A_208] {strides = array<i32>} : memref<128x64xi32, #tpu.memory_space<vmem>>, vector<16xi32>,
        %bitcast3A_210 = vector.bitcast %get3A_209 : vector<16xi32> to vector<32xbf16>
        %get3A_211 = arith.index_cast %add3A_197 : i32 to index
        %get3A_212 = arith.constant 16 : index
        %get3A_213 = tpu.vector_load %arg9[%get3A_211, %get3A_212] {strides = array<i32>} : memref<128x64xi32, #tpu.memory_space<vmem>>, vector<16xi32>,
        %bitcast3A_214 = vector.bitcast %get3A_213 : vector<16xi32> to vector<32xbf16>
        %mul3A_215 = arith.mulf %bitcast3A_210, %bitcast3A_214 : vector<32xbf16>
        %get3A_216 = arith.index_cast %add3A_197 : i32 to index
        %get3A_217 = arith.constant 32 : index
        %get3A_218 = tpu.vector_load %arg8[%get3A_216, %get3A_217] {strides = array<i32>} : memref<128x64xi32, #tpu.memory_space<vmem>>, vector<16xi32>,
        %bitcast3A_219 = vector.bitcast %get3A_218 : vector<16xi32> to vector<32xbf16>
        %get3A_220 = arith.index_cast %add3A_197 : i32 to index
        %get3A_221 = arith.constant 32 : index
        %get3A_222 = tpu.vector_load %arg9[%get3A_220, %get3A_221] {strides = array<i32>} : memref<128x64xi32, #tpu.memory_space<vmem>>, vector<16xi32>,
        %bitcast3A_223 = vector.bitcast %get3A_222 : vector<16xi32> to vector<32xbf16>
        %mul3A_224 = arith.mulf %bitcast3A_219, %bitcast3A_223 : vector<32xbf16>
        %add3A_225 = arith.addf %mul3A_206, %mul3A_224 : vector<32xbf16>
        %get3A_226 = arith.index_cast %add3A_197 : i32 to index
        %get3A_227 = arith.constant 48 : index
        %get3A_228 = tpu.vector_load %arg8[%get3A_226, %get3A_227] {strides = array<i32>} : memref<128x64xi32, #tpu.memory_space<vmem>>, vector<16xi32>,
        %bitcast3A_229 = vector.bitcast %get3A_228 : vector<16xi32> to vector<32xbf16>
        %get3A_230 = arith.index_cast %add3A_197 : i32 to index
        %get3A_231 = arith.constant 48 : index
        %get3A_232 = tpu.vector_load %arg9[%get3A_230, %get3A_231] {strides = array<i32>} : memref<128x64xi32, #tpu.memory_space<vmem>>, vector<16xi32>,
        %bitcast3A_233 = vector.bitcast %get3A_232 : vector<16xi32> to vector<32xbf16>
        %mul3A_234 = arith.mulf %bitcast3A_229, %bitcast3A_233 : vector<32xbf16>
        %add3A_235 = arith.addf %mul3A_215, %mul3A_234 : vector<32xbf16>
        %add3A_236 = arith.addf %add3A_225, %add3A_235 : vector<32xbf16>
        %unpack3A_237 = tpu.unpack_subelements %add3A_236, 0 {pack_format = #tpu.pack_format<interleaved>} : vector<32xbf16> -> vector<16xf32>
        %unpack3A_238 = tpu.unpack_subelements %add3A_236, 1 {pack_format = #tpu.pack_format<interleaved>} : vector<32xbf16> -> vector<16xf32>
        %add3A_239 = arith.addf %unpack3A_237, %unpack3A_238 : vector<16xf32>
        %mul3A_240 = arith.constant 16 : i32
        %mul3A_241 = arith.muli %add3A_197, %mul3A_240 : i32
        %swap3A_242 = arith.index_cast %mul3A_241 : i32 to index
        %swap3A_243 = tpu.vector_load %arg12[%swap3A_242] {strides = array<i32>} : memref<2048xf32, #tpu.memory_space<vmem>>, vector<16xf32>,
        tpu.vector_store %arg12[%swap3A_242], %add3A_239 {strides = array<i32>} : memref<2048xf32, #tpu.memory_space<vmem>>, vector<16xf32>,
        %scan3A_244 = arith.constant 3 : i32
        %scan3A_245 = arith.addi %scan3A_93, %scan3A_244 : i32
        %mul3A_246 = arith.constant 1 : i32
        %mul3A_247 = arith.muli %scan3A_245, %mul3A_246 : i32
        %add3A_248 = arith.constant 0 : i32
        %add3A_249 = arith.addi %add3A_248, %mul3A_247 : i32
        %get3A_250 = arith.index_cast %add3A_249 : i32 to index
        %get3A_251 = arith.constant 0 : index
        %get3A_252 = tpu.vector_load %arg8[%get3A_250, %get3A_251] {strides = array<i32>} : memref<128x64xi32, #tpu.memory_space<vmem>>, vector<16xi32>,
        %bitcast3A_253 = vector.bitcast %get3A_252 : vector<16xi32> to vector<32xbf16>
        %get3A_254 = arith.index_cast %add3A_249 : i32 to index
        %get3A_255 = arith.constant 0 : index
        %get3A_256 = tpu.vector_load %arg9[%get3A_254, %get3A_255] {strides = array<i32>} : memref<128x64xi32, #tpu.memory_space<vmem>>, vector<16xi32>,
        %bitcast3A_257 = vector.bitcast %get3A_256 : vector<16xi32> to vector<32xbf16>
        %mul3A_258 = arith.mulf %bitcast3A_253, %bitcast3A_257 : vector<32xbf16>
        %get3A_259 = arith.index_cast %add3A_249 : i32 to index
        %get3A_260 = arith.constant 16 : index
        %get3A_261 = tpu.vector_load %arg8[%get3A_259, %get3A_260] {strides = array<i32>} : memref<128x64xi32, #tpu.memory_space<vmem>>, vector<16xi32>,
        %bitcast3A_262 = vector.bitcast %get3A_261 : vector<16xi32> to vector<32xbf16>
        %get3A_263 = arith.index_cast %add3A_249 : i32 to index
        %get3A_264 = arith.constant 16 : index
        %get3A_265 = tpu.vector_load %arg9[%get3A_263, %get3A_264] {strides = array<i32>} : memref<128x64xi32, #tpu.memory_space<vmem>>, vector<16xi32>,
        %bitcast3A_266 = vector.bitcast %get3A_265 : vector<16xi32> to vector<32xbf16>
        %mul3A_267 = arith.mulf %bitcast3A_262, %bitcast3A_266 : vector<32xbf16>
        %get3A_268 = arith.index_cast %add3A_249 : i32 to index
        %get3A_269 = arith.constant 32 : index
        %get3A_270 = tpu.vector_load %arg8[%get3A_268, %get3A_269] {strides = array<i32>} : memref<128x64xi32, #tpu.memory_space<vmem>>, vector<16xi32>,
        %bitcast3A_271 = vector.bitcast %get3A_270 : vector<16xi32> to vector<32xbf16>
        %get3A_272 = arith.index_cast %add3A_249 : i32 to index
        %get3A_273 = arith.constant 32 : index
        %get3A_274 = tpu.vector_load %arg9[%get3A_272, %get3A_273] {strides = array<i32>} : memref<128x64xi32, #tpu.memory_space<vmem>>, vector<16xi32>,
        %bitcast3A_275 = vector.bitcast %get3A_274 : vector<16xi32> to vector<32xbf16>
        %mul3A_276 = arith.mulf %bitcast3A_271, %bitcast3A_275 : vector<32xbf16>
        %add3A_277 = arith.addf %mul3A_258, %mul3A_276 : vector<32xbf16>
        %get3A_278 = arith.index_cast %add3A_249 : i32 to index
        %get3A_279 = arith.constant 48 : index
        %get3A_280 = tpu.vector_load %arg8[%get3A_278, %get3A_279] {strides = array<i32>} : memref<128x64xi32, #tpu.memory_space<vmem>>, vector<16xi32>,
        %bitcast3A_281 = vector.bitcast %get3A_280 : vector<16xi32> to vector<32xbf16>
        %get3A_282 = arith.index_cast %add3A_249 : i32 to index
        %get3A_283 = arith.constant 48 : index
        %get3A_284 = tpu.vector_load %arg9[%get3A_282, %get3A_283] {strides = array<i32>} : memref<128x64xi32, #tpu.memory_space<vmem>>, vector<16xi32>,
        %bitcast3A_285 = vector.bitcast %get3A_284 : vector<16xi32> to vector<32xbf16>
        %mul3A_286 = arith.mulf %bitcast3A_281, %bitcast3A_285 : vector<32xbf16>
        %add3A_287 = arith.addf %mul3A_267, %mul3A_286 : vector<32xbf16>
        %add3A_288 = arith.addf %add3A_277, %add3A_287 : vector<32xbf16>
        %unpack3A_289 = tpu.unpack_subelements %add3A_288, 0 {pack_format = #tpu.pack_format<interleaved>} : vector<32xbf16> -> vector<16xf32>
        %unpack3A_290 = tpu.unpack_subelements %add3A_288, 1 {pack_format = #tpu.pack_format<interleaved>} : vector<32xbf16> -> vector<16xf32>
        %add3A_291 = arith.addf %unpack3A_289, %unpack3A_290 : vector<16xf32>
        %mul3A_292 = arith.constant 16 : i32
        %mul3A_293 = arith.muli %add3A_249, %mul3A_292 : i32
        %swap3A_294 = arith.index_cast %mul3A_293 : i32 to index
        %swap3A_295 = tpu.vector_load %arg12[%swap3A_294] {strides = array<i32>} : memref<2048xf32, #tpu.memory_space<vmem>>, vector<16xf32>,
        tpu.vector_store %arg12[%swap3A_294], %add3A_291 {strides = array<i32>} : memref<2048xf32, #tpu.memory_space<vmem>>, vector<16xf32>,
        %scan3A_296 = arith.constant 4 : i32
        %scan3A_297 = arith.addi %scan3A_93, %scan3A_296 : i32
        %mul3A_298 = arith.constant 1 : i32
        %mul3A_299 = arith.muli %scan3A_297, %mul3A_298 : i32
        %add3A_300 = arith.constant 0 : i32
        %add3A_301 = arith.addi %add3A_300, %mul3A_299 : i32
        %get3A_302 = arith.index_cast %add3A_301 : i32 to index
        %get3A_303 = arith.constant 0 : index
        %get3A_304 = tpu.vector_load %arg8[%get3A_302, %get3A_303] {strides = array<i32>} : memref<128x64xi32, #tpu.memory_space<vmem>>, vector<16xi32>,
        %bitcast3A_305 = vector.bitcast %get3A_304 : vector<16xi32> to vector<32xbf16>
        %get3A_306 = arith.index_cast %add3A_301 : i32 to index
        %get3A_307 = arith.constant 0 : index
        %get3A_308 = tpu.vector_load %arg9[%get3A_306, %get3A_307] {strides = array<i32>} : memref<128x64xi32, #tpu.memory_space<vmem>>, vector<16xi32>,
        %bitcast3A_309 = vector.bitcast %get3A_308 : vector<16xi32> to vector<32xbf16>
        %mul3A_310 = arith.mulf %bitcast3A_305, %bitcast3A_309 : vector<32xbf16>
        %get3A_311 = arith.index_cast %add3A_301 : i32 to index
        %get3A_312 = arith.constant 16 : index
        %get3A_313 = tpu.vector_load %arg8[%get3A_311, %get3A_312] {strides = array<i32>} : memref<128x64xi32, #tpu.memory_space<vmem>>, vector<16xi32>,
        %bitcast3A_314 = vector.bitcast %get3A_313 : vector<16xi32> to vector<32xbf16>
        %get3A_315 = arith.index_cast %add3A_301 : i32 to index
        %get3A_316 = arith.constant 16 : index
        %get3A_317 = tpu.vector_load %arg9[%get3A_315, %get3A_316] {strides = array<i32>} : memref<128x64xi32, #tpu.memory_space<vmem>>, vector<16xi32>,
        %bitcast3A_318 = vector.bitcast %get3A_317 : vector<16xi32> to vector<32xbf16>
        %mul3A_319 = arith.mulf %bitcast3A_314, %bitcast3A_318 : vector<32xbf16>
        %get3A_320 = arith.index_cast %add3A_301 : i32 to index
        %get3A_321 = arith.constant 32 : index
        %get3A_322 = tpu.vector_load %arg8[%get3A_320, %get3A_321] {strides = array<i32>} : memref<128x64xi32, #tpu.memory_space<vmem>>, vector<16xi32>,
        %bitcast3A_323 = vector.bitcast %get3A_322 : vector<16xi32> to vector<32xbf16>
        %get3A_324 = arith.index_cast %add3A_301 : i32 to index
        %get3A_325 = arith.constant 32 : index
        %get3A_326 = tpu.vector_load %arg9[%get3A_324, %get3A_325] {strides = array<i32>} : memref<128x64xi32, #tpu.memory_space<vmem>>, vector<16xi32>,
        %bitcast3A_327 = vector.bitcast %get3A_326 : vector<16xi32> to vector<32xbf16>
        %mul3A_328 = arith.mulf %bitcast3A_323, %bitcast3A_327 : vector<32xbf16>
        %add3A_329 = arith.addf %mul3A_310, %mul3A_328 : vector<32xbf16>
        %get3A_330 = arith.index_cast %add3A_301 : i32 to index
        %get3A_331 = arith.constant 48 : index
        %get3A_332 = tpu.vector_load %arg8[%get3A_330, %get3A_331] {strides = array<i32>} : memref<128x64xi32, #tpu.memory_space<vmem>>, vector<16xi32>,
        %bitcast3A_333 = vector.bitcast %get3A_332 : vector<16xi32> to vector<32xbf16>
        %get3A_334 = arith.index_cast %add3A_301 : i32 to index
        %get3A_335 = arith.constant 48 : index
        %get3A_336 = tpu.vector_load %arg9[%get3A_334, %get3A_335] {strides = array<i32>} : memref<128x64xi32, #tpu.memory_space<vmem>>, vector<16xi32>,
        %bitcast3A_337 = vector.bitcast %get3A_336 : vector<16xi32> to vector<32xbf16>
        %mul3A_338 = arith.mulf %bitcast3A_333, %bitcast3A_337 : vector<32xbf16>
        %add3A_339 = arith.addf %mul3A_319, %mul3A_338 : vector<32xbf16>
        %add3A_340 = arith.addf %add3A_329, %add3A_339 : vector<32xbf16>
        %unpack3A_341 = tpu.unpack_subelements %add3A_340, 0 {pack_format = #tpu.pack_format<interleaved>} : vector<32xbf16> -> vector<16xf32>
        %unpack3A_342 = tpu.unpack_subelements %add3A_340, 1 {pack_format = #tpu.pack_format<interleaved>} : vector<32xbf16> -> vector<16xf32>
        %add3A_343 = arith.addf %unpack3A_341, %unpack3A_342 : vector<16xf32>
        %mul3A_344 = arith.constant 16 : i32
        %mul3A_345 = arith.muli %add3A_301, %mul3A_344 : i32
        %swap3A_346 = arith.index_cast %mul3A_345 : i32 to index
        %swap3A_347 = tpu.vector_load %arg12[%swap3A_346] {strides = array<i32>} : memref<2048xf32, #tpu.memory_space<vmem>>, vector<16xf32>,
        tpu.vector_store %arg12[%swap3A_346], %add3A_343 {strides = array<i32>} : memref<2048xf32, #tpu.memory_space<vmem>>, vector<16xf32>,
        %scan3A_348 = arith.constant 5 : i32
        %scan3A_349 = arith.addi %scan3A_93, %scan3A_348 : i32
        %mul3A_350 = arith.constant 1 : i32
        %mul3A_351 = arith.muli %scan3A_349, %mul3A_350 : i32
        %add3A_352 = arith.constant 0 : i32
        %add3A_353 = arith.addi %add3A_352, %mul3A_351 : i32
        %get3A_354 = arith.index_cast %add3A_353 : i32 to index
        %get3A_355 = arith.constant 0 : index
        %get3A_356 = tpu.vector_load %arg8[%get3A_354, %get3A_355] {strides = array<i32>} : memref<128x64xi32, #tpu.memory_space<vmem>>, vector<16xi32>,
        %bitcast3A_357 = vector.bitcast %get3A_356 : vector<16xi32> to vector<32xbf16>
        %get3A_358 = arith.index_cast %add3A_353 : i32 to index
        %get3A_359 = arith.constant 0 : index
        %get3A_360 = tpu.vector_load %arg9[%get3A_358, %get3A_359] {strides = array<i32>} : memref<128x64xi32, #tpu.memory_space<vmem>>, vector<16xi32>,
        %bitcast3A_361 = vector.bitcast %get3A_360 : vector<16xi32> to vector<32xbf16>
        %mul3A_362 = arith.mulf %bitcast3A_357, %bitcast3A_361 : vector<32xbf16>
        %get3A_363 = arith.index_cast %add3A_353 : i32 to index
        %get3A_364 = arith.constant 16 : index
        %get3A_365 = tpu.vector_load %arg8[%get3A_363, %get3A_364] {strides = array<i32>} : memref<128x64xi32, #tpu.memory_space<vmem>>, vector<16xi32>,
        %bitcast3A_366 = vector.bitcast %get3A_365 : vector<16xi32> to vector<32xbf16>
        %get3A_367 = arith.index_cast %add3A_353 : i32 to index
        %get3A_368 = arith.constant 16 : index
        %get3A_369 = tpu.vector_load %arg9[%get3A_367, %get3A_368] {strides = array<i32>} : memref<128x64xi32, #tpu.memory_space<vmem>>, vector<16xi32>,
        %bitcast3A_370 = vector.bitcast %get3A_369 : vector<16xi32> to vector<32xbf16>
        %mul3A_371 = arith.mulf %bitcast3A_366, %bitcast3A_370 : vector<32xbf16>
        %get3A_372 = arith.index_cast %add3A_353 : i32 to index
        %get3A_373 = arith.constant 32 : index
        %get3A_374 = tpu.vector_load %arg8[%get3A_372, %get3A_373] {strides = array<i32>} : memref<128x64xi32, #tpu.memory_space<vmem>>, vector<16xi32>,
        %bitcast3A_375 = vector.bitcast %get3A_374 : vector<16xi32> to vector<32xbf16>
        %get3A_376 = arith.index_cast %add3A_353 : i32 to index
        %get3A_377 = arith.constant 32 : index
        %get3A_378 = tpu.vector_load %arg9[%get3A_376, %get3A_377] {strides = array<i32>} : memref<128x64xi32, #tpu.memory_space<vmem>>, vector<16xi32>,
        %bitcast3A_379 = vector.bitcast %get3A_378 : vector<16xi32> to vector<32xbf16>
        %mul3A_380 = arith.mulf %bitcast3A_375, %bitcast3A_379 : vector<32xbf16>
        %add3A_381 = arith.addf %mul3A_362, %mul3A_380 : vector<32xbf16>
        %get3A_382 = arith.index_cast %add3A_353 : i32 to index
        %get3A_383 = arith.constant 48 : index
        %get3A_384 = tpu.vector_load %arg8[%get3A_382, %get3A_383] {strides = array<i32>} : memref<128x64xi32, #tpu.memory_space<vmem>>, vector<16xi32>,
        %bitcast3A_385 = vector.bitcast %get3A_384 : vector<16xi32> to vector<32xbf16>
        %get3A_386 = arith.index_cast %add3A_353 : i32 to index
        %get3A_387 = arith.constant 48 : index
        %get3A_388 = tpu.vector_load %arg9[%get3A_386, %get3A_387] {strides = array<i32>} : memref<128x64xi32, #tpu.memory_space<vmem>>, vector<16xi32>,
        %bitcast3A_389 = vector.bitcast %get3A_388 : vector<16xi32> to vector<32xbf16>
        %mul3A_390 = arith.mulf %bitcast3A_385, %bitcast3A_389 : vector<32xbf16>
        %add3A_391 = arith.addf %mul3A_371, %mul3A_390 : vector<32xbf16>
        %add3A_392 = arith.addf %add3A_381, %add3A_391 : vector<32xbf16>
        %unpack3A_393 = tpu.unpack_subelements %add3A_392, 0 {pack_format = #tpu.pack_format<interleaved>} : vector<32xbf16> -> vector<16xf32>
        %unpack3A_394 = tpu.unpack_subelements %add3A_392, 1 {pack_format = #tpu.pack_format<interleaved>} : vector<32xbf16> -> vector<16xf32>
        %add3A_395 = arith.addf %unpack3A_393, %unpack3A_394 : vector<16xf32>
        %mul3A_396 = arith.constant 16 : i32
        %mul3A_397 = arith.muli %add3A_353, %mul3A_396 : i32
        %swap3A_398 = arith.index_cast %mul3A_397 : i32 to index
        %swap3A_399 = tpu.vector_load %arg12[%swap3A_398] {strides = array<i32>} : memref<2048xf32, #tpu.memory_space<vmem>>, vector<16xf32>,
        tpu.vector_store %arg12[%swap3A_398], %add3A_395 {strides = array<i32>} : memref<2048xf32, #tpu.memory_space<vmem>>, vector<16xf32>,
        %scan3A_400 = arith.constant 6 : i32
        %scan3A_401 = arith.addi %scan3A_93, %scan3A_400 : i32
        %mul3A_402 = arith.constant 1 : i32
        %mul3A_403 = arith.muli %scan3A_401, %mul3A_402 : i32
        %add3A_404 = arith.constant 0 : i32
        %add3A_405 = arith.addi %add3A_404, %mul3A_403 : i32
        %get3A_406 = arith.index_cast %add3A_405 : i32 to index
        %get3A_407 = arith.constant 0 : index
        %get3A_408 = tpu.vector_load %arg8[%get3A_406, %get3A_407] {strides = array<i32>} : memref<128x64xi32, #tpu.memory_space<vmem>>, vector<16xi32>,
        %bitcast3A_409 = vector.bitcast %get3A_408 : vector<16xi32> to vector<32xbf16>
        %get3A_410 = arith.index_cast %add3A_405 : i32 to index
        %get3A_411 = arith.constant 0 : index
        %get3A_412 = tpu.vector_load %arg9[%get3A_410, %get3A_411] {strides = array<i32>} : memref<128x64xi32, #tpu.memory_space<vmem>>, vector<16xi32>,
        %bitcast3A_413 = vector.bitcast %get3A_412 : vector<16xi32> to vector<32xbf16>
        %mul3A_414 = arith.mulf %bitcast3A_409, %bitcast3A_413 : vector<32xbf16>
        %get3A_415 = arith.index_cast %add3A_405 : i32 to index
        %get3A_416 = arith.constant 16 : index
        %get3A_417 = tpu.vector_load %arg8[%get3A_415, %get3A_416] {strides = array<i32>} : memref<128x64xi32, #tpu.memory_space<vmem>>, vector<16xi32>,
        %bitcast3A_418 = vector.bitcast %get3A_417 : vector<16xi32> to vector<32xbf16>
        %get3A_419 = arith.index_cast %add3A_405 : i32 to index
        %get3A_420 = arith.constant 16 : index
        %get3A_421 = tpu.vector_load %arg9[%get3A_419, %get3A_420] {strides = array<i32>} : memref<128x64xi32, #tpu.memory_space<vmem>>, vector<16xi32>,
        %bitcast3A_422 = vector.bitcast %get3A_421 : vector<16xi32> to vector<32xbf16>
        %mul3A_423 = arith.mulf %bitcast3A_418, %bitcast3A_422 : vector<32xbf16>
        %get3A_424 = arith.index_cast %add3A_405 : i32 to index
        %get3A_425 = arith.constant 32 : index
        %get3A_426 = tpu.vector_load %arg8[%get3A_424, %get3A_425] {strides = array<i32>} : memref<128x64xi32, #tpu.memory_space<vmem>>, vector<16xi32>,
        %bitcast3A_427 = vector.bitcast %get3A_426 : vector<16xi32> to vector<32xbf16>
        %get3A_428 = arith.index_cast %add3A_405 : i32 to index
        %get3A_429 = arith.constant 32 : index
        %get3A_430 = tpu.vector_load %arg9[%get3A_428, %get3A_429] {strides = array<i32>} : memref<128x64xi32, #tpu.memory_space<vmem>>, vector<16xi32>,
        %bitcast3A_431 = vector.bitcast %get3A_430 : vector<16xi32> to vector<32xbf16>
        %mul3A_432 = arith.mulf %bitcast3A_427, %bitcast3A_431 : vector<32xbf16>
        %add3A_433 = arith.addf %mul3A_414, %mul3A_432 : vector<32xbf16>
        %get3A_434 = arith.index_cast %add3A_405 : i32 to index
        %get3A_435 = arith.constant 48 : index
        %get3A_436 = tpu.vector_load %arg8[%get3A_434, %get3A_435] {strides = array<i32>} : memref<128x64xi32, #tpu.memory_space<vmem>>, vector<16xi32>,
        %bitcast3A_437 = vector.bitcast %get3A_436 : vector<16xi32> to vector<32xbf16>
        %get3A_438 = arith.index_cast %add3A_405 : i32 to index
        %get3A_439 = arith.constant 48 : index
        %get3A_440 = tpu.vector_load %arg9[%get3A_438, %get3A_439] {strides = array<i32>} : memref<128x64xi32, #tpu.memory_space<vmem>>, vector<16xi32>,
        %bitcast3A_441 = vector.bitcast %get3A_440 : vector<16xi32> to vector<32xbf16>
        %mul3A_442 = arith.mulf %bitcast3A_437, %bitcast3A_441 : vector<32xbf16>
        %add3A_443 = arith.addf %mul3A_423, %mul3A_442 : vector<32xbf16>
        %add3A_444 = arith.addf %add3A_433, %add3A_443 : vector<32xbf16>
        %unpack3A_445 = tpu.unpack_subelements %add3A_444, 0 {pack_format = #tpu.pack_format<interleaved>} : vector<32xbf16> -> vector<16xf32>
        %unpack3A_446 = tpu.unpack_subelements %add3A_444, 1 {pack_format = #tpu.pack_format<interleaved>} : vector<32xbf16> -> vector<16xf32>
        %add3A_447 = arith.addf %unpack3A_445, %unpack3A_446 : vector<16xf32>
        %mul3A_448 = arith.constant 16 : i32
        %mul3A_449 = arith.muli %add3A_405, %mul3A_448 : i32
        %swap3A_450 = arith.index_cast %mul3A_449 : i32 to index
        %swap3A_451 = tpu.vector_load %arg12[%swap3A_450] {strides = array<i32>} : memref<2048xf32, #tpu.memory_space<vmem>>, vector<16xf32>,
        tpu.vector_store %arg12[%swap3A_450], %add3A_447 {strides = array<i32>} : memref<2048xf32, #tpu.memory_space<vmem>>, vector<16xf32>,
        %scan3A_452 = arith.constant 7 : i32
        %scan3A_453 = arith.addi %scan3A_93, %scan3A_452 : i32
        %mul3A_454 = arith.constant 1 : i32
        %mul3A_455 = arith.muli %scan3A_453, %mul3A_454 : i32
        %add3A_456 = arith.constant 0 : i32
        %add3A_457 = arith.addi %add3A_456, %mul3A_455 : i32
        %get3A_458 = arith.index_cast %add3A_457 : i32 to index
        %get3A_459 = arith.constant 0 : index
        %get3A_460 = tpu.vector_load %arg8[%get3A_458, %get3A_459] {strides = array<i32>} : memref<128x64xi32, #tpu.memory_space<vmem>>, vector<16xi32>,
        %bitcast3A_461 = vector.bitcast %get3A_460 : vector<16xi32> to vector<32xbf16>
        %get3A_462 = arith.index_cast %add3A_457 : i32 to index
        %get3A_463 = arith.constant 0 : index
        %get3A_464 = tpu.vector_load %arg9[%get3A_462, %get3A_463] {strides = array<i32>} : memref<128x64xi32, #tpu.memory_space<vmem>>, vector<16xi32>,
        %bitcast3A_465 = vector.bitcast %get3A_464 : vector<16xi32> to vector<32xbf16>
        %mul3A_466 = arith.mulf %bitcast3A_461, %bitcast3A_465 : vector<32xbf16>
        %get3A_467 = arith.index_cast %add3A_457 : i32 to index
        %get3A_468 = arith.constant 16 : index
        %get3A_469 = tpu.vector_load %arg8[%get3A_467, %get3A_468] {strides = array<i32>} : memref<128x64xi32, #tpu.memory_space<vmem>>, vector<16xi32>,
        %bitcast3A_470 = vector.bitcast %get3A_469 : vector<16xi32> to vector<32xbf16>
        %get3A_471 = arith.index_cast %add3A_457 : i32 to index
        %get3A_472 = arith.constant 16 : index
        %get3A_473 = tpu.vector_load %arg9[%get3A_471, %get3A_472] {strides = array<i32>} : memref<128x64xi32, #tpu.memory_space<vmem>>, vector<16xi32>,
        %bitcast3A_474 = vector.bitcast %get3A_473 : vector<16xi32> to vector<32xbf16>
        %mul3A_475 = arith.mulf %bitcast3A_470, %bitcast3A_474 : vector<32xbf16>
        %get3A_476 = arith.index_cast %add3A_457 : i32 to index
        %get3A_477 = arith.constant 32 : index
        %get3A_478 = tpu.vector_load %arg8[%get3A_476, %get3A_477] {strides = array<i32>} : memref<128x64xi32, #tpu.memory_space<vmem>>, vector<16xi32>,
        %bitcast3A_479 = vector.bitcast %get3A_478 : vector<16xi32> to vector<32xbf16>
        %get3A_480 = arith.index_cast %add3A_457 : i32 to index
        %get3A_481 = arith.constant 32 : index
        %get3A_482 = tpu.vector_load %arg9[%get3A_480, %get3A_481] {strides = array<i32>} : memref<128x64xi32, #tpu.memory_space<vmem>>, vector<16xi32>,
        %bitcast3A_483 = vector.bitcast %get3A_482 : vector<16xi32> to vector<32xbf16>
        %mul3A_484 = arith.mulf %bitcast3A_479, %bitcast3A_483 : vector<32xbf16>
        %add3A_485 = arith.addf %mul3A_466, %mul3A_484 : vector<32xbf16>
        %get3A_486 = arith.index_cast %add3A_457 : i32 to index
        %get3A_487 = arith.constant 48 : index
        %get3A_488 = tpu.vector_load %arg8[%get3A_486, %get3A_487] {strides = array<i32>} : memref<128x64xi32, #tpu.memory_space<vmem>>, vector<16xi32>,
        %bitcast3A_489 = vector.bitcast %get3A_488 : vector<16xi32> to vector<32xbf16>
        %get3A_490 = arith.index_cast %add3A_457 : i32 to index
        %get3A_491 = arith.constant 48 : index
        %get3A_492 = tpu.vector_load %arg9[%get3A_490, %get3A_491] {strides = array<i32>} : memref<128x64xi32, #tpu.memory_space<vmem>>, vector<16xi32>,
        %bitcast3A_493 = vector.bitcast %get3A_492 : vector<16xi32> to vector<32xbf16>
        %mul3A_494 = arith.mulf %bitcast3A_489, %bitcast3A_493 : vector<32xbf16>
        %add3A_495 = arith.addf %mul3A_475, %mul3A_494 : vector<32xbf16>
        %add3A_496 = arith.addf %add3A_485, %add3A_495 : vector<32xbf16>
        %unpack3A_497 = tpu.unpack_subelements %add3A_496, 0 {pack_format = #tpu.pack_format<interleaved>} : vector<32xbf16> -> vector<16xf32>
        %unpack3A_498 = tpu.unpack_subelements %add3A_496, 1 {pack_format = #tpu.pack_format<interleaved>} : vector<32xbf16> -> vector<16xf32>
        %add3A_499 = arith.addf %unpack3A_497, %unpack3A_498 : vector<16xf32>
        %mul3A_500 = arith.constant 16 : i32
        %mul3A_501 = arith.muli %add3A_457, %mul3A_500 : i32
        %swap3A_502 = arith.index_cast %mul3A_501 : i32 to index
        %swap3A_503 = tpu.vector_load %arg12[%swap3A_502] {strides = array<i32>} : memref<2048xf32, #tpu.memory_space<vmem>>, vector<16xf32>,
        tpu.vector_store %arg12[%swap3A_502], %add3A_499 {strides = array<i32>} : memref<2048xf32, #tpu.memory_space<vmem>>, vector<16xf32>,
        %scan3A_504 = arith.constant 8 : i32
        %scan3A_505 = arith.addi %scan3A_93, %scan3A_504 : i32
        %mul3A_506 = arith.constant 1 : i32
        %mul3A_507 = arith.muli %scan3A_505, %mul3A_506 : i32
        %add3A_508 = arith.constant 0 : i32
        %add3A_509 = arith.addi %add3A_508, %mul3A_507 : i32
        %get3A_510 = arith.index_cast %add3A_509 : i32 to index
        %get3A_511 = arith.constant 0 : index
        %get3A_512 = tpu.vector_load %arg8[%get3A_510, %get3A_511] {strides = array<i32>} : memref<128x64xi32, #tpu.memory_space<vmem>>, vector<16xi32>,
        %bitcast3A_513 = vector.bitcast %get3A_512 : vector<16xi32> to vector<32xbf16>
        %get3A_514 = arith.index_cast %add3A_509 : i32 to index
        %get3A_515 = arith.constant 0 : index
        %get3A_516 = tpu.vector_load %arg9[%get3A_514, %get3A_515] {strides = array<i32>} : memref<128x64xi32, #tpu.memory_space<vmem>>, vector<16xi32>,
        %bitcast3A_517 = vector.bitcast %get3A_516 : vector<16xi32> to vector<32xbf16>
        %mul3A_518 = arith.mulf %bitcast3A_513, %bitcast3A_517 : vector<32xbf16>
        %get3A_519 = arith.index_cast %add3A_509 : i32 to index
        %get3A_520 = arith.constant 16 : index
        %get3A_521 = tpu.vector_load %arg8[%get3A_519, %get3A_520] {strides = array<i32>} : memref<128x64xi32, #tpu.memory_space<vmem>>, vector<16xi32>,
        %bitcast3A_522 = vector.bitcast %get3A_521 : vector<16xi32> to vector<32xbf16>
        %get3A_523 = arith.index_cast %add3A_509 : i32 to index
        %get3A_524 = arith.constant 16 : index
        %get3A_525 = tpu.vector_load %arg9[%get3A_523, %get3A_524] {strides = array<i32>} : memref<128x64xi32, #tpu.memory_space<vmem>>, vector<16xi32>,
        %bitcast3A_526 = vector.bitcast %get3A_525 : vector<16xi32> to vector<32xbf16>
        %mul3A_527 = arith.mulf %bitcast3A_522, %bitcast3A_526 : vector<32xbf16>
        %get3A_528 = arith.index_cast %add3A_509 : i32 to index
        %get3A_529 = arith.constant 32 : index
        %get3A_530 = tpu.vector_load %arg8[%get3A_528, %get3A_529] {strides = array<i32>} : memref<128x64xi32, #tpu.memory_space<vmem>>, vector<16xi32>,
        %bitcast3A_531 = vector.bitcast %get3A_530 : vector<16xi32> to vector<32xbf16>
        %get3A_532 = arith.index_cast %add3A_509 : i32 to index
        %get3A_533 = arith.constant 32 : index
        %get3A_534 = tpu.vector_load %arg9[%get3A_532, %get3A_533] {strides = array<i32>} : memref<128x64xi32, #tpu.memory_space<vmem>>, vector<16xi32>,
        %bitcast3A_535 = vector.bitcast %get3A_534 : vector<16xi32> to vector<32xbf16>
        %mul3A_536 = arith.mulf %bitcast3A_531, %bitcast3A_535 : vector<32xbf16>
        %add3A_537 = arith.addf %mul3A_518, %mul3A_536 : vector<32xbf16>
        %get3A_538 = arith.index_cast %add3A_509 : i32 to index
        %get3A_539 = arith.constant 48 : index
        %get3A_540 = tpu.vector_load %arg8[%get3A_538, %get3A_539] {strides = array<i32>} : memref<128x64xi32, #tpu.memory_space<vmem>>, vector<16xi32>,
        %bitcast3A_541 = vector.bitcast %get3A_540 : vector<16xi32> to vector<32xbf16>
        %get3A_542 = arith.index_cast %add3A_509 : i32 to index
        %get3A_543 = arith.constant 48 : index
        %get3A_544 = tpu.vector_load %arg9[%get3A_542, %get3A_543] {strides = array<i32>} : memref<128x64xi32, #tpu.memory_space<vmem>>, vector<16xi32>,
        %bitcast3A_545 = vector.bitcast %get3A_544 : vector<16xi32> to vector<32xbf16>
        %mul3A_546 = arith.mulf %bitcast3A_541, %bitcast3A_545 : vector<32xbf16>
        %add3A_547 = arith.addf %mul3A_527, %mul3A_546 : vector<32xbf16>
        %add3A_548 = arith.addf %add3A_537, %add3A_547 : vector<32xbf16>
        %unpack3A_549 = tpu.unpack_subelements %add3A_548, 0 {pack_format = #tpu.pack_format<interleaved>} : vector<32xbf16> -> vector<16xf32>
        %unpack3A_550 = tpu.unpack_subelements %add3A_548, 1 {pack_format = #tpu.pack_format<interleaved>} : vector<32xbf16> -> vector<16xf32>
        %add3A_551 = arith.addf %unpack3A_549, %unpack3A_550 : vector<16xf32>
        %mul3A_552 = arith.constant 16 : i32
        %mul3A_553 = arith.muli %add3A_509, %mul3A_552 : i32
        %swap3A_554 = arith.index_cast %mul3A_553 : i32 to index
        %swap3A_555 = tpu.vector_load %arg12[%swap3A_554] {strides = array<i32>} : memref<2048xf32, #tpu.memory_space<vmem>>, vector<16xf32>,
        tpu.vector_store %arg12[%swap3A_554], %add3A_551 {strides = array<i32>} : memref<2048xf32, #tpu.memory_space<vmem>>, vector<16xf32>,
        %scan3A_556 = arith.constant 9 : i32
        %scan3A_557 = arith.addi %scan3A_93, %scan3A_556 : i32
        %mul3A_558 = arith.constant 1 : i32
        %mul3A_559 = arith.muli %scan3A_557, %mul3A_558 : i32
        %add3A_560 = arith.constant 0 : i32
        %add3A_561 = arith.addi %add3A_560, %mul3A_559 : i32
        %get3A_562 = arith.index_cast %add3A_561 : i32 to index
        %get3A_563 = arith.constant 0 : index
        %get3A_564 = tpu.vector_load %arg8[%get3A_562, %get3A_563] {strides = array<i32>} : memref<128x64xi32, #tpu.memory_space<vmem>>, vector<16xi32>,
        %bitcast3A_565 = vector.bitcast %get3A_564 : vector<16xi32> to vector<32xbf16>
        %get3A_566 = arith.index_cast %add3A_561 : i32 to index
        %get3A_567 = arith.constant 0 : index
        %get3A_568 = tpu.vector_load %arg9[%get3A_566, %get3A_567] {strides = array<i32>} : memref<128x64xi32, #tpu.memory_space<vmem>>, vector<16xi32>,
        %bitcast3A_569 = vector.bitcast %get3A_568 : vector<16xi32> to vector<32xbf16>
        %mul3A_570 = arith.mulf %bitcast3A_565, %bitcast3A_569 : vector<32xbf16>
        %get3A_571 = arith.index_cast %add3A_561 : i32 to index
        %get3A_572 = arith.constant 16 : index
        %get3A_573 = tpu.vector_load %arg8[%get3A_571, %get3A_572] {strides = array<i32>} : memref<128x64xi32, #tpu.memory_space<vmem>>, vector<16xi32>,
        %bitcast3A_574 = vector.bitcast %get3A_573 : vector<16xi32> to vector<32xbf16>
        %get3A_575 = arith.index_cast %add3A_561 : i32 to index
        %get3A_576 = arith.constant 16 : index
        %get3A_577 = tpu.vector_load %arg9[%get3A_575, %get3A_576] {strides = array<i32>} : memref<128x64xi32, #tpu.memory_space<vmem>>, vector<16xi32>,
        %bitcast3A_578 = vector.bitcast %get3A_577 : vector<16xi32> to vector<32xbf16>
        %mul3A_579 = arith.mulf %bitcast3A_574, %bitcast3A_578 : vector<32xbf16>
        %get3A_580 = arith.index_cast %add3A_561 : i32 to index
        %get3A_581 = arith.constant 32 : index
        %get3A_582 = tpu.vector_load %arg8[%get3A_580, %get3A_581] {strides = array<i32>} : memref<128x64xi32, #tpu.memory_space<vmem>>, vector<16xi32>,
        %bitcast3A_583 = vector.bitcast %get3A_582 : vector<16xi32> to vector<32xbf16>
        %get3A_584 = arith.index_cast %add3A_561 : i32 to index
        %get3A_585 = arith.constant 32 : index
        %get3A_586 = tpu.vector_load %arg9[%get3A_584, %get3A_585] {strides = array<i32>} : memref<128x64xi32, #tpu.memory_space<vmem>>, vector<16xi32>,
        %bitcast3A_587 = vector.bitcast %get3A_586 : vector<16xi32> to vector<32xbf16>
        %mul3A_588 = arith.mulf %bitcast3A_583, %bitcast3A_587 : vector<32xbf16>
        %add3A_589 = arith.addf %mul3A_570, %mul3A_588 : vector<32xbf16>
        %get3A_590 = arith.index_cast %add3A_561 : i32 to index
        %get3A_591 = arith.constant 48 : index
        %get3A_592 = tpu.vector_load %arg8[%get3A_590, %get3A_591] {strides = array<i32>} : memref<128x64xi32, #tpu.memory_space<vmem>>, vector<16xi32>,
        %bitcast3A_593 = vector.bitcast %get3A_592 : vector<16xi32> to vector<32xbf16>
        %get3A_594 = arith.index_cast %add3A_561 : i32 to index
        %get3A_595 = arith.constant 48 : index
        %get3A_596 = tpu.vector_load %arg9[%get3A_594, %get3A_595] {strides = array<i32>} : memref<128x64xi32, #tpu.memory_space<vmem>>, vector<16xi32>,
        %bitcast3A_597 = vector.bitcast %get3A_596 : vector<16xi32> to vector<32xbf16>
        %mul3A_598 = arith.mulf %bitcast3A_593, %bitcast3A_597 : vector<32xbf16>
        %add3A_599 = arith.addf %mul3A_579, %mul3A_598 : vector<32xbf16>
        %add3A_600 = arith.addf %add3A_589, %add3A_599 : vector<32xbf16>
        %unpack3A_601 = tpu.unpack_subelements %add3A_600, 0 {pack_format = #tpu.pack_format<interleaved>} : vector<32xbf16> -> vector<16xf32>
        %unpack3A_602 = tpu.unpack_subelements %add3A_600, 1 {pack_format = #tpu.pack_format<interleaved>} : vector<32xbf16> -> vector<16xf32>
        %add3A_603 = arith.addf %unpack3A_601, %unpack3A_602 : vector<16xf32>
        %mul3A_604 = arith.constant 16 : i32
        %mul3A_605 = arith.muli %add3A_561, %mul3A_604 : i32
        %swap3A_606 = arith.index_cast %mul3A_605 : i32 to index
        %swap3A_607 = tpu.vector_load %arg12[%swap3A_606] {strides = array<i32>} : memref<2048xf32, #tpu.memory_space<vmem>>, vector<16xf32>,
        tpu.vector_store %arg12[%swap3A_606], %add3A_603 {strides = array<i32>} : memref<2048xf32, #tpu.memory_space<vmem>>, vector<16xf32>,
        %scan3A_608 = arith.constant 10 : i32
        %scan3A_609 = arith.addi %scan3A_93, %scan3A_608 : i32
        %mul3A_610 = arith.constant 1 : i32
        %mul3A_611 = arith.muli %scan3A_609, %mul3A_610 : i32
        %add3A_612 = arith.constant 0 : i32
        %add3A_613 = arith.addi %add3A_612, %mul3A_611 : i32
        %get3A_614 = arith.index_cast %add3A_613 : i32 to index
        %get3A_615 = arith.constant 0 : index
        %get3A_616 = tpu.vector_load %arg8[%get3A_614, %get3A_615] {strides = array<i32>} : memref<128x64xi32, #tpu.memory_space<vmem>>, vector<16xi32>,
        %bitcast3A_617 = vector.bitcast %get3A_616 : vector<16xi32> to vector<32xbf16>
        %get3A_618 = arith.index_cast %add3A_613 : i32 to index
        %get3A_619 = arith.constant 0 : index
        %get3A_620 = tpu.vector_load %arg9[%get3A_618, %get3A_619] {strides = array<i32>} : memref<128x64xi32, #tpu.memory_space<vmem>>, vector<16xi32>,
        %bitcast3A_621 = vector.bitcast %get3A_620 : vector<16xi32> to vector<32xbf16>
        %mul3A_622 = arith.mulf %bitcast3A_617, %bitcast3A_621 : vector<32xbf16>
        %get3A_623 = arith.index_cast %add3A_613 : i32 to index
        %get3A_624 = arith.constant 16 : index
        %get3A_625 = tpu.vector_load %arg8[%get3A_623, %get3A_624] {strides = array<i32>} : memref<128x64xi32, #tpu.memory_space<vmem>>, vector<16xi32>,
        %bitcast3A_626 = vector.bitcast %get3A_625 : vector<16xi32> to vector<32xbf16>
        %get3A_627 = arith.index_cast %add3A_613 : i32 to index
        %get3A_628 = arith.constant 16 : index
        %get3A_629 = tpu.vector_load %arg9[%get3A_627, %get3A_628] {strides = array<i32>} : memref<128x64xi32, #tpu.memory_space<vmem>>, vector<16xi32>,
        %bitcast3A_630 = vector.bitcast %get3A_629 : vector<16xi32> to vector<32xbf16>
        %mul3A_631 = arith.mulf %bitcast3A_626, %bitcast3A_630 : vector<32xbf16>
        %get3A_632 = arith.index_cast %add3A_613 : i32 to index
        %get3A_633 = arith.constant 32 : index
        %get3A_634 = tpu.vector_load %arg8[%get3A_632, %get3A_633] {strides = array<i32>} : memref<128x64xi32, #tpu.memory_space<vmem>>, vector<16xi32>,
        %bitcast3A_635 = vector.bitcast %get3A_634 : vector<16xi32> to vector<32xbf16>
        %get3A_636 = arith.index_cast %add3A_613 : i32 to index
        %get3A_637 = arith.constant 32 : index
        %get3A_638 = tpu.vector_load %arg9[%get3A_636, %get3A_637] {strides = array<i32>} : memref<128x64xi32, #tpu.memory_space<vmem>>, vector<16xi32>,
        %bitcast3A_639 = vector.bitcast %get3A_638 : vector<16xi32> to vector<32xbf16>
        %mul3A_640 = arith.mulf %bitcast3A_635, %bitcast3A_639 : vector<32xbf16>
        %add3A_641 = arith.addf %mul3A_622, %mul3A_640 : vector<32xbf16>
        %get3A_642 = arith.index_cast %add3A_613 : i32 to index
        %get3A_643 = arith.constant 48 : index
        %get3A_644 = tpu.vector_load %arg8[%get3A_642, %get3A_643] {strides = array<i32>} : memref<128x64xi32, #tpu.memory_space<vmem>>, vector<16xi32>,
        %bitcast3A_645 = vector.bitcast %get3A_644 : vector<16xi32> to vector<32xbf16>
        %get3A_646 = arith.index_cast %add3A_613 : i32 to index
        %get3A_647 = arith.constant 48 : index
        %get3A_648 = tpu.vector_load %arg9[%get3A_646, %get3A_647] {strides = array<i32>} : memref<128x64xi32, #tpu.memory_space<vmem>>, vector<16xi32>,
        %bitcast3A_649 = vector.bitcast %get3A_648 : vector<16xi32> to vector<32xbf16>
        %mul3A_650 = arith.mulf %bitcast3A_645, %bitcast3A_649 : vector<32xbf16>
        %add3A_651 = arith.addf %mul3A_631, %mul3A_650 : vector<32xbf16>
        %add3A_652 = arith.addf %add3A_641, %add3A_651 : vector<32xbf16>
        %unpack3A_653 = tpu.unpack_subelements %add3A_652, 0 {pack_format = #tpu.pack_format<interleaved>} : vector<32xbf16> -> vector<16xf32>
        %unpack3A_654 = tpu.unpack_subelements %add3A_652, 1 {pack_format = #tpu.pack_format<interleaved>} : vector<32xbf16> -> vector<16xf32>
        %add3A_655 = arith.addf %unpack3A_653, %unpack3A_654 : vector<16xf32>
        %mul3A_656 = arith.constant 16 : i32
        %mul3A_657 = arith.muli %add3A_613, %mul3A_656 : i32
        %swap3A_658 = arith.index_cast %mul3A_657 : i32 to index
        %swap3A_659 = tpu.vector_load %arg12[%swap3A_658] {strides = array<i32>} : memref<2048xf32, #tpu.memory_space<vmem>>, vector<16xf32>,
        tpu.vector_store %arg12[%swap3A_658], %add3A_655 {strides = array<i32>} : memref<2048xf32, #tpu.memory_space<vmem>>, vector<16xf32>,
        %scan3A_660 = arith.constant 11 : i32
        %scan3A_661 = arith.addi %scan3A_93, %scan3A_660 : i32
        %mul3A_662 = arith.constant 1 : i32
        %mul3A_663 = arith.muli %scan3A_661, %mul3A_662 : i32
        %add3A_664 = arith.constant 0 : i32
        %add3A_665 = arith.addi %add3A_664, %mul3A_663 : i32
        %get3A_666 = arith.index_cast %add3A_665 : i32 to index
        %get3A_667 = arith.constant 0 : index
        %get3A_668 = tpu.vector_load %arg8[%get3A_666, %get3A_667] {strides = array<i32>} : memref<128x64xi32, #tpu.memory_space<vmem>>, vector<16xi32>,
        %bitcast3A_669 = vector.bitcast %get3A_668 : vector<16xi32> to vector<32xbf16>
        %get3A_670 = arith.index_cast %add3A_665 : i32 to index
        %get3A_671 = arith.constant 0 : index
        %get3A_672 = tpu.vector_load %arg9[%get3A_670, %get3A_671] {strides = array<i32>} : memref<128x64xi32, #tpu.memory_space<vmem>>, vector<16xi32>,
        %bitcast3A_673 = vector.bitcast %get3A_672 : vector<16xi32> to vector<32xbf16>
        %mul3A_674 = arith.mulf %bitcast3A_669, %bitcast3A_673 : vector<32xbf16>
        %get3A_675 = arith.index_cast %add3A_665 : i32 to index
        %get3A_676 = arith.constant 16 : index
        %get3A_677 = tpu.vector_load %arg8[%get3A_675, %get3A_676] {strides = array<i32>} : memref<128x64xi32, #tpu.memory_space<vmem>>, vector<16xi32>,
        %bitcast3A_678 = vector.bitcast %get3A_677 : vector<16xi32> to vector<32xbf16>
        %get3A_679 = arith.index_cast %add3A_665 : i32 to index
        %get3A_680 = arith.constant 16 : index
        %get3A_681 = tpu.vector_load %arg9[%get3A_679, %get3A_680] {strides = array<i32>} : memref<128x64xi32, #tpu.memory_space<vmem>>, vector<16xi32>,
        %bitcast3A_682 = vector.bitcast %get3A_681 : vector<16xi32> to vector<32xbf16>
        %mul3A_683 = arith.mulf %bitcast3A_678, %bitcast3A_682 : vector<32xbf16>
        %get3A_684 = arith.index_cast %add3A_665 : i32 to index
        %get3A_685 = arith.constant 32 : index
        %get3A_686 = tpu.vector_load %arg8[%get3A_684, %get3A_685] {strides = array<i32>} : memref<128x64xi32, #tpu.memory_space<vmem>>, vector<16xi32>,
        %bitcast3A_687 = vector.bitcast %get3A_686 : vector<16xi32> to vector<32xbf16>
        %get3A_688 = arith.index_cast %add3A_665 : i32 to index
        %get3A_689 = arith.constant 32 : index
        %get3A_690 = tpu.vector_load %arg9[%get3A_688, %get3A_689] {strides = array<i32>} : memref<128x64xi32, #tpu.memory_space<vmem>>, vector<16xi32>,
        %bitcast3A_691 = vector.bitcast %get3A_690 : vector<16xi32> to vector<32xbf16>
        %mul3A_692 = arith.mulf %bitcast3A_687, %bitcast3A_691 : vector<32xbf16>
        %add3A_693 = arith.addf %mul3A_674, %mul3A_692 : vector<32xbf16>
        %get3A_694 = arith.index_cast %add3A_665 : i32 to index
        %get3A_695 = arith.constant 48 : index
        %get3A_696 = tpu.vector_load %arg8[%get3A_694, %get3A_695] {strides = array<i32>} : memref<128x64xi32, #tpu.memory_space<vmem>>, vector<16xi32>,
        %bitcast3A_697 = vector.bitcast %get3A_696 : vector<16xi32> to vector<32xbf16>
        %get3A_698 = arith.index_cast %add3A_665 : i32 to index
        %get3A_699 = arith.constant 48 : index
        %get3A_700 = tpu.vector_load %arg9[%get3A_698, %get3A_699] {strides = array<i32>} : memref<128x64xi32, #tpu.memory_space<vmem>>, vector<16xi32>,
        %bitcast3A_701 = vector.bitcast %get3A_700 : vector<16xi32> to vector<32xbf16>
        %mul3A_702 = arith.mulf %bitcast3A_697, %bitcast3A_701 : vector<32xbf16>
        %add3A_703 = arith.addf %mul3A_683, %mul3A_702 : vector<32xbf16>
        %add3A_704 = arith.addf %add3A_693, %add3A_703 : vector<32xbf16>
        %unpack3A_705 = tpu.unpack_subelements %add3A_704, 0 {pack_format = #tpu.pack_format<interleaved>} : vector<32xbf16> -> vector<16xf32>
        %unpack3A_706 = tpu.unpack_subelements %add3A_704, 1 {pack_format = #tpu.pack_format<interleaved>} : vector<32xbf16> -> vector<16xf32>
        %add3A_707 = arith.addf %unpack3A_705, %unpack3A_706 : vector<16xf32>
        %mul3A_708 = arith.constant 16 : i32
        %mul3A_709 = arith.muli %add3A_665, %mul3A_708 : i32
        %swap3A_710 = arith.index_cast %mul3A_709 : i32 to index
        %swap3A_711 = tpu.vector_load %arg12[%swap3A_710] {strides = array<i32>} : memref<2048xf32, #tpu.memory_space<vmem>>, vector<16xf32>,
        tpu.vector_store %arg12[%swap3A_710], %add3A_707 {strides = array<i32>} : memref<2048xf32, #tpu.memory_space<vmem>>, vector<16xf32>,
        %scan3A_712 = arith.constant 12 : i32
        %scan3A_713 = arith.addi %scan3A_93, %scan3A_712 : i32
        %mul3A_714 = arith.constant 1 : i32
        %mul3A_715 = arith.muli %scan3A_713, %mul3A_714 : i32
        %add3A_716 = arith.constant 0 : i32
        %add3A_717 = arith.addi %add3A_716, %mul3A_715 : i32
        %get3A_718 = arith.index_cast %add3A_717 : i32 to index
        %get3A_719 = arith.constant 0 : index
        %get3A_720 = tpu.vector_load %arg8[%get3A_718, %get3A_719] {strides = array<i32>} : memref<128x64xi32, #tpu.memory_space<vmem>>, vector<16xi32>,
        %bitcast3A_721 = vector.bitcast %get3A_720 : vector<16xi32> to vector<32xbf16>
        %get3A_722 = arith.index_cast %add3A_717 : i32 to index
        %get3A_723 = arith.constant 0 : index
        %get3A_724 = tpu.vector_load %arg9[%get3A_722, %get3A_723] {strides = array<i32>} : memref<128x64xi32, #tpu.memory_space<vmem>>, vector<16xi32>,
        %bitcast3A_725 = vector.bitcast %get3A_724 : vector<16xi32> to vector<32xbf16>
        %mul3A_726 = arith.mulf %bitcast3A_721, %bitcast3A_725 : vector<32xbf16>
        %get3A_727 = arith.index_cast %add3A_717 : i32 to index
        %get3A_728 = arith.constant 16 : index
        %get3A_729 = tpu.vector_load %arg8[%get3A_727, %get3A_728] {strides = array<i32>} : memref<128x64xi32, #tpu.memory_space<vmem>>, vector<16xi32>,
        %bitcast3A_730 = vector.bitcast %get3A_729 : vector<16xi32> to vector<32xbf16>
        %get3A_731 = arith.index_cast %add3A_717 : i32 to index
        %get3A_732 = arith.constant 16 : index
        %get3A_733 = tpu.vector_load %arg9[%get3A_731, %get3A_732] {strides = array<i32>} : memref<128x64xi32, #tpu.memory_space<vmem>>, vector<16xi32>,
        %bitcast3A_734 = vector.bitcast %get3A_733 : vector<16xi32> to vector<32xbf16>
        %mul3A_735 = arith.mulf %bitcast3A_730, %bitcast3A_734 : vector<32xbf16>
        %get3A_736 = arith.index_cast %add3A_717 : i32 to index
        %get3A_737 = arith.constant 32 : index
        %get3A_738 = tpu.vector_load %arg8[%get3A_736, %get3A_737] {strides = array<i32>} : memref<128x64xi32, #tpu.memory_space<vmem>>, vector<16xi32>,
        %bitcast3A_739 = vector.bitcast %get3A_738 : vector<16xi32> to vector<32xbf16>
        %get3A_740 = arith.index_cast %add3A_717 : i32 to index
        %get3A_741 = arith.constant 32 : index
        %get3A_742 = tpu.vector_load %arg9[%get3A_740, %get3A_741] {strides = array<i32>} : memref<128x64xi32, #tpu.memory_space<vmem>>, vector<16xi32>,
        %bitcast3A_743 = vector.bitcast %get3A_742 : vector<16xi32> to vector<32xbf16>
        %mul3A_744 = arith.mulf %bitcast3A_739, %bitcast3A_743 : vector<32xbf16>
        %add3A_745 = arith.addf %mul3A_726, %mul3A_744 : vector<32xbf16>
        %get3A_746 = arith.index_cast %add3A_717 : i32 to index
        %get3A_747 = arith.constant 48 : index
        %get3A_748 = tpu.vector_load %arg8[%get3A_746, %get3A_747] {strides = array<i32>} : memref<128x64xi32, #tpu.memory_space<vmem>>, vector<16xi32>,
        %bitcast3A_749 = vector.bitcast %get3A_748 : vector<16xi32> to vector<32xbf16>
        %get3A_750 = arith.index_cast %add3A_717 : i32 to index
        %get3A_751 = arith.constant 48 : index
        %get3A_752 = tpu.vector_load %arg9[%get3A_750, %get3A_751] {strides = array<i32>} : memref<128x64xi32, #tpu.memory_space<vmem>>, vector<16xi32>,
        %bitcast3A_753 = vector.bitcast %get3A_752 : vector<16xi32> to vector<32xbf16>
        %mul3A_754 = arith.mulf %bitcast3A_749, %bitcast3A_753 : vector<32xbf16>
        %add3A_755 = arith.addf %mul3A_735, %mul3A_754 : vector<32xbf16>
        %add3A_756 = arith.addf %add3A_745, %add3A_755 : vector<32xbf16>
        %unpack3A_757 = tpu.unpack_subelements %add3A_756, 0 {pack_format = #tpu.pack_format<interleaved>} : vector<32xbf16> -> vector<16xf32>
        %unpack3A_758 = tpu.unpack_subelements %add3A_756, 1 {pack_format = #tpu.pack_format<interleaved>} : vector<32xbf16> -> vector<16xf32>
        %add3A_759 = arith.addf %unpack3A_757, %unpack3A_758 : vector<16xf32>
        %mul3A_760 = arith.constant 16 : i32
        %mul3A_761 = arith.muli %add3A_717, %mul3A_760 : i32
        %swap3A_762 = arith.index_cast %mul3A_761 : i32 to index
        %swap3A_763 = tpu.vector_load %arg12[%swap3A_762] {strides = array<i32>} : memref<2048xf32, #tpu.memory_space<vmem>>, vector<16xf32>,
        tpu.vector_store %arg12[%swap3A_762], %add3A_759 {strides = array<i32>} : memref<2048xf32, #tpu.memory_space<vmem>>, vector<16xf32>,
        %scan3A_764 = arith.constant 13 : i32
        %scan3A_765 = arith.addi %scan3A_93, %scan3A_764 : i32
        %mul3A_766 = arith.constant 1 : i32
        %mul3A_767 = arith.muli %scan3A_765, %mul3A_766 : i32
        %add3A_768 = arith.constant 0 : i32
        %add3A_769 = arith.addi %add3A_768, %mul3A_767 : i32
        %get3A_770 = arith.index_cast %add3A_769 : i32 to index
        %get3A_771 = arith.constant 0 : index
        %get3A_772 = tpu.vector_load %arg8[%get3A_770, %get3A_771] {strides = array<i32>} : memref<128x64xi32, #tpu.memory_space<vmem>>, vector<16xi32>,
        %bitcast3A_773 = vector.bitcast %get3A_772 : vector<16xi32> to vector<32xbf16>
        %get3A_774 = arith.index_cast %add3A_769 : i32 to index
        %get3A_775 = arith.constant 0 : index
        %get3A_776 = tpu.vector_load %arg9[%get3A_774, %get3A_775] {strides = array<i32>} : memref<128x64xi32, #tpu.memory_space<vmem>>, vector<16xi32>,
        %bitcast3A_777 = vector.bitcast %get3A_776 : vector<16xi32> to vector<32xbf16>
        %mul3A_778 = arith.mulf %bitcast3A_773, %bitcast3A_777 : vector<32xbf16>
        %get3A_779 = arith.index_cast %add3A_769 : i32 to index
        %get3A_780 = arith.constant 16 : index
        %get3A_781 = tpu.vector_load %arg8[%get3A_779, %get3A_780] {strides = array<i32>} : memref<128x64xi32, #tpu.memory_space<vmem>>, vector<16xi32>,
        %bitcast3A_782 = vector.bitcast %get3A_781 : vector<16xi32> to vector<32xbf16>
        %get3A_783 = arith.index_cast %add3A_769 : i32 to index
        %get3A_784 = arith.constant 16 : index
        %get3A_785 = tpu.vector_load %arg9[%get3A_783, %get3A_784] {strides = array<i32>} : memref<128x64xi32, #tpu.memory_space<vmem>>, vector<16xi32>,
        %bitcast3A_786 = vector.bitcast %get3A_785 : vector<16xi32> to vector<32xbf16>
        %mul3A_787 = arith.mulf %bitcast3A_782, %bitcast3A_786 : vector<32xbf16>
        %get3A_788 = arith.index_cast %add3A_769 : i32 to index
        %get3A_789 = arith.constant 32 : index
        %get3A_790 = tpu.vector_load %arg8[%get3A_788, %get3A_789] {strides = array<i32>} : memref<128x64xi32, #tpu.memory_space<vmem>>, vector<16xi32>,
        %bitcast3A_791 = vector.bitcast %get3A_790 : vector<16xi32> to vector<32xbf16>
        %get3A_792 = arith.index_cast %add3A_769 : i32 to index
        %get3A_793 = arith.constant 32 : index
        %get3A_794 = tpu.vector_load %arg9[%get3A_792, %get3A_793] {strides = array<i32>} : memref<128x64xi32, #tpu.memory_space<vmem>>, vector<16xi32>,
        %bitcast3A_795 = vector.bitcast %get3A_794 : vector<16xi32> to vector<32xbf16>
        %mul3A_796 = arith.mulf %bitcast3A_791, %bitcast3A_795 : vector<32xbf16>
        %add3A_797 = arith.addf %mul3A_778, %mul3A_796 : vector<32xbf16>
        %get3A_798 = arith.index_cast %add3A_769 : i32 to index
        %get3A_799 = arith.constant 48 : index
        %get3A_800 = tpu.vector_load %arg8[%get3A_798, %get3A_799] {strides = array<i32>} : memref<128x64xi32, #tpu.memory_space<vmem>>, vector<16xi32>,
        %bitcast3A_801 = vector.bitcast %get3A_800 : vector<16xi32> to vector<32xbf16>
        %get3A_802 = arith.index_cast %add3A_769 : i32 to index
        %get3A_803 = arith.constant 48 : index
        %get3A_804 = tpu.vector_load %arg9[%get3A_802, %get3A_803] {strides = array<i32>} : memref<128x64xi32, #tpu.memory_space<vmem>>, vector<16xi32>,
        %bitcast3A_805 = vector.bitcast %get3A_804 : vector<16xi32> to vector<32xbf16>
        %mul3A_806 = arith.mulf %bitcast3A_801, %bitcast3A_805 : vector<32xbf16>
        %add3A_807 = arith.addf %mul3A_787, %mul3A_806 : vector<32xbf16>
        %add3A_808 = arith.addf %add3A_797, %add3A_807 : vector<32xbf16>
        %unpack3A_809 = tpu.unpack_subelements %add3A_808, 0 {pack_format = #tpu.pack_format<interleaved>} : vector<32xbf16> -> vector<16xf32>
        %unpack3A_810 = tpu.unpack_subelements %add3A_808, 1 {pack_format = #tpu.pack_format<interleaved>} : vector<32xbf16> -> vector<16xf32>
        %add3A_811 = arith.addf %unpack3A_809, %unpack3A_810 : vector<16xf32>
        %mul3A_812 = arith.constant 16 : i32
        %mul3A_813 = arith.muli %add3A_769, %mul3A_812 : i32
        %swap3A_814 = arith.index_cast %mul3A_813 : i32 to index
        %swap3A_815 = tpu.vector_load %arg12[%swap3A_814] {strides = array<i32>} : memref<2048xf32, #tpu.memory_space<vmem>>, vector<16xf32>,
        tpu.vector_store %arg12[%swap3A_814], %add3A_811 {strides = array<i32>} : memref<2048xf32, #tpu.memory_space<vmem>>, vector<16xf32>,
        %scan3A_816 = arith.constant 14 : i32
        %scan3A_817 = arith.addi %scan3A_93, %scan3A_816 : i32
        %mul3A_818 = arith.constant 1 : i32
        %mul3A_819 = arith.muli %scan3A_817, %mul3A_818 : i32
        %add3A_820 = arith.constant 0 : i32
        %add3A_821 = arith.addi %add3A_820, %mul3A_819 : i32
        %get3A_822 = arith.index_cast %add3A_821 : i32 to index
        %get3A_823 = arith.constant 0 : index
        %get3A_824 = tpu.vector_load %arg8[%get3A_822, %get3A_823] {strides = array<i32>} : memref<128x64xi32, #tpu.memory_space<vmem>>, vector<16xi32>,
        %bitcast3A_825 = vector.bitcast %get3A_824 : vector<16xi32> to vector<32xbf16>
        %get3A_826 = arith.index_cast %add3A_821 : i32 to index
        %get3A_827 = arith.constant 0 : index
        %get3A_828 = tpu.vector_load %arg9[%get3A_826, %get3A_827] {strides = array<i32>} : memref<128x64xi32, #tpu.memory_space<vmem>>, vector<16xi32>,
        %bitcast3A_829 = vector.bitcast %get3A_828 : vector<16xi32> to vector<32xbf16>
        %mul3A_830 = arith.mulf %bitcast3A_825, %bitcast3A_829 : vector<32xbf16>
        %get3A_831 = arith.index_cast %add3A_821 : i32 to index
        %get3A_832 = arith.constant 16 : index
        %get3A_833 = tpu.vector_load %arg8[%get3A_831, %get3A_832] {strides = array<i32>} : memref<128x64xi32, #tpu.memory_space<vmem>>, vector<16xi32>,
        %bitcast3A_834 = vector.bitcast %get3A_833 : vector<16xi32> to vector<32xbf16>
        %get3A_835 = arith.index_cast %add3A_821 : i32 to index
        %get3A_836 = arith.constant 16 : index
        %get3A_837 = tpu.vector_load %arg9[%get3A_835, %get3A_836] {strides = array<i32>} : memref<128x64xi32, #tpu.memory_space<vmem>>, vector<16xi32>,
        %bitcast3A_838 = vector.bitcast %get3A_837 : vector<16xi32> to vector<32xbf16>
        %mul3A_839 = arith.mulf %bitcast3A_834, %bitcast3A_838 : vector<32xbf16>
        %get3A_840 = arith.index_cast %add3A_821 : i32 to index
        %get3A_841 = arith.constant 32 : index
        %get3A_842 = tpu.vector_load %arg8[%get3A_840, %get3A_841] {strides = array<i32>} : memref<128x64xi32, #tpu.memory_space<vmem>>, vector<16xi32>,
        %bitcast3A_843 = vector.bitcast %get3A_842 : vector<16xi32> to vector<32xbf16>
        %get3A_844 = arith.index_cast %add3A_821 : i32 to index
        %get3A_845 = arith.constant 32 : index
        %get3A_846 = tpu.vector_load %arg9[%get3A_844, %get3A_845] {strides = array<i32>} : memref<128x64xi32, #tpu.memory_space<vmem>>, vector<16xi32>,
        %bitcast3A_847 = vector.bitcast %get3A_846 : vector<16xi32> to vector<32xbf16>
        %mul3A_848 = arith.mulf %bitcast3A_843, %bitcast3A_847 : vector<32xbf16>
        %add3A_849 = arith.addf %mul3A_830, %mul3A_848 : vector<32xbf16>
        %get3A_850 = arith.index_cast %add3A_821 : i32 to index
        %get3A_851 = arith.constant 48 : index
        %get3A_852 = tpu.vector_load %arg8[%get3A_850, %get3A_851] {strides = array<i32>} : memref<128x64xi32, #tpu.memory_space<vmem>>, vector<16xi32>,
        %bitcast3A_853 = vector.bitcast %get3A_852 : vector<16xi32> to vector<32xbf16>
        %get3A_854 = arith.index_cast %add3A_821 : i32 to index
        %get3A_855 = arith.constant 48 : index
        %get3A_856 = tpu.vector_load %arg9[%get3A_854, %get3A_855] {strides = array<i32>} : memref<128x64xi32, #tpu.memory_space<vmem>>, vector<16xi32>,
        %bitcast3A_857 = vector.bitcast %get3A_856 : vector<16xi32> to vector<32xbf16>
        %mul3A_858 = arith.mulf %bitcast3A_853, %bitcast3A_857 : vector<32xbf16>
        %add3A_859 = arith.addf %mul3A_839, %mul3A_858 : vector<32xbf16>
        %add3A_860 = arith.addf %add3A_849, %add3A_859 : vector<32xbf16>
        %unpack3A_861 = tpu.unpack_subelements %add3A_860, 0 {pack_format = #tpu.pack_format<interleaved>} : vector<32xbf16> -> vector<16xf32>
        %unpack3A_862 = tpu.unpack_subelements %add3A_860, 1 {pack_format = #tpu.pack_format<interleaved>} : vector<32xbf16> -> vector<16xf32>
        %add3A_863 = arith.addf %unpack3A_861, %unpack3A_862 : vector<16xf32>
        %mul3A_864 = arith.constant 16 : i32
        %mul3A_865 = arith.muli %add3A_821, %mul3A_864 : i32
        %swap3A_866 = arith.index_cast %mul3A_865 : i32 to index
        %swap3A_867 = tpu.vector_load %arg12[%swap3A_866] {strides = array<i32>} : memref<2048xf32, #tpu.memory_space<vmem>>, vector<16xf32>,
        tpu.vector_store %arg12[%swap3A_866], %add3A_863 {strides = array<i32>} : memref<2048xf32, #tpu.memory_space<vmem>>, vector<16xf32>,
        %scan3A_868 = arith.constant 15 : i32
        %scan3A_869 = arith.addi %scan3A_93, %scan3A_868 : i32
        %mul3A_870 = arith.constant 1 : i32
        %mul3A_871 = arith.muli %scan3A_869, %mul3A_870 : i32
        %add3A_872 = arith.constant 0 : i32
        %add3A_873 = arith.addi %add3A_872, %mul3A_871 : i32
        %get3A_874 = arith.index_cast %add3A_873 : i32 to index
        %get3A_875 = arith.constant 0 : index
        %get3A_876 = tpu.vector_load %arg8[%get3A_874, %get3A_875] {strides = array<i32>} : memref<128x64xi32, #tpu.memory_space<vmem>>, vector<16xi32>,
        %bitcast3A_877 = vector.bitcast %get3A_876 : vector<16xi32> to vector<32xbf16>
        %get3A_878 = arith.index_cast %add3A_873 : i32 to index
        %get3A_879 = arith.constant 0 : index
        %get3A_880 = tpu.vector_load %arg9[%get3A_878, %get3A_879] {strides = array<i32>} : memref<128x64xi32, #tpu.memory_space<vmem>>, vector<16xi32>,
        %bitcast3A_881 = vector.bitcast %get3A_880 : vector<16xi32> to vector<32xbf16>
        %mul3A_882 = arith.mulf %bitcast3A_877, %bitcast3A_881 : vector<32xbf16>
        %get3A_883 = arith.index_cast %add3A_873 : i32 to index
        %get3A_884 = arith.constant 16 : index
        %get3A_885 = tpu.vector_load %arg8[%get3A_883, %get3A_884] {strides = array<i32>} : memref<128x64xi32, #tpu.memory_space<vmem>>, vector<16xi32>,
        %bitcast3A_886 = vector.bitcast %get3A_885 : vector<16xi32> to vector<32xbf16>
        %get3A_887 = arith.index_cast %add3A_873 : i32 to index
        %get3A_888 = arith.constant 16 : index
        %get3A_889 = tpu.vector_load %arg9[%get3A_887, %get3A_888] {strides = array<i32>} : memref<128x64xi32, #tpu.memory_space<vmem>>, vector<16xi32>,
        %bitcast3A_890 = vector.bitcast %get3A_889 : vector<16xi32> to vector<32xbf16>
        %mul3A_891 = arith.mulf %bitcast3A_886, %bitcast3A_890 : vector<32xbf16>
        %get3A_892 = arith.index_cast %add3A_873 : i32 to index
        %get3A_893 = arith.constant 32 : index
        %get3A_894 = tpu.vector_load %arg8[%get3A_892, %get3A_893] {strides = array<i32>} : memref<128x64xi32, #tpu.memory_space<vmem>>, vector<16xi32>,
        %bitcast3A_895 = vector.bitcast %get3A_894 : vector<16xi32> to vector<32xbf16>
        %get3A_896 = arith.index_cast %add3A_873 : i32 to index
        %get3A_897 = arith.constant 32 : index
        %get3A_898 = tpu.vector_load %arg9[%get3A_896, %get3A_897] {strides = array<i32>} : memref<128x64xi32, #tpu.memory_space<vmem>>, vector<16xi32>,
        %bitcast3A_899 = vector.bitcast %get3A_898 : vector<16xi32> to vector<32xbf16>
        %mul3A_900 = arith.mulf %bitcast3A_895, %bitcast3A_899 : vector<32xbf16>
        %add3A_901 = arith.addf %mul3A_882, %mul3A_900 : vector<32xbf16>
        %get3A_902 = arith.index_cast %add3A_873 : i32 to index
        %get3A_903 = arith.constant 48 : index
        %get3A_904 = tpu.vector_load %arg8[%get3A_902, %get3A_903] {strides = array<i32>} : memref<128x64xi32, #tpu.memory_space<vmem>>, vector<16xi32>,
        %bitcast3A_905 = vector.bitcast %get3A_904 : vector<16xi32> to vector<32xbf16>
        %get3A_906 = arith.index_cast %add3A_873 : i32 to index
        %get3A_907 = arith.constant 48 : index
        %get3A_908 = tpu.vector_load %arg9[%get3A_906, %get3A_907] {strides = array<i32>} : memref<128x64xi32, #tpu.memory_space<vmem>>, vector<16xi32>,
        %bitcast3A_909 = vector.bitcast %get3A_908 : vector<16xi32> to vector<32xbf16>
        %mul3A_910 = arith.mulf %bitcast3A_905, %bitcast3A_909 : vector<32xbf16>
        %add3A_911 = arith.addf %mul3A_891, %mul3A_910 : vector<32xbf16>
        %add3A_912 = arith.addf %add3A_901, %add3A_911 : vector<32xbf16>
        %unpack3A_913 = tpu.unpack_subelements %add3A_912, 0 {pack_format = #tpu.pack_format<interleaved>} : vector<32xbf16> -> vector<16xf32>
        %unpack3A_914 = tpu.unpack_subelements %add3A_912, 1 {pack_format = #tpu.pack_format<interleaved>} : vector<32xbf16> -> vector<16xf32>
        %add3A_915 = arith.addf %unpack3A_913, %unpack3A_914 : vector<16xf32>
        %mul3A_916 = arith.constant 16 : i32
        %mul3A_917 = arith.muli %add3A_873, %mul3A_916 : i32
        %swap3A_918 = arith.index_cast %mul3A_917 : i32 to index
        %swap3A_919 = tpu.vector_load %arg12[%swap3A_918] {strides = array<i32>} : memref<2048xf32, #tpu.memory_space<vmem>>, vector<16xf32>,
        tpu.vector_store %arg12[%swap3A_918], %add3A_915 {strides = array<i32>} : memref<2048xf32, #tpu.memory_space<vmem>>, vector<16xf32>,
      }
      %scan3A_53 = arith.constant 128 : i32
      %scan3A_54 = arith.constant 0 : i32
      %scan3A_55 = arith.constant 8 : i32
      %scan3A_56 = arith.addi %scan3A_54, %scan3A_55 : i32
      %scan3A_57 = arith.constant 2 : i32
      scf.for %scan3A_93 = %scan3A_54 to %scan3A_56 step %scan3A_57  : i32 {
        %mul3A_94 = arith.constant 1 : i32
        %mul3A_95 = arith.muli %scan3A_93, %mul3A_94 : i32
        %add3A_96 = arith.constant 0 : i32
        %add3A_97 = arith.addi %add3A_96, %mul3A_95 : i32
        %mul3A_98 = arith.constant 16 : i32
        %mul3A_99 = arith.muli %add3A_97, %mul3A_98 : i32
        %iota3A = tpu.iota {dimensions = array<i32: 0>} : vector<16xi32>
        %add3A_100 = vector.broadcast %mul3A_99 : i32 to vector<16xi32>
        %add3A_101 = arith.addi %add3A_100, %iota3A : vector<16xi32>
        %mul3A_102 = arith.constant 16 : i32
        %mul3A_103 = vector.broadcast %mul3A_102 : i32 to vector<16xi32>
        %mul3A_104 = arith.muli %add3A_101, %mul3A_103 : vector<16xi32>
        %gather3A = tpu.vector_load_idx %arg12[%mul3A_104] : memref<2048xf32, #tpu.memory_space<vmem>>[vector<16xi32>], vector<16xf32>,
        %add3A_105 = arith.constant 1 : i32
        %add3A_106 = vector.broadcast %add3A_105 : i32 to vector<16xi32>
        %add3A_107 = arith.addi %mul3A_104, %add3A_106 : vector<16xi32>
        %gather3A_108 = tpu.vector_load_idx %arg12[%add3A_107] : memref<2048xf32, #tpu.memory_space<vmem>>[vector<16xi32>], vector<16xf32>,
        %add3A_109 = arith.addf %gather3A, %gather3A_108 : vector<16xf32>
        %add3A_110 = arith.constant 2 : i32
        %add3A_111 = vector.broadcast %add3A_110 : i32 to vector<16xi32>
        %add3A_112 = arith.addi %mul3A_104, %add3A_111 : vector<16xi32>
        %gather3A_113 = tpu.vector_load_idx %arg12[%add3A_112] : memref<2048xf32, #tpu.memory_space<vmem>>[vector<16xi32>], vector<16xf32>,
        %add3A_114 = arith.addf %add3A_109, %gather3A_113 : vector<16xf32>
        %add3A_115 = arith.constant 3 : i32
        %add3A_116 = vector.broadcast %add3A_115 : i32 to vector<16xi32>
        %add3A_117 = arith.addi %mul3A_104, %add3A_116 : vector<16xi32>
        %gather3A_118 = tpu.vector_load_idx %arg12[%add3A_117] : memref<2048xf32, #tpu.memory_space<vmem>>[vector<16xi32>], vector<16xf32>,
        %add3A_119 = arith.addf %add3A_114, %gather3A_118 : vector<16xf32>
        %add3A_120 = arith.constant 4 : i32
        %add3A_121 = vector.broadcast %add3A_120 : i32 to vector<16xi32>
        %add3A_122 = arith.addi %mul3A_104, %add3A_121 : vector<16xi32>
        %gather3A_123 = tpu.vector_load_idx %arg12[%add3A_122] : memref<2048xf32, #tpu.memory_space<vmem>>[vector<16xi32>], vector<16xf32>,
        %add3A_124 = arith.addf %add3A_119, %gather3A_123 : vector<16xf32>
        %add3A_125 = arith.constant 5 : i32
        %add3A_126 = vector.broadcast %add3A_125 : i32 to vector<16xi32>
        %add3A_127 = arith.addi %mul3A_104, %add3A_126 : vector<16xi32>
        %gather3A_128 = tpu.vector_load_idx %arg12[%add3A_127] : memref<2048xf32, #tpu.memory_space<vmem>>[vector<16xi32>], vector<16xf32>,
        %add3A_129 = arith.addf %add3A_124, %gather3A_128 : vector<16xf32>
        %add3A_130 = arith.constant 6 : i32
        %add3A_131 = vector.broadcast %add3A_130 : i32 to vector<16xi32>
        %add3A_132 = arith.addi %mul3A_104, %add3A_131 : vector<16xi32>
        %gather3A_133 = tpu.vector_load_idx %arg12[%add3A_132] : memref<2048xf32, #tpu.memory_space<vmem>>[vector<16xi32>], vector<16xf32>,
        %add3A_134 = arith.addf %add3A_129, %gather3A_133 : vector<16xf32>
        %add3A_135 = arith.constant 7 : i32
        %add3A_136 = vector.broadcast %add3A_135 : i32 to vector<16xi32>
        %add3A_137 = arith.addi %mul3A_104, %add3A_136 : vector<16xi32>
        %gather3A_138 = tpu.vector_load_idx %arg12[%add3A_137] : memref<2048xf32, #tpu.memory_space<vmem>>[vector<16xi32>], vector<16xf32>,
        %add3A_139 = arith.addf %add3A_134, %gather3A_138 : vector<16xf32>
        %add3A_140 = arith.constant 8 : i32
        %add3A_141 = vector.broadcast %add3A_140 : i32 to vector<16xi32>
        %add3A_142 = arith.addi %mul3A_104, %add3A_141 : vector<16xi32>
        %gather3A_143 = tpu.vector_load_idx %arg12[%add3A_142] : memref<2048xf32, #tpu.memory_space<vmem>>[vector<16xi32>], vector<16xf32>,
        %add3A_144 = arith.addf %add3A_139, %gather3A_143 : vector<16xf32>
        %add3A_145 = arith.constant 9 : i32
        %add3A_146 = vector.broadcast %add3A_145 : i32 to vector<16xi32>
        %add3A_147 = arith.addi %mul3A_104, %add3A_146 : vector<16xi32>
        %gather3A_148 = tpu.vector_load_idx %arg12[%add3A_147] : memref<2048xf32, #tpu.memory_space<vmem>>[vector<16xi32>], vector<16xf32>,
        %add3A_149 = arith.addf %add3A_144, %gather3A_148 : vector<16xf32>
        %add3A_150 = arith.constant 10 : i32
        %add3A_151 = vector.broadcast %add3A_150 : i32 to vector<16xi32>
        %add3A_152 = arith.addi %mul3A_104, %add3A_151 : vector<16xi32>
        %gather3A_153 = tpu.vector_load_idx %arg12[%add3A_152] : memref<2048xf32, #tpu.memory_space<vmem>>[vector<16xi32>], vector<16xf32>,
        %add3A_154 = arith.addf %add3A_149, %gather3A_153 : vector<16xf32>
        %add3A_155 = arith.constant 11 : i32
        %add3A_156 = vector.broadcast %add3A_155 : i32 to vector<16xi32>
        %add3A_157 = arith.addi %mul3A_104, %add3A_156 : vector<16xi32>
        %gather3A_158 = tpu.vector_load_idx %arg12[%add3A_157] : memref<2048xf32, #tpu.memory_space<vmem>>[vector<16xi32>], vector<16xf32>,
        %add3A_159 = arith.addf %add3A_154, %gather3A_158 : vector<16xf32>
        %add3A_160 = arith.constant 12 : i32
        %add3A_161 = vector.broadcast %add3A_160 : i32 to vector<16xi32>
        %add3A_162 = arith.addi %mul3A_104, %add3A_161 : vector<16xi32>
        %gather3A_163 = tpu.vector_load_idx %arg12[%add3A_162] : memref<2048xf32, #tpu.memory_space<vmem>>[vector<16xi32>], vector<16xf32>,
        %add3A_164 = arith.addf %add3A_159, %gather3A_163 : vector<16xf32>
        %add3A_165 = arith.constant 13 : i32
        %add3A_166 = vector.broadcast %add3A_165 : i32 to vector<16xi32>
        %add3A_167 = arith.addi %mul3A_104, %add3A_166 : vector<16xi32>
        %gather3A_168 = tpu.vector_load_idx %arg12[%add3A_167] : memref<2048xf32, #tpu.memory_space<vmem>>[vector<16xi32>], vector<16xf32>,
        %add3A_169 = arith.addf %add3A_164, %gather3A_168 : vector<16xf32>
        %add3A_170 = arith.constant 14 : i32
        %add3A_171 = vector.broadcast %add3A_170 : i32 to vector<16xi32>
        %add3A_172 = arith.addi %mul3A_104, %add3A_171 : vector<16xi32>
        %gather3A_173 = tpu.vector_load_idx %arg12[%add3A_172] : memref<2048xf32, #tpu.memory_space<vmem>>[vector<16xi32>], vector<16xf32>,
        %add3A_174 = arith.addf %add3A_169, %gather3A_173 : vector<16xf32>
        %add3A_175 = arith.constant 15 : i32
        %add3A_176 = vector.broadcast %add3A_175 : i32 to vector<16xi32>
        %add3A_177 = arith.addi %mul3A_104, %add3A_176 : vector<16xi32>
        %gather3A_178 = tpu.vector_load_idx %arg12[%add3A_177] : memref<2048xf32, #tpu.memory_space<vmem>>[vector<16xi32>], vector<16xf32>,
        %add3A_179 = arith.addf %add3A_174, %gather3A_178 : vector<16xf32>
        %mul3A_180 = arith.constant 16 : i32
        %mul3A_181 = arith.muli %add3A_97, %mul3A_180 : i32
        %swap3A = arith.index_cast %mul3A_181 : i32 to index
        %swap3A_182 = tpu.vector_load %arg13[%swap3A] {strides = array<i32>} : memref<128xf32, #tpu.memory_space<vmem>>, vector<16xf32>,
        tpu.vector_store %arg13[%swap3A], %add3A_179 {strides = array<i32>} : memref<128xf32, #tpu.memory_space<vmem>>, vector<16xf32>,
        %scan3A_183 = arith.constant 1 : i32
        %scan3A_184 = arith.addi %scan3A_93, %scan3A_183 : i32
        %mul3A_185 = arith.constant 1 : i32
        %mul3A_186 = arith.muli %scan3A_184, %mul3A_185 : i32
        %add3A_187 = arith.constant 0 : i32
        %add3A_188 = arith.addi %add3A_187, %mul3A_186 : i32
        %mul3A_189 = arith.constant 16 : i32
        %mul3A_190 = arith.muli %add3A_188, %mul3A_189 : i32
        %iota3A_191 = tpu.iota {dimensions = array<i32: 0>} : vector<16xi32>
        %add3A_192 = vector.broadcast %mul3A_190 : i32 to vector<16xi32>
        %add3A_193 = arith.addi %add3A_192, %iota3A_191 : vector<16xi32>
        %mul3A_194 = arith.constant 16 : i32
        %mul3A_195 = vector.broadcast %mul3A_194 : i32 to vector<16xi32>
        %mul3A_196 = arith.muli %add3A_193, %mul3A_195 : vector<16xi32>
        %gather3A_197 = tpu.vector_load_idx %arg12[%mul3A_196] : memref<2048xf32, #tpu.memory_space<vmem>>[vector<16xi32>], vector<16xf32>,
        %add3A_198 = arith.constant 1 : i32
        %add3A_199 = vector.broadcast %add3A_198 : i32 to vector<16xi32>
        %add3A_200 = arith.addi %mul3A_196, %add3A_199 : vector<16xi32>
        %gather3A_201 = tpu.vector_load_idx %arg12[%add3A_200] : memref<2048xf32, #tpu.memory_space<vmem>>[vector<16xi32>], vector<16xf32>,
        %add3A_202 = arith.addf %gather3A_197, %gather3A_201 : vector<16xf32>
        %add3A_203 = arith.constant 2 : i32
        %add3A_204 = vector.broadcast %add3A_203 : i32 to vector<16xi32>
        %add3A_205 = arith.addi %mul3A_196, %add3A_204 : vector<16xi32>
        %gather3A_206 = tpu.vector_load_idx %arg12[%add3A_205] : memref<2048xf32, #tpu.memory_space<vmem>>[vector<16xi32>], vector<16xf32>,
        %add3A_207 = arith.addf %add3A_202, %gather3A_206 : vector<16xf32>
        %add3A_208 = arith.constant 3 : i32
        %add3A_209 = vector.broadcast %add3A_208 : i32 to vector<16xi32>
        %add3A_210 = arith.addi %mul3A_196, %add3A_209 : vector<16xi32>
        %gather3A_211 = tpu.vector_load_idx %arg12[%add3A_210] : memref<2048xf32, #tpu.memory_space<vmem>>[vector<16xi32>], vector<16xf32>,
        %add3A_212 = arith.addf %add3A_207, %gather3A_211 : vector<16xf32>
        %add3A_213 = arith.constant 4 : i32
        %add3A_214 = vector.broadcast %add3A_213 : i32 to vector<16xi32>
        %add3A_215 = arith.addi %mul3A_196, %add3A_214 : vector<16xi32>
        %gather3A_216 = tpu.vector_load_idx %arg12[%add3A_215] : memref<2048xf32, #tpu.memory_space<vmem>>[vector<16xi32>], vector<16xf32>,
        %add3A_217 = arith.addf %add3A_212, %gather3A_216 : vector<16xf32>
        %add3A_218 = arith.constant 5 : i32
        %add3A_219 = vector.broadcast %add3A_218 : i32 to vector<16xi32>
        %add3A_220 = arith.addi %mul3A_196, %add3A_219 : vector<16xi32>
        %gather3A_221 = tpu.vector_load_idx %arg12[%add3A_220] : memref<2048xf32, #tpu.memory_space<vmem>>[vector<16xi32>], vector<16xf32>,
        %add3A_222 = arith.addf %add3A_217, %gather3A_221 : vector<16xf32>
        %add3A_223 = arith.constant 6 : i32
        %add3A_224 = vector.broadcast %add3A_223 : i32 to vector<16xi32>
        %add3A_225 = arith.addi %mul3A_196, %add3A_224 : vector<16xi32>
        %gather3A_226 = tpu.vector_load_idx %arg12[%add3A_225] : memref<2048xf32, #tpu.memory_space<vmem>>[vector<16xi32>], vector<16xf32>,
        %add3A_227 = arith.addf %add3A_222, %gather3A_226 : vector<16xf32>
        %add3A_228 = arith.constant 7 : i32
        %add3A_229 = vector.broadcast %add3A_228 : i32 to vector<16xi32>
        %add3A_230 = arith.addi %mul3A_196, %add3A_229 : vector<16xi32>
        %gather3A_231 = tpu.vector_load_idx %arg12[%add3A_230] : memref<2048xf32, #tpu.memory_space<vmem>>[vector<16xi32>], vector<16xf32>,
        %add3A_232 = arith.addf %add3A_227, %gather3A_231 : vector<16xf32>
        %add3A_233 = arith.constant 8 : i32
        %add3A_234 = vector.broadcast %add3A_233 : i32 to vector<16xi32>
        %add3A_235 = arith.addi %mul3A_196, %add3A_234 : vector<16xi32>
        %gather3A_236 = tpu.vector_load_idx %arg12[%add3A_235] : memref<2048xf32, #tpu.memory_space<vmem>>[vector<16xi32>], vector<16xf32>,
        %add3A_237 = arith.addf %add3A_232, %gather3A_236 : vector<16xf32>
        %add3A_238 = arith.constant 9 : i32
        %add3A_239 = vector.broadcast %add3A_238 : i32 to vector<16xi32>
        %add3A_240 = arith.addi %mul3A_196, %add3A_239 : vector<16xi32>
        %gather3A_241 = tpu.vector_load_idx %arg12[%add3A_240] : memref<2048xf32, #tpu.memory_space<vmem>>[vector<16xi32>], vector<16xf32>,
        %add3A_242 = arith.addf %add3A_237, %gather3A_241 : vector<16xf32>
        %add3A_243 = arith.constant 10 : i32
        %add3A_244 = vector.broadcast %add3A_243 : i32 to vector<16xi32>
        %add3A_245 = arith.addi %mul3A_196, %add3A_244 : vector<16xi32>
        %gather3A_246 = tpu.vector_load_idx %arg12[%add3A_245] : memref<2048xf32, #tpu.memory_space<vmem>>[vector<16xi32>], vector<16xf32>,
        %add3A_247 = arith.addf %add3A_242, %gather3A_246 : vector<16xf32>
        %add3A_248 = arith.constant 11 : i32
        %add3A_249 = vector.broadcast %add3A_248 : i32 to vector<16xi32>
        %add3A_250 = arith.addi %mul3A_196, %add3A_249 : vector<16xi32>
        %gather3A_251 = tpu.vector_load_idx %arg12[%add3A_250] : memref<2048xf32, #tpu.memory_space<vmem>>[vector<16xi32>], vector<16xf32>,
        %add3A_252 = arith.addf %add3A_247, %gather3A_251 : vector<16xf32>
        %add3A_253 = arith.constant 12 : i32
        %add3A_254 = vector.broadcast %add3A_253 : i32 to vector<16xi32>
        %add3A_255 = arith.addi %mul3A_196, %add3A_254 : vector<16xi32>
        %gather3A_256 = tpu.vector_load_idx %arg12[%add3A_255] : memref<2048xf32, #tpu.memory_space<vmem>>[vector<16xi32>], vector<16xf32>,
        %add3A_257 = arith.addf %add3A_252, %gather3A_256 : vector<16xf32>
        %add3A_258 = arith.constant 13 : i32
        %add3A_259 = vector.broadcast %add3A_258 : i32 to vector<16xi32>
        %add3A_260 = arith.addi %mul3A_196, %add3A_259 : vector<16xi32>
        %gather3A_261 = tpu.vector_load_idx %arg12[%add3A_260] : memref<2048xf32, #tpu.memory_space<vmem>>[vector<16xi32>], vector<16xf32>,
        %add3A_262 = arith.addf %add3A_257, %gather3A_261 : vector<16xf32>
        %add3A_263 = arith.constant 14 : i32
        %add3A_264 = vector.broadcast %add3A_263 : i32 to vector<16xi32>
        %add3A_265 = arith.addi %mul3A_196, %add3A_264 : vector<16xi32>
        %gather3A_266 = tpu.vector_load_idx %arg12[%add3A_265] : memref<2048xf32, #tpu.memory_space<vmem>>[vector<16xi32>], vector<16xf32>,
        %add3A_267 = arith.addf %add3A_262, %gather3A_266 : vector<16xf32>
        %add3A_268 = arith.constant 15 : i32
        %add3A_269 = vector.broadcast %add3A_268 : i32 to vector<16xi32>
        %add3A_270 = arith.addi %mul3A_196, %add3A_269 : vector<16xi32>
        %gather3A_271 = tpu.vector_load_idx %arg12[%add3A_270] : memref<2048xf32, #tpu.memory_space<vmem>>[vector<16xi32>], vector<16xf32>,
        %add3A_272 = arith.addf %add3A_267, %gather3A_271 : vector<16xf32>
        %mul3A_273 = arith.constant 16 : i32
        %mul3A_274 = arith.muli %add3A_188, %mul3A_273 : i32
        %swap3A_275 = arith.index_cast %mul3A_274 : i32 to index
        %swap3A_276 = tpu.vector_load %arg13[%swap3A_275] {strides = array<i32>} : memref<128xf32, #tpu.memory_space<vmem>>, vector<16xf32>,
        tpu.vector_store %arg13[%swap3A_275], %add3A_272 {strides = array<i32>} : memref<128xf32, #tpu.memory_space<vmem>>, vector<16xf32>,
      }
      %scan3A_58 = arith.constant 8 : i32
      %mul3A_59 = arith.constant 128 : i32
      %mul3A_60 = arith.muli %add3A_37, %mul3A_59 : i32
      %add3A_61 = arith.addi %mul3A_2, %mul3A_60 : i32
      "tpu.region"() ({
        %run_scoped3A = tpu.sem_alloc : memref<!tpu.dma_semaphore, #tpu.memory_space<semaphore_mem>>
        %dma_start3A_93 = tpu.memref_slice %arg5[%add3A_61] : memref<524288xf32, #tpu.memory_space<hbm>> -> memref<128xf32, #tpu.memory_space<hbm>>
        %dma_start3A_94 = tpu.memref_slice %arg5[%add3A_61] : memref<524288xf32, #tpu.memory_space<hbm>> -> memref<128xf32, #tpu.memory_space<hbm>>
        tpu.enqueue_dma source(%arg13 : memref<128xf32, #tpu.memory_space<vmem>>) target(%dma_start3A_94 : memref<128xf32, #tpu.memory_space<hbm>>) target_semaphore(%run_scoped3A : memref<!tpu.dma_semaphore, #tpu.memory_space<semaphore_mem>>)
        %dma_wait3A_95 = tpu.memref_slice %arg5[%add3A_61] : memref<524288xf32, #tpu.memory_space<hbm>> -> memref<128xf32, #tpu.memory_space<hbm>>
        %dma_wait3A_96 = tpu.memref_slice %arg5[%add3A_61] : memref<524288xf32, #tpu.memory_space<hbm>> -> memref<128xf32, #tpu.memory_space<hbm>>
        tpu.wait_dma2 semaphore(%run_scoped3A : memref<!tpu.dma_semaphore, #tpu.memory_space<semaphore_mem>>) src(%arg13 : memref<128xf32, #tpu.memory_space<vmem>>) dst(%dma_wait3A_96 : memref<128xf32, #tpu.memory_space<hbm>>)
        tpu.yield
      }) : () -> ()
      %add3A_62 = arith.constant 2 : i32
      %add3A_63 = arith.addi %add3A_37, %add3A_62 : i32
      %lt3A = arith.constant 128 : i32
      %lt3A_64 = arith.cmpi slt, %add3A_63, %lt3A : i32
      %convert_element_type3A = arith.extui %lt3A_64 : i1 to i32
      %cond3A = arith.constant 0 : i32
      %cond3A_65 = arith.cmpi ne, %convert_element_type3A, %cond3A : i32
      scf.if %cond3A_65 {
        %mul3A_93 = arith.constant 128 : i32
        %mul3A_94 = arith.muli %add3A_63, %mul3A_93 : i32
        %dma_start3A_95 = tpu.memref_slice %arg6[%mul3A_94] : memref<16384xi32, #tpu.memory_space<vmem>> -> memref<128xi32, #tpu.memory_space<vmem>>
        %dma_start3A_96 = arith.constant 0 : i32
        %dma_start3A_97 = arith.constant 0 : i32
        %dma_start3A_98 = tpu.memref_slice %arg2[%dma_start3A_96, %dma_start3A_97] : memref<100000x64xi32, #tpu.memory_space<hbm>> -> memref<100000x64xi32, #tpu.memory_space<hbm>>
        tpu.enqueue_indirect_dma source(%dma_start3A_98 : memref<100000x64xi32, #tpu.memory_space<hbm>>) target(%arg8 : memref<128x64xi32, #tpu.memory_space<vmem>>) offsets(%dma_start3A_95 : memref<128xi32, #tpu.memory_space<vmem>>) semaphore(%arg14 : memref<!tpu.dma_semaphore, #tpu.memory_space<semaphore_mem>>)
        %mul3A_99 = arith.constant 128 : i32
        %mul3A_100 = arith.muli %add3A_63, %mul3A_99 : i32
        %dma_start3A_101 = tpu.memref_slice %arg7[%mul3A_100] : memref<16384xi32, #tpu.memory_space<vmem>> -> memref<128xi32, #tpu.memory_space<vmem>>
        %dma_start3A_102 = arith.constant 0 : i32
        %dma_start3A_103 = arith.constant 0 : i32
        %dma_start3A_104 = tpu.memref_slice %arg2[%dma_start3A_102, %dma_start3A_103] : memref<100000x64xi32, #tpu.memory_space<hbm>> -> memref<100000x64xi32, #tpu.memory_space<hbm>>
        tpu.enqueue_indirect_dma source(%dma_start3A_104 : memref<100000x64xi32, #tpu.memory_space<hbm>>) target(%arg9 : memref<128x64xi32, #tpu.memory_space<vmem>>) offsets(%dma_start3A_101 : memref<128xi32, #tpu.memory_space<vmem>>) semaphore(%arg14 : memref<!tpu.dma_semaphore, #tpu.memory_space<semaphore_mem>>)
      } else {
      }
      %add3A_66 = arith.constant 1 : i32
      %add3A_67 = arith.addi %add3A_20, %add3A_66 : i32
      %mul3A_68 = arith.constant 128 : i32
      %mul3A_69 = arith.muli %add3A_67, %mul3A_68 : i32
      %dma_wait3A_70 = tpu.memref_slice %arg6[%mul3A_69] : memref<16384xi32, #tpu.memory_space<vmem>> -> memref<128xi32, #tpu.memory_space<vmem>>
      %dma_wait3A_71 = arith.constant 0 : i32
      %dma_wait3A_72 = arith.constant 0 : i32
      %dma_wait3A_73 = tpu.memref_slice %arg2[%dma_wait3A_71, %dma_wait3A_72] : memref<100000x64xi32, #tpu.memory_space<hbm>> -> memref<100000x64xi32, #tpu.memory_space<hbm>>
      tpu.wait_indirect_dma semaphore(%arg15 : memref<!tpu.dma_semaphore, #tpu.memory_space<semaphore_mem>>) src(%dma_wait3A_73 : memref<100000x64xi32, #tpu.memory_space<hbm>>) dst(%arg10 : memref<128x64xi32, #tpu.memory_space<vmem>>)
      %mul3A_74 = arith.constant 128 : i32
      %mul3A_75 = arith.muli %add3A_67, %mul3A_74 : i32
      %dma_wait3A_76 = tpu.memref_slice %arg7[%mul3A_75] : memref<16384xi32, #tpu.memory_space<vmem>> -> memref<128xi32, #tpu.memory_space<vmem>>
      %dma_wait3A_77 = arith.constant 0 : i32
      %dma_wait3A_78 = arith.constant 0 : i32
      %dma_wait3A_79 = tpu.memref_slice %arg2[%dma_wait3A_77, %dma_wait3A_78] : memref<100000x64xi32, #tpu.memory_space<hbm>> -> memref<100000x64xi32, #tpu.memory_space<hbm>>
      tpu.wait_indirect_dma semaphore(%arg15 : memref<!tpu.dma_semaphore, #tpu.memory_space<semaphore_mem>>) src(%dma_wait3A_79 : memref<100000x64xi32, #tpu.memory_space<hbm>>) dst(%arg11 : memref<128x64xi32, #tpu.memory_space<vmem>>)
      %scan3A_80 = arith.constant 0 : i32
      %scan3A_81 = arith.constant 128 : i32
      %scan3A_82 = arith.addi %scan3A_80, %scan3A_81 : i32
      %scan3A_83 = arith.constant 16 : i32
      scf.for %scan3A_93 = %scan3A_80 to %scan3A_82 step %scan3A_83  : i32 {
        %mul3A_94 = arith.constant 1 : i32
        %mul3A_95 = arith.muli %scan3A_93, %mul3A_94 : i32
        %add3A_96 = arith.constant 0 : i32
        %add3A_97 = arith.addi %add3A_96, %mul3A_95 : i32
        %get3A = arith.index_cast %add3A_97 : i32 to index
        %get3A_98 = arith.constant 0 : index
        %get3A_99 = tpu.vector_load %arg10[%get3A, %get3A_98] {strides = array<i32>} : memref<128x64xi32, #tpu.memory_space<vmem>>, vector<16xi32>,
        %bitcast3A = vector.bitcast %get3A_99 : vector<16xi32> to vector<32xbf16>
        %get3A_100 = arith.index_cast %add3A_97 : i32 to index
        %get3A_101 = arith.constant 0 : index
        %get3A_102 = tpu.vector_load %arg11[%get3A_100, %get3A_101] {strides = array<i32>} : memref<128x64xi32, #tpu.memory_space<vmem>>, vector<16xi32>,
        %bitcast3A_103 = vector.bitcast %get3A_102 : vector<16xi32> to vector<32xbf16>
        %mul3A_104 = arith.mulf %bitcast3A, %bitcast3A_103 : vector<32xbf16>
        %get3A_105 = arith.index_cast %add3A_97 : i32 to index
        %get3A_106 = arith.constant 16 : index
        %get3A_107 = tpu.vector_load %arg10[%get3A_105, %get3A_106] {strides = array<i32>} : memref<128x64xi32, #tpu.memory_space<vmem>>, vector<16xi32>,
        %bitcast3A_108 = vector.bitcast %get3A_107 : vector<16xi32> to vector<32xbf16>
        %get3A_109 = arith.index_cast %add3A_97 : i32 to index
        %get3A_110 = arith.constant 16 : index
        %get3A_111 = tpu.vector_load %arg11[%get3A_109, %get3A_110] {strides = array<i32>} : memref<128x64xi32, #tpu.memory_space<vmem>>, vector<16xi32>,
        %bitcast3A_112 = vector.bitcast %get3A_111 : vector<16xi32> to vector<32xbf16>
        %mul3A_113 = arith.mulf %bitcast3A_108, %bitcast3A_112 : vector<32xbf16>
        %get3A_114 = arith.index_cast %add3A_97 : i32 to index
        %get3A_115 = arith.constant 32 : index
        %get3A_116 = tpu.vector_load %arg10[%get3A_114, %get3A_115] {strides = array<i32>} : memref<128x64xi32, #tpu.memory_space<vmem>>, vector<16xi32>,
        %bitcast3A_117 = vector.bitcast %get3A_116 : vector<16xi32> to vector<32xbf16>
        %get3A_118 = arith.index_cast %add3A_97 : i32 to index
        %get3A_119 = arith.constant 32 : index
        %get3A_120 = tpu.vector_load %arg11[%get3A_118, %get3A_119] {strides = array<i32>} : memref<128x64xi32, #tpu.memory_space<vmem>>, vector<16xi32>,
        %bitcast3A_121 = vector.bitcast %get3A_120 : vector<16xi32> to vector<32xbf16>
        %mul3A_122 = arith.mulf %bitcast3A_117, %bitcast3A_121 : vector<32xbf16>
        %add3A_123 = arith.addf %mul3A_104, %mul3A_122 : vector<32xbf16>
        %get3A_124 = arith.index_cast %add3A_97 : i32 to index
        %get3A_125 = arith.constant 48 : index
        %get3A_126 = tpu.vector_load %arg10[%get3A_124, %get3A_125] {strides = array<i32>} : memref<128x64xi32, #tpu.memory_space<vmem>>, vector<16xi32>,
        %bitcast3A_127 = vector.bitcast %get3A_126 : vector<16xi32> to vector<32xbf16>
        %get3A_128 = arith.index_cast %add3A_97 : i32 to index
        %get3A_129 = arith.constant 48 : index
        %get3A_130 = tpu.vector_load %arg11[%get3A_128, %get3A_129] {strides = array<i32>} : memref<128x64xi32, #tpu.memory_space<vmem>>, vector<16xi32>,
        %bitcast3A_131 = vector.bitcast %get3A_130 : vector<16xi32> to vector<32xbf16>
        %mul3A_132 = arith.mulf %bitcast3A_127, %bitcast3A_131 : vector<32xbf16>
        %add3A_133 = arith.addf %mul3A_113, %mul3A_132 : vector<32xbf16>
        %add3A_134 = arith.addf %add3A_123, %add3A_133 : vector<32xbf16>
        %unpack3A = tpu.unpack_subelements %add3A_134, 0 {pack_format = #tpu.pack_format<interleaved>} : vector<32xbf16> -> vector<16xf32>
        %unpack3A_135 = tpu.unpack_subelements %add3A_134, 1 {pack_format = #tpu.pack_format<interleaved>} : vector<32xbf16> -> vector<16xf32>
        %add3A_136 = arith.addf %unpack3A, %unpack3A_135 : vector<16xf32>
        %mul3A_137 = arith.constant 16 : i32
        %mul3A_138 = arith.muli %add3A_97, %mul3A_137 : i32
        %swap3A = arith.index_cast %mul3A_138 : i32 to index
        %swap3A_139 = tpu.vector_load %arg12[%swap3A] {strides = array<i32>} : memref<2048xf32, #tpu.memory_space<vmem>>, vector<16xf32>,
        tpu.vector_store %arg12[%swap3A], %add3A_136 {strides = array<i32>} : memref<2048xf32, #tpu.memory_space<vmem>>, vector<16xf32>,
        %scan3A_140 = arith.constant 1 : i32
        %scan3A_141 = arith.addi %scan3A_93, %scan3A_140 : i32
        %mul3A_142 = arith.constant 1 : i32
        %mul3A_143 = arith.muli %scan3A_141, %mul3A_142 : i32
        %add3A_144 = arith.constant 0 : i32
        %add3A_145 = arith.addi %add3A_144, %mul3A_143 : i32
        %get3A_146 = arith.index_cast %add3A_145 : i32 to index
        %get3A_147 = arith.constant 0 : index
        %get3A_148 = tpu.vector_load %arg10[%get3A_146, %get3A_147] {strides = array<i32>} : memref<128x64xi32, #tpu.memory_space<vmem>>, vector<16xi32>,
        %bitcast3A_149 = vector.bitcast %get3A_148 : vector<16xi32> to vector<32xbf16>
        %get3A_150 = arith.index_cast %add3A_145 : i32 to index
        %get3A_151 = arith.constant 0 : index
        %get3A_152 = tpu.vector_load %arg11[%get3A_150, %get3A_151] {strides = array<i32>} : memref<128x64xi32, #tpu.memory_space<vmem>>, vector<16xi32>,
        %bitcast3A_153 = vector.bitcast %get3A_152 : vector<16xi32> to vector<32xbf16>
        %mul3A_154 = arith.mulf %bitcast3A_149, %bitcast3A_153 : vector<32xbf16>
        %get3A_155 = arith.index_cast %add3A_145 : i32 to index
        %get3A_156 = arith.constant 16 : index
        %get3A_157 = tpu.vector_load %arg10[%get3A_155, %get3A_156] {strides = array<i32>} : memref<128x64xi32, #tpu.memory_space<vmem>>, vector<16xi32>,
        %bitcast3A_158 = vector.bitcast %get3A_157 : vector<16xi32> to vector<32xbf16>
        %get3A_159 = arith.index_cast %add3A_145 : i32 to index
        %get3A_160 = arith.constant 16 : index
        %get3A_161 = tpu.vector_load %arg11[%get3A_159, %get3A_160] {strides = array<i32>} : memref<128x64xi32, #tpu.memory_space<vmem>>, vector<16xi32>,
        %bitcast3A_162 = vector.bitcast %get3A_161 : vector<16xi32> to vector<32xbf16>
        %mul3A_163 = arith.mulf %bitcast3A_158, %bitcast3A_162 : vector<32xbf16>
        %get3A_164 = arith.index_cast %add3A_145 : i32 to index
        %get3A_165 = arith.constant 32 : index
        %get3A_166 = tpu.vector_load %arg10[%get3A_164, %get3A_165] {strides = array<i32>} : memref<128x64xi32, #tpu.memory_space<vmem>>, vector<16xi32>,
        %bitcast3A_167 = vector.bitcast %get3A_166 : vector<16xi32> to vector<32xbf16>
        %get3A_168 = arith.index_cast %add3A_145 : i32 to index
        %get3A_169 = arith.constant 32 : index
        %get3A_170 = tpu.vector_load %arg11[%get3A_168, %get3A_169] {strides = array<i32>} : memref<128x64xi32, #tpu.memory_space<vmem>>, vector<16xi32>,
        %bitcast3A_171 = vector.bitcast %get3A_170 : vector<16xi32> to vector<32xbf16>
        %mul3A_172 = arith.mulf %bitcast3A_167, %bitcast3A_171 : vector<32xbf16>
        %add3A_173 = arith.addf %mul3A_154, %mul3A_172 : vector<32xbf16>
        %get3A_174 = arith.index_cast %add3A_145 : i32 to index
        %get3A_175 = arith.constant 48 : index
        %get3A_176 = tpu.vector_load %arg10[%get3A_174, %get3A_175] {strides = array<i32>} : memref<128x64xi32, #tpu.memory_space<vmem>>, vector<16xi32>,
        %bitcast3A_177 = vector.bitcast %get3A_176 : vector<16xi32> to vector<32xbf16>
        %get3A_178 = arith.index_cast %add3A_145 : i32 to index
        %get3A_179 = arith.constant 48 : index
        %get3A_180 = tpu.vector_load %arg11[%get3A_178, %get3A_179] {strides = array<i32>} : memref<128x64xi32, #tpu.memory_space<vmem>>, vector<16xi32>,
        %bitcast3A_181 = vector.bitcast %get3A_180 : vector<16xi32> to vector<32xbf16>
        %mul3A_182 = arith.mulf %bitcast3A_177, %bitcast3A_181 : vector<32xbf16>
        %add3A_183 = arith.addf %mul3A_163, %mul3A_182 : vector<32xbf16>
        %add3A_184 = arith.addf %add3A_173, %add3A_183 : vector<32xbf16>
        %unpack3A_185 = tpu.unpack_subelements %add3A_184, 0 {pack_format = #tpu.pack_format<interleaved>} : vector<32xbf16> -> vector<16xf32>
        %unpack3A_186 = tpu.unpack_subelements %add3A_184, 1 {pack_format = #tpu.pack_format<interleaved>} : vector<32xbf16> -> vector<16xf32>
        %add3A_187 = arith.addf %unpack3A_185, %unpack3A_186 : vector<16xf32>
        %mul3A_188 = arith.constant 16 : i32
        %mul3A_189 = arith.muli %add3A_145, %mul3A_188 : i32
        %swap3A_190 = arith.index_cast %mul3A_189 : i32 to index
        %swap3A_191 = tpu.vector_load %arg12[%swap3A_190] {strides = array<i32>} : memref<2048xf32, #tpu.memory_space<vmem>>, vector<16xf32>,
        tpu.vector_store %arg12[%swap3A_190], %add3A_187 {strides = array<i32>} : memref<2048xf32, #tpu.memory_space<vmem>>, vector<16xf32>,
        %scan3A_192 = arith.constant 2 : i32
        %scan3A_193 = arith.addi %scan3A_93, %scan3A_192 : i32
        %mul3A_194 = arith.constant 1 : i32
        %mul3A_195 = arith.muli %scan3A_193, %mul3A_194 : i32
        %add3A_196 = arith.constant 0 : i32
        %add3A_197 = arith.addi %add3A_196, %mul3A_195 : i32
        %get3A_198 = arith.index_cast %add3A_197 : i32 to index
        %get3A_199 = arith.constant 0 : index
        %get3A_200 = tpu.vector_load %arg10[%get3A_198, %get3A_199] {strides = array<i32>} : memref<128x64xi32, #tpu.memory_space<vmem>>, vector<16xi32>,
        %bitcast3A_201 = vector.bitcast %get3A_200 : vector<16xi32> to vector<32xbf16>
        %get3A_202 = arith.index_cast %add3A_197 : i32 to index
        %get3A_203 = arith.constant 0 : index
        %get3A_204 = tpu.vector_load %arg11[%get3A_202, %get3A_203] {strides = array<i32>} : memref<128x64xi32, #tpu.memory_space<vmem>>, vector<16xi32>,
        %bitcast3A_205 = vector.bitcast %get3A_204 : vector<16xi32> to vector<32xbf16>
        %mul3A_206 = arith.mulf %bitcast3A_201, %bitcast3A_205 : vector<32xbf16>
        %get3A_207 = arith.index_cast %add3A_197 : i32 to index
        %get3A_208 = arith.constant 16 : index
        %get3A_209 = tpu.vector_load %arg10[%get3A_207, %get3A_208] {strides = array<i32>} : memref<128x64xi32, #tpu.memory_space<vmem>>, vector<16xi32>,
        %bitcast3A_210 = vector.bitcast %get3A_209 : vector<16xi32> to vector<32xbf16>
        %get3A_211 = arith.index_cast %add3A_197 : i32 to index
        %get3A_212 = arith.constant 16 : index
        %get3A_213 = tpu.vector_load %arg11[%get3A_211, %get3A_212] {strides = array<i32>} : memref<128x64xi32, #tpu.memory_space<vmem>>, vector<16xi32>,
        %bitcast3A_214 = vector.bitcast %get3A_213 : vector<16xi32> to vector<32xbf16>
        %mul3A_215 = arith.mulf %bitcast3A_210, %bitcast3A_214 : vector<32xbf16>
        %get3A_216 = arith.index_cast %add3A_197 : i32 to index
        %get3A_217 = arith.constant 32 : index
        %get3A_218 = tpu.vector_load %arg10[%get3A_216, %get3A_217] {strides = array<i32>} : memref<128x64xi32, #tpu.memory_space<vmem>>, vector<16xi32>,
        %bitcast3A_219 = vector.bitcast %get3A_218 : vector<16xi32> to vector<32xbf16>
        %get3A_220 = arith.index_cast %add3A_197 : i32 to index
        %get3A_221 = arith.constant 32 : index
        %get3A_222 = tpu.vector_load %arg11[%get3A_220, %get3A_221] {strides = array<i32>} : memref<128x64xi32, #tpu.memory_space<vmem>>, vector<16xi32>,
        %bitcast3A_223 = vector.bitcast %get3A_222 : vector<16xi32> to vector<32xbf16>
        %mul3A_224 = arith.mulf %bitcast3A_219, %bitcast3A_223 : vector<32xbf16>
        %add3A_225 = arith.addf %mul3A_206, %mul3A_224 : vector<32xbf16>
        %get3A_226 = arith.index_cast %add3A_197 : i32 to index
        %get3A_227 = arith.constant 48 : index
        %get3A_228 = tpu.vector_load %arg10[%get3A_226, %get3A_227] {strides = array<i32>} : memref<128x64xi32, #tpu.memory_space<vmem>>, vector<16xi32>,
        %bitcast3A_229 = vector.bitcast %get3A_228 : vector<16xi32> to vector<32xbf16>
        %get3A_230 = arith.index_cast %add3A_197 : i32 to index
        %get3A_231 = arith.constant 48 : index
        %get3A_232 = tpu.vector_load %arg11[%get3A_230, %get3A_231] {strides = array<i32>} : memref<128x64xi32, #tpu.memory_space<vmem>>, vector<16xi32>,
        %bitcast3A_233 = vector.bitcast %get3A_232 : vector<16xi32> to vector<32xbf16>
        %mul3A_234 = arith.mulf %bitcast3A_229, %bitcast3A_233 : vector<32xbf16>
        %add3A_235 = arith.addf %mul3A_215, %mul3A_234 : vector<32xbf16>
        %add3A_236 = arith.addf %add3A_225, %add3A_235 : vector<32xbf16>
        %unpack3A_237 = tpu.unpack_subelements %add3A_236, 0 {pack_format = #tpu.pack_format<interleaved>} : vector<32xbf16> -> vector<16xf32>
        %unpack3A_238 = tpu.unpack_subelements %add3A_236, 1 {pack_format = #tpu.pack_format<interleaved>} : vector<32xbf16> -> vector<16xf32>
        %add3A_239 = arith.addf %unpack3A_237, %unpack3A_238 : vector<16xf32>
        %mul3A_240 = arith.constant 16 : i32
        %mul3A_241 = arith.muli %add3A_197, %mul3A_240 : i32
        %swap3A_242 = arith.index_cast %mul3A_241 : i32 to index
        %swap3A_243 = tpu.vector_load %arg12[%swap3A_242] {strides = array<i32>} : memref<2048xf32, #tpu.memory_space<vmem>>, vector<16xf32>,
        tpu.vector_store %arg12[%swap3A_242], %add3A_239 {strides = array<i32>} : memref<2048xf32, #tpu.memory_space<vmem>>, vector<16xf32>,
        %scan3A_244 = arith.constant 3 : i32
        %scan3A_245 = arith.addi %scan3A_93, %scan3A_244 : i32
        %mul3A_246 = arith.constant 1 : i32
        %mul3A_247 = arith.muli %scan3A_245, %mul3A_246 : i32
        %add3A_248 = arith.constant 0 : i32
        %add3A_249 = arith.addi %add3A_248, %mul3A_247 : i32
        %get3A_250 = arith.index_cast %add3A_249 : i32 to index
        %get3A_251 = arith.constant 0 : index
        %get3A_252 = tpu.vector_load %arg10[%get3A_250, %get3A_251] {strides = array<i32>} : memref<128x64xi32, #tpu.memory_space<vmem>>, vector<16xi32>,
        %bitcast3A_253 = vector.bitcast %get3A_252 : vector<16xi32> to vector<32xbf16>
        %get3A_254 = arith.index_cast %add3A_249 : i32 to index
        %get3A_255 = arith.constant 0 : index
        %get3A_256 = tpu.vector_load %arg11[%get3A_254, %get3A_255] {strides = array<i32>} : memref<128x64xi32, #tpu.memory_space<vmem>>, vector<16xi32>,
        %bitcast3A_257 = vector.bitcast %get3A_256 : vector<16xi32> to vector<32xbf16>
        %mul3A_258 = arith.mulf %bitcast3A_253, %bitcast3A_257 : vector<32xbf16>
        %get3A_259 = arith.index_cast %add3A_249 : i32 to index
        %get3A_260 = arith.constant 16 : index
        %get3A_261 = tpu.vector_load %arg10[%get3A_259, %get3A_260] {strides = array<i32>} : memref<128x64xi32, #tpu.memory_space<vmem>>, vector<16xi32>,
        %bitcast3A_262 = vector.bitcast %get3A_261 : vector<16xi32> to vector<32xbf16>
        %get3A_263 = arith.index_cast %add3A_249 : i32 to index
        %get3A_264 = arith.constant 16 : index
        %get3A_265 = tpu.vector_load %arg11[%get3A_263, %get3A_264] {strides = array<i32>} : memref<128x64xi32, #tpu.memory_space<vmem>>, vector<16xi32>,
        %bitcast3A_266 = vector.bitcast %get3A_265 : vector<16xi32> to vector<32xbf16>
        %mul3A_267 = arith.mulf %bitcast3A_262, %bitcast3A_266 : vector<32xbf16>
        %get3A_268 = arith.index_cast %add3A_249 : i32 to index
        %get3A_269 = arith.constant 32 : index
        %get3A_270 = tpu.vector_load %arg10[%get3A_268, %get3A_269] {strides = array<i32>} : memref<128x64xi32, #tpu.memory_space<vmem>>, vector<16xi32>,
        %bitcast3A_271 = vector.bitcast %get3A_270 : vector<16xi32> to vector<32xbf16>
        %get3A_272 = arith.index_cast %add3A_249 : i32 to index
        %get3A_273 = arith.constant 32 : index
        %get3A_274 = tpu.vector_load %arg11[%get3A_272, %get3A_273] {strides = array<i32>} : memref<128x64xi32, #tpu.memory_space<vmem>>, vector<16xi32>,
        %bitcast3A_275 = vector.bitcast %get3A_274 : vector<16xi32> to vector<32xbf16>
        %mul3A_276 = arith.mulf %bitcast3A_271, %bitcast3A_275 : vector<32xbf16>
        %add3A_277 = arith.addf %mul3A_258, %mul3A_276 : vector<32xbf16>
        %get3A_278 = arith.index_cast %add3A_249 : i32 to index
        %get3A_279 = arith.constant 48 : index
        %get3A_280 = tpu.vector_load %arg10[%get3A_278, %get3A_279] {strides = array<i32>} : memref<128x64xi32, #tpu.memory_space<vmem>>, vector<16xi32>,
        %bitcast3A_281 = vector.bitcast %get3A_280 : vector<16xi32> to vector<32xbf16>
        %get3A_282 = arith.index_cast %add3A_249 : i32 to index
        %get3A_283 = arith.constant 48 : index
        %get3A_284 = tpu.vector_load %arg11[%get3A_282, %get3A_283] {strides = array<i32>} : memref<128x64xi32, #tpu.memory_space<vmem>>, vector<16xi32>,
        %bitcast3A_285 = vector.bitcast %get3A_284 : vector<16xi32> to vector<32xbf16>
        %mul3A_286 = arith.mulf %bitcast3A_281, %bitcast3A_285 : vector<32xbf16>
        %add3A_287 = arith.addf %mul3A_267, %mul3A_286 : vector<32xbf16>
        %add3A_288 = arith.addf %add3A_277, %add3A_287 : vector<32xbf16>
        %unpack3A_289 = tpu.unpack_subelements %add3A_288, 0 {pack_format = #tpu.pack_format<interleaved>} : vector<32xbf16> -> vector<16xf32>
        %unpack3A_290 = tpu.unpack_subelements %add3A_288, 1 {pack_format = #tpu.pack_format<interleaved>} : vector<32xbf16> -> vector<16xf32>
        %add3A_291 = arith.addf %unpack3A_289, %unpack3A_290 : vector<16xf32>
        %mul3A_292 = arith.constant 16 : i32
        %mul3A_293 = arith.muli %add3A_249, %mul3A_292 : i32
        %swap3A_294 = arith.index_cast %mul3A_293 : i32 to index
        %swap3A_295 = tpu.vector_load %arg12[%swap3A_294] {strides = array<i32>} : memref<2048xf32, #tpu.memory_space<vmem>>, vector<16xf32>,
        tpu.vector_store %arg12[%swap3A_294], %add3A_291 {strides = array<i32>} : memref<2048xf32, #tpu.memory_space<vmem>>, vector<16xf32>,
        %scan3A_296 = arith.constant 4 : i32
        %scan3A_297 = arith.addi %scan3A_93, %scan3A_296 : i32
        %mul3A_298 = arith.constant 1 : i32
        %mul3A_299 = arith.muli %scan3A_297, %mul3A_298 : i32
        %add3A_300 = arith.constant 0 : i32
        %add3A_301 = arith.addi %add3A_300, %mul3A_299 : i32
        %get3A_302 = arith.index_cast %add3A_301 : i32 to index
        %get3A_303 = arith.constant 0 : index
        %get3A_304 = tpu.vector_load %arg10[%get3A_302, %get3A_303] {strides = array<i32>} : memref<128x64xi32, #tpu.memory_space<vmem>>, vector<16xi32>,
        %bitcast3A_305 = vector.bitcast %get3A_304 : vector<16xi32> to vector<32xbf16>
        %get3A_306 = arith.index_cast %add3A_301 : i32 to index
        %get3A_307 = arith.constant 0 : index
        %get3A_308 = tpu.vector_load %arg11[%get3A_306, %get3A_307] {strides = array<i32>} : memref<128x64xi32, #tpu.memory_space<vmem>>, vector<16xi32>,
        %bitcast3A_309 = vector.bitcast %get3A_308 : vector<16xi32> to vector<32xbf16>
        %mul3A_310 = arith.mulf %bitcast3A_305, %bitcast3A_309 : vector<32xbf16>
        %get3A_311 = arith.index_cast %add3A_301 : i32 to index
        %get3A_312 = arith.constant 16 : index
        %get3A_313 = tpu.vector_load %arg10[%get3A_311, %get3A_312] {strides = array<i32>} : memref<128x64xi32, #tpu.memory_space<vmem>>, vector<16xi32>,
        %bitcast3A_314 = vector.bitcast %get3A_313 : vector<16xi32> to vector<32xbf16>
        %get3A_315 = arith.index_cast %add3A_301 : i32 to index
        %get3A_316 = arith.constant 16 : index
        %get3A_317 = tpu.vector_load %arg11[%get3A_315, %get3A_316] {strides = array<i32>} : memref<128x64xi32, #tpu.memory_space<vmem>>, vector<16xi32>,
        %bitcast3A_318 = vector.bitcast %get3A_317 : vector<16xi32> to vector<32xbf16>
        %mul3A_319 = arith.mulf %bitcast3A_314, %bitcast3A_318 : vector<32xbf16>
        %get3A_320 = arith.index_cast %add3A_301 : i32 to index
        %get3A_321 = arith.constant 32 : index
        %get3A_322 = tpu.vector_load %arg10[%get3A_320, %get3A_321] {strides = array<i32>} : memref<128x64xi32, #tpu.memory_space<vmem>>, vector<16xi32>,
        %bitcast3A_323 = vector.bitcast %get3A_322 : vector<16xi32> to vector<32xbf16>
        %get3A_324 = arith.index_cast %add3A_301 : i32 to index
        %get3A_325 = arith.constant 32 : index
        %get3A_326 = tpu.vector_load %arg11[%get3A_324, %get3A_325] {strides = array<i32>} : memref<128x64xi32, #tpu.memory_space<vmem>>, vector<16xi32>,
        %bitcast3A_327 = vector.bitcast %get3A_326 : vector<16xi32> to vector<32xbf16>
        %mul3A_328 = arith.mulf %bitcast3A_323, %bitcast3A_327 : vector<32xbf16>
        %add3A_329 = arith.addf %mul3A_310, %mul3A_328 : vector<32xbf16>
        %get3A_330 = arith.index_cast %add3A_301 : i32 to index
        %get3A_331 = arith.constant 48 : index
        %get3A_332 = tpu.vector_load %arg10[%get3A_330, %get3A_331] {strides = array<i32>} : memref<128x64xi32, #tpu.memory_space<vmem>>, vector<16xi32>,
        %bitcast3A_333 = vector.bitcast %get3A_332 : vector<16xi32> to vector<32xbf16>
        %get3A_334 = arith.index_cast %add3A_301 : i32 to index
        %get3A_335 = arith.constant 48 : index
        %get3A_336 = tpu.vector_load %arg11[%get3A_334, %get3A_335] {strides = array<i32>} : memref<128x64xi32, #tpu.memory_space<vmem>>, vector<16xi32>,
        %bitcast3A_337 = vector.bitcast %get3A_336 : vector<16xi32> to vector<32xbf16>
        %mul3A_338 = arith.mulf %bitcast3A_333, %bitcast3A_337 : vector<32xbf16>
        %add3A_339 = arith.addf %mul3A_319, %mul3A_338 : vector<32xbf16>
        %add3A_340 = arith.addf %add3A_329, %add3A_339 : vector<32xbf16>
        %unpack3A_341 = tpu.unpack_subelements %add3A_340, 0 {pack_format = #tpu.pack_format<interleaved>} : vector<32xbf16> -> vector<16xf32>
        %unpack3A_342 = tpu.unpack_subelements %add3A_340, 1 {pack_format = #tpu.pack_format<interleaved>} : vector<32xbf16> -> vector<16xf32>
        %add3A_343 = arith.addf %unpack3A_341, %unpack3A_342 : vector<16xf32>
        %mul3A_344 = arith.constant 16 : i32
        %mul3A_345 = arith.muli %add3A_301, %mul3A_344 : i32
        %swap3A_346 = arith.index_cast %mul3A_345 : i32 to index
        %swap3A_347 = tpu.vector_load %arg12[%swap3A_346] {strides = array<i32>} : memref<2048xf32, #tpu.memory_space<vmem>>, vector<16xf32>,
        tpu.vector_store %arg12[%swap3A_346], %add3A_343 {strides = array<i32>} : memref<2048xf32, #tpu.memory_space<vmem>>, vector<16xf32>,
        %scan3A_348 = arith.constant 5 : i32
        %scan3A_349 = arith.addi %scan3A_93, %scan3A_348 : i32
        %mul3A_350 = arith.constant 1 : i32
        %mul3A_351 = arith.muli %scan3A_349, %mul3A_350 : i32
        %add3A_352 = arith.constant 0 : i32
        %add3A_353 = arith.addi %add3A_352, %mul3A_351 : i32
        %get3A_354 = arith.index_cast %add3A_353 : i32 to index
        %get3A_355 = arith.constant 0 : index
        %get3A_356 = tpu.vector_load %arg10[%get3A_354, %get3A_355] {strides = array<i32>} : memref<128x64xi32, #tpu.memory_space<vmem>>, vector<16xi32>,
        %bitcast3A_357 = vector.bitcast %get3A_356 : vector<16xi32> to vector<32xbf16>
        %get3A_358 = arith.index_cast %add3A_353 : i32 to index
        %get3A_359 = arith.constant 0 : index
        %get3A_360 = tpu.vector_load %arg11[%get3A_358, %get3A_359] {strides = array<i32>} : memref<128x64xi32, #tpu.memory_space<vmem>>, vector<16xi32>,
        %bitcast3A_361 = vector.bitcast %get3A_360 : vector<16xi32> to vector<32xbf16>
        %mul3A_362 = arith.mulf %bitcast3A_357, %bitcast3A_361 : vector<32xbf16>
        %get3A_363 = arith.index_cast %add3A_353 : i32 to index
        %get3A_364 = arith.constant 16 : index
        %get3A_365 = tpu.vector_load %arg10[%get3A_363, %get3A_364] {strides = array<i32>} : memref<128x64xi32, #tpu.memory_space<vmem>>, vector<16xi32>,
        %bitcast3A_366 = vector.bitcast %get3A_365 : vector<16xi32> to vector<32xbf16>
        %get3A_367 = arith.index_cast %add3A_353 : i32 to index
        %get3A_368 = arith.constant 16 : index
        %get3A_369 = tpu.vector_load %arg11[%get3A_367, %get3A_368] {strides = array<i32>} : memref<128x64xi32, #tpu.memory_space<vmem>>, vector<16xi32>,
        %bitcast3A_370 = vector.bitcast %get3A_369 : vector<16xi32> to vector<32xbf16>
        %mul3A_371 = arith.mulf %bitcast3A_366, %bitcast3A_370 : vector<32xbf16>
        %get3A_372 = arith.index_cast %add3A_353 : i32 to index
        %get3A_373 = arith.constant 32 : index
        %get3A_374 = tpu.vector_load %arg10[%get3A_372, %get3A_373] {strides = array<i32>} : memref<128x64xi32, #tpu.memory_space<vmem>>, vector<16xi32>,
        %bitcast3A_375 = vector.bitcast %get3A_374 : vector<16xi32> to vector<32xbf16>
        %get3A_376 = arith.index_cast %add3A_353 : i32 to index
        %get3A_377 = arith.constant 32 : index
        %get3A_378 = tpu.vector_load %arg11[%get3A_376, %get3A_377] {strides = array<i32>} : memref<128x64xi32, #tpu.memory_space<vmem>>, vector<16xi32>,
        %bitcast3A_379 = vector.bitcast %get3A_378 : vector<16xi32> to vector<32xbf16>
        %mul3A_380 = arith.mulf %bitcast3A_375, %bitcast3A_379 : vector<32xbf16>
        %add3A_381 = arith.addf %mul3A_362, %mul3A_380 : vector<32xbf16>
        %get3A_382 = arith.index_cast %add3A_353 : i32 to index
        %get3A_383 = arith.constant 48 : index
        %get3A_384 = tpu.vector_load %arg10[%get3A_382, %get3A_383] {strides = array<i32>} : memref<128x64xi32, #tpu.memory_space<vmem>>, vector<16xi32>,
        %bitcast3A_385 = vector.bitcast %get3A_384 : vector<16xi32> to vector<32xbf16>
        %get3A_386 = arith.index_cast %add3A_353 : i32 to index
        %get3A_387 = arith.constant 48 : index
        %get3A_388 = tpu.vector_load %arg11[%get3A_386, %get3A_387] {strides = array<i32>} : memref<128x64xi32, #tpu.memory_space<vmem>>, vector<16xi32>,
        %bitcast3A_389 = vector.bitcast %get3A_388 : vector<16xi32> to vector<32xbf16>
        %mul3A_390 = arith.mulf %bitcast3A_385, %bitcast3A_389 : vector<32xbf16>
        %add3A_391 = arith.addf %mul3A_371, %mul3A_390 : vector<32xbf16>
        %add3A_392 = arith.addf %add3A_381, %add3A_391 : vector<32xbf16>
        %unpack3A_393 = tpu.unpack_subelements %add3A_392, 0 {pack_format = #tpu.pack_format<interleaved>} : vector<32xbf16> -> vector<16xf32>
        %unpack3A_394 = tpu.unpack_subelements %add3A_392, 1 {pack_format = #tpu.pack_format<interleaved>} : vector<32xbf16> -> vector<16xf32>
        %add3A_395 = arith.addf %unpack3A_393, %unpack3A_394 : vector<16xf32>
        %mul3A_396 = arith.constant 16 : i32
        %mul3A_397 = arith.muli %add3A_353, %mul3A_396 : i32
        %swap3A_398 = arith.index_cast %mul3A_397 : i32 to index
        %swap3A_399 = tpu.vector_load %arg12[%swap3A_398] {strides = array<i32>} : memref<2048xf32, #tpu.memory_space<vmem>>, vector<16xf32>,
        tpu.vector_store %arg12[%swap3A_398], %add3A_395 {strides = array<i32>} : memref<2048xf32, #tpu.memory_space<vmem>>, vector<16xf32>,
        %scan3A_400 = arith.constant 6 : i32
        %scan3A_401 = arith.addi %scan3A_93, %scan3A_400 : i32
        %mul3A_402 = arith.constant 1 : i32
        %mul3A_403 = arith.muli %scan3A_401, %mul3A_402 : i32
        %add3A_404 = arith.constant 0 : i32
        %add3A_405 = arith.addi %add3A_404, %mul3A_403 : i32
        %get3A_406 = arith.index_cast %add3A_405 : i32 to index
        %get3A_407 = arith.constant 0 : index
        %get3A_408 = tpu.vector_load %arg10[%get3A_406, %get3A_407] {strides = array<i32>} : memref<128x64xi32, #tpu.memory_space<vmem>>, vector<16xi32>,
        %bitcast3A_409 = vector.bitcast %get3A_408 : vector<16xi32> to vector<32xbf16>
        %get3A_410 = arith.index_cast %add3A_405 : i32 to index
        %get3A_411 = arith.constant 0 : index
        %get3A_412 = tpu.vector_load %arg11[%get3A_410, %get3A_411] {strides = array<i32>} : memref<128x64xi32, #tpu.memory_space<vmem>>, vector<16xi32>,
        %bitcast3A_413 = vector.bitcast %get3A_412 : vector<16xi32> to vector<32xbf16>
        %mul3A_414 = arith.mulf %bitcast3A_409, %bitcast3A_413 : vector<32xbf16>
        %get3A_415 = arith.index_cast %add3A_405 : i32 to index
        %get3A_416 = arith.constant 16 : index
        %get3A_417 = tpu.vector_load %arg10[%get3A_415, %get3A_416] {strides = array<i32>} : memref<128x64xi32, #tpu.memory_space<vmem>>, vector<16xi32>,
        %bitcast3A_418 = vector.bitcast %get3A_417 : vector<16xi32> to vector<32xbf16>
        %get3A_419 = arith.index_cast %add3A_405 : i32 to index
        %get3A_420 = arith.constant 16 : index
        %get3A_421 = tpu.vector_load %arg11[%get3A_419, %get3A_420] {strides = array<i32>} : memref<128x64xi32, #tpu.memory_space<vmem>>, vector<16xi32>,
        %bitcast3A_422 = vector.bitcast %get3A_421 : vector<16xi32> to vector<32xbf16>
        %mul3A_423 = arith.mulf %bitcast3A_418, %bitcast3A_422 : vector<32xbf16>
        %get3A_424 = arith.index_cast %add3A_405 : i32 to index
        %get3A_425 = arith.constant 32 : index
        %get3A_426 = tpu.vector_load %arg10[%get3A_424, %get3A_425] {strides = array<i32>} : memref<128x64xi32, #tpu.memory_space<vmem>>, vector<16xi32>,
        %bitcast3A_427 = vector.bitcast %get3A_426 : vector<16xi32> to vector<32xbf16>
        %get3A_428 = arith.index_cast %add3A_405 : i32 to index
        %get3A_429 = arith.constant 32 : index
        %get3A_430 = tpu.vector_load %arg11[%get3A_428, %get3A_429] {strides = array<i32>} : memref<128x64xi32, #tpu.memory_space<vmem>>, vector<16xi32>,
        %bitcast3A_431 = vector.bitcast %get3A_430 : vector<16xi32> to vector<32xbf16>
        %mul3A_432 = arith.mulf %bitcast3A_427, %bitcast3A_431 : vector<32xbf16>
        %add3A_433 = arith.addf %mul3A_414, %mul3A_432 : vector<32xbf16>
        %get3A_434 = arith.index_cast %add3A_405 : i32 to index
        %get3A_435 = arith.constant 48 : index
        %get3A_436 = tpu.vector_load %arg10[%get3A_434, %get3A_435] {strides = array<i32>} : memref<128x64xi32, #tpu.memory_space<vmem>>, vector<16xi32>,
        %bitcast3A_437 = vector.bitcast %get3A_436 : vector<16xi32> to vector<32xbf16>
        %get3A_438 = arith.index_cast %add3A_405 : i32 to index
        %get3A_439 = arith.constant 48 : index
        %get3A_440 = tpu.vector_load %arg11[%get3A_438, %get3A_439] {strides = array<i32>} : memref<128x64xi32, #tpu.memory_space<vmem>>, vector<16xi32>,
        %bitcast3A_441 = vector.bitcast %get3A_440 : vector<16xi32> to vector<32xbf16>
        %mul3A_442 = arith.mulf %bitcast3A_437, %bitcast3A_441 : vector<32xbf16>
        %add3A_443 = arith.addf %mul3A_423, %mul3A_442 : vector<32xbf16>
        %add3A_444 = arith.addf %add3A_433, %add3A_443 : vector<32xbf16>
        %unpack3A_445 = tpu.unpack_subelements %add3A_444, 0 {pack_format = #tpu.pack_format<interleaved>} : vector<32xbf16> -> vector<16xf32>
        %unpack3A_446 = tpu.unpack_subelements %add3A_444, 1 {pack_format = #tpu.pack_format<interleaved>} : vector<32xbf16> -> vector<16xf32>
        %add3A_447 = arith.addf %unpack3A_445, %unpack3A_446 : vector<16xf32>
        %mul3A_448 = arith.constant 16 : i32
        %mul3A_449 = arith.muli %add3A_405, %mul3A_448 : i32
        %swap3A_450 = arith.index_cast %mul3A_449 : i32 to index
        %swap3A_451 = tpu.vector_load %arg12[%swap3A_450] {strides = array<i32>} : memref<2048xf32, #tpu.memory_space<vmem>>, vector<16xf32>,
        tpu.vector_store %arg12[%swap3A_450], %add3A_447 {strides = array<i32>} : memref<2048xf32, #tpu.memory_space<vmem>>, vector<16xf32>,
        %scan3A_452 = arith.constant 7 : i32
        %scan3A_453 = arith.addi %scan3A_93, %scan3A_452 : i32
        %mul3A_454 = arith.constant 1 : i32
        %mul3A_455 = arith.muli %scan3A_453, %mul3A_454 : i32
        %add3A_456 = arith.constant 0 : i32
        %add3A_457 = arith.addi %add3A_456, %mul3A_455 : i32
        %get3A_458 = arith.index_cast %add3A_457 : i32 to index
        %get3A_459 = arith.constant 0 : index
        %get3A_460 = tpu.vector_load %arg10[%get3A_458, %get3A_459] {strides = array<i32>} : memref<128x64xi32, #tpu.memory_space<vmem>>, vector<16xi32>,
        %bitcast3A_461 = vector.bitcast %get3A_460 : vector<16xi32> to vector<32xbf16>
        %get3A_462 = arith.index_cast %add3A_457 : i32 to index
        %get3A_463 = arith.constant 0 : index
        %get3A_464 = tpu.vector_load %arg11[%get3A_462, %get3A_463] {strides = array<i32>} : memref<128x64xi32, #tpu.memory_space<vmem>>, vector<16xi32>,
        %bitcast3A_465 = vector.bitcast %get3A_464 : vector<16xi32> to vector<32xbf16>
        %mul3A_466 = arith.mulf %bitcast3A_461, %bitcast3A_465 : vector<32xbf16>
        %get3A_467 = arith.index_cast %add3A_457 : i32 to index
        %get3A_468 = arith.constant 16 : index
        %get3A_469 = tpu.vector_load %arg10[%get3A_467, %get3A_468] {strides = array<i32>} : memref<128x64xi32, #tpu.memory_space<vmem>>, vector<16xi32>,
        %bitcast3A_470 = vector.bitcast %get3A_469 : vector<16xi32> to vector<32xbf16>
        %get3A_471 = arith.index_cast %add3A_457 : i32 to index
        %get3A_472 = arith.constant 16 : index
        %get3A_473 = tpu.vector_load %arg11[%get3A_471, %get3A_472] {strides = array<i32>} : memref<128x64xi32, #tpu.memory_space<vmem>>, vector<16xi32>,
        %bitcast3A_474 = vector.bitcast %get3A_473 : vector<16xi32> to vector<32xbf16>
        %mul3A_475 = arith.mulf %bitcast3A_470, %bitcast3A_474 : vector<32xbf16>
        %get3A_476 = arith.index_cast %add3A_457 : i32 to index
        %get3A_477 = arith.constant 32 : index
        %get3A_478 = tpu.vector_load %arg10[%get3A_476, %get3A_477] {strides = array<i32>} : memref<128x64xi32, #tpu.memory_space<vmem>>, vector<16xi32>,
        %bitcast3A_479 = vector.bitcast %get3A_478 : vector<16xi32> to vector<32xbf16>
        %get3A_480 = arith.index_cast %add3A_457 : i32 to index
        %get3A_481 = arith.constant 32 : index
        %get3A_482 = tpu.vector_load %arg11[%get3A_480, %get3A_481] {strides = array<i32>} : memref<128x64xi32, #tpu.memory_space<vmem>>, vector<16xi32>,
        %bitcast3A_483 = vector.bitcast %get3A_482 : vector<16xi32> to vector<32xbf16>
        %mul3A_484 = arith.mulf %bitcast3A_479, %bitcast3A_483 : vector<32xbf16>
        %add3A_485 = arith.addf %mul3A_466, %mul3A_484 : vector<32xbf16>
        %get3A_486 = arith.index_cast %add3A_457 : i32 to index
        %get3A_487 = arith.constant 48 : index
        %get3A_488 = tpu.vector_load %arg10[%get3A_486, %get3A_487] {strides = array<i32>} : memref<128x64xi32, #tpu.memory_space<vmem>>, vector<16xi32>,
        %bitcast3A_489 = vector.bitcast %get3A_488 : vector<16xi32> to vector<32xbf16>
        %get3A_490 = arith.index_cast %add3A_457 : i32 to index
        %get3A_491 = arith.constant 48 : index
        %get3A_492 = tpu.vector_load %arg11[%get3A_490, %get3A_491] {strides = array<i32>} : memref<128x64xi32, #tpu.memory_space<vmem>>, vector<16xi32>,
        %bitcast3A_493 = vector.bitcast %get3A_492 : vector<16xi32> to vector<32xbf16>
        %mul3A_494 = arith.mulf %bitcast3A_489, %bitcast3A_493 : vector<32xbf16>
        %add3A_495 = arith.addf %mul3A_475, %mul3A_494 : vector<32xbf16>
        %add3A_496 = arith.addf %add3A_485, %add3A_495 : vector<32xbf16>
        %unpack3A_497 = tpu.unpack_subelements %add3A_496, 0 {pack_format = #tpu.pack_format<interleaved>} : vector<32xbf16> -> vector<16xf32>
        %unpack3A_498 = tpu.unpack_subelements %add3A_496, 1 {pack_format = #tpu.pack_format<interleaved>} : vector<32xbf16> -> vector<16xf32>
        %add3A_499 = arith.addf %unpack3A_497, %unpack3A_498 : vector<16xf32>
        %mul3A_500 = arith.constant 16 : i32
        %mul3A_501 = arith.muli %add3A_457, %mul3A_500 : i32
        %swap3A_502 = arith.index_cast %mul3A_501 : i32 to index
        %swap3A_503 = tpu.vector_load %arg12[%swap3A_502] {strides = array<i32>} : memref<2048xf32, #tpu.memory_space<vmem>>, vector<16xf32>,
        tpu.vector_store %arg12[%swap3A_502], %add3A_499 {strides = array<i32>} : memref<2048xf32, #tpu.memory_space<vmem>>, vector<16xf32>,
        %scan3A_504 = arith.constant 8 : i32
        %scan3A_505 = arith.addi %scan3A_93, %scan3A_504 : i32
        %mul3A_506 = arith.constant 1 : i32
        %mul3A_507 = arith.muli %scan3A_505, %mul3A_506 : i32
        %add3A_508 = arith.constant 0 : i32
        %add3A_509 = arith.addi %add3A_508, %mul3A_507 : i32
        %get3A_510 = arith.index_cast %add3A_509 : i32 to index
        %get3A_511 = arith.constant 0 : index
        %get3A_512 = tpu.vector_load %arg10[%get3A_510, %get3A_511] {strides = array<i32>} : memref<128x64xi32, #tpu.memory_space<vmem>>, vector<16xi32>,
        %bitcast3A_513 = vector.bitcast %get3A_512 : vector<16xi32> to vector<32xbf16>
        %get3A_514 = arith.index_cast %add3A_509 : i32 to index
        %get3A_515 = arith.constant 0 : index
        %get3A_516 = tpu.vector_load %arg11[%get3A_514, %get3A_515] {strides = array<i32>} : memref<128x64xi32, #tpu.memory_space<vmem>>, vector<16xi32>,
        %bitcast3A_517 = vector.bitcast %get3A_516 : vector<16xi32> to vector<32xbf16>
        %mul3A_518 = arith.mulf %bitcast3A_513, %bitcast3A_517 : vector<32xbf16>
        %get3A_519 = arith.index_cast %add3A_509 : i32 to index
        %get3A_520 = arith.constant 16 : index
        %get3A_521 = tpu.vector_load %arg10[%get3A_519, %get3A_520] {strides = array<i32>} : memref<128x64xi32, #tpu.memory_space<vmem>>, vector<16xi32>,
        %bitcast3A_522 = vector.bitcast %get3A_521 : vector<16xi32> to vector<32xbf16>
        %get3A_523 = arith.index_cast %add3A_509 : i32 to index
        %get3A_524 = arith.constant 16 : index
        %get3A_525 = tpu.vector_load %arg11[%get3A_523, %get3A_524] {strides = array<i32>} : memref<128x64xi32, #tpu.memory_space<vmem>>, vector<16xi32>,
        %bitcast3A_526 = vector.bitcast %get3A_525 : vector<16xi32> to vector<32xbf16>
        %mul3A_527 = arith.mulf %bitcast3A_522, %bitcast3A_526 : vector<32xbf16>
        %get3A_528 = arith.index_cast %add3A_509 : i32 to index
        %get3A_529 = arith.constant 32 : index
        %get3A_530 = tpu.vector_load %arg10[%get3A_528, %get3A_529] {strides = array<i32>} : memref<128x64xi32, #tpu.memory_space<vmem>>, vector<16xi32>,
        %bitcast3A_531 = vector.bitcast %get3A_530 : vector<16xi32> to vector<32xbf16>
        %get3A_532 = arith.index_cast %add3A_509 : i32 to index
        %get3A_533 = arith.constant 32 : index
        %get3A_534 = tpu.vector_load %arg11[%get3A_532, %get3A_533] {strides = array<i32>} : memref<128x64xi32, #tpu.memory_space<vmem>>, vector<16xi32>,
        %bitcast3A_535 = vector.bitcast %get3A_534 : vector<16xi32> to vector<32xbf16>
        %mul3A_536 = arith.mulf %bitcast3A_531, %bitcast3A_535 : vector<32xbf16>
        %add3A_537 = arith.addf %mul3A_518, %mul3A_536 : vector<32xbf16>
        %get3A_538 = arith.index_cast %add3A_509 : i32 to index
        %get3A_539 = arith.constant 48 : index
        %get3A_540 = tpu.vector_load %arg10[%get3A_538, %get3A_539] {strides = array<i32>} : memref<128x64xi32, #tpu.memory_space<vmem>>, vector<16xi32>,
        %bitcast3A_541 = vector.bitcast %get3A_540 : vector<16xi32> to vector<32xbf16>
        %get3A_542 = arith.index_cast %add3A_509 : i32 to index
        %get3A_543 = arith.constant 48 : index
        %get3A_544 = tpu.vector_load %arg11[%get3A_542, %get3A_543] {strides = array<i32>} : memref<128x64xi32, #tpu.memory_space<vmem>>, vector<16xi32>,
        %bitcast3A_545 = vector.bitcast %get3A_544 : vector<16xi32> to vector<32xbf16>
        %mul3A_546 = arith.mulf %bitcast3A_541, %bitcast3A_545 : vector<32xbf16>
        %add3A_547 = arith.addf %mul3A_527, %mul3A_546 : vector<32xbf16>
        %add3A_548 = arith.addf %add3A_537, %add3A_547 : vector<32xbf16>
        %unpack3A_549 = tpu.unpack_subelements %add3A_548, 0 {pack_format = #tpu.pack_format<interleaved>} : vector<32xbf16> -> vector<16xf32>
        %unpack3A_550 = tpu.unpack_subelements %add3A_548, 1 {pack_format = #tpu.pack_format<interleaved>} : vector<32xbf16> -> vector<16xf32>
        %add3A_551 = arith.addf %unpack3A_549, %unpack3A_550 : vector<16xf32>
        %mul3A_552 = arith.constant 16 : i32
        %mul3A_553 = arith.muli %add3A_509, %mul3A_552 : i32
        %swap3A_554 = arith.index_cast %mul3A_553 : i32 to index
        %swap3A_555 = tpu.vector_load %arg12[%swap3A_554] {strides = array<i32>} : memref<2048xf32, #tpu.memory_space<vmem>>, vector<16xf32>,
        tpu.vector_store %arg12[%swap3A_554], %add3A_551 {strides = array<i32>} : memref<2048xf32, #tpu.memory_space<vmem>>, vector<16xf32>,
        %scan3A_556 = arith.constant 9 : i32
        %scan3A_557 = arith.addi %scan3A_93, %scan3A_556 : i32
        %mul3A_558 = arith.constant 1 : i32
        %mul3A_559 = arith.muli %scan3A_557, %mul3A_558 : i32
        %add3A_560 = arith.constant 0 : i32
        %add3A_561 = arith.addi %add3A_560, %mul3A_559 : i32
        %get3A_562 = arith.index_cast %add3A_561 : i32 to index
        %get3A_563 = arith.constant 0 : index
        %get3A_564 = tpu.vector_load %arg10[%get3A_562, %get3A_563] {strides = array<i32>} : memref<128x64xi32, #tpu.memory_space<vmem>>, vector<16xi32>,
        %bitcast3A_565 = vector.bitcast %get3A_564 : vector<16xi32> to vector<32xbf16>
        %get3A_566 = arith.index_cast %add3A_561 : i32 to index
        %get3A_567 = arith.constant 0 : index
        %get3A_568 = tpu.vector_load %arg11[%get3A_566, %get3A_567] {strides = array<i32>} : memref<128x64xi32, #tpu.memory_space<vmem>>, vector<16xi32>,
        %bitcast3A_569 = vector.bitcast %get3A_568 : vector<16xi32> to vector<32xbf16>
        %mul3A_570 = arith.mulf %bitcast3A_565, %bitcast3A_569 : vector<32xbf16>
        %get3A_571 = arith.index_cast %add3A_561 : i32 to index
        %get3A_572 = arith.constant 16 : index
        %get3A_573 = tpu.vector_load %arg10[%get3A_571, %get3A_572] {strides = array<i32>} : memref<128x64xi32, #tpu.memory_space<vmem>>, vector<16xi32>,
        %bitcast3A_574 = vector.bitcast %get3A_573 : vector<16xi32> to vector<32xbf16>
        %get3A_575 = arith.index_cast %add3A_561 : i32 to index
        %get3A_576 = arith.constant 16 : index
        %get3A_577 = tpu.vector_load %arg11[%get3A_575, %get3A_576] {strides = array<i32>} : memref<128x64xi32, #tpu.memory_space<vmem>>, vector<16xi32>,
        %bitcast3A_578 = vector.bitcast %get3A_577 : vector<16xi32> to vector<32xbf16>
        %mul3A_579 = arith.mulf %bitcast3A_574, %bitcast3A_578 : vector<32xbf16>
        %get3A_580 = arith.index_cast %add3A_561 : i32 to index
        %get3A_581 = arith.constant 32 : index
        %get3A_582 = tpu.vector_load %arg10[%get3A_580, %get3A_581] {strides = array<i32>} : memref<128x64xi32, #tpu.memory_space<vmem>>, vector<16xi32>,
        %bitcast3A_583 = vector.bitcast %get3A_582 : vector<16xi32> to vector<32xbf16>
        %get3A_584 = arith.index_cast %add3A_561 : i32 to index
        %get3A_585 = arith.constant 32 : index
        %get3A_586 = tpu.vector_load %arg11[%get3A_584, %get3A_585] {strides = array<i32>} : memref<128x64xi32, #tpu.memory_space<vmem>>, vector<16xi32>,
        %bitcast3A_587 = vector.bitcast %get3A_586 : vector<16xi32> to vector<32xbf16>
        %mul3A_588 = arith.mulf %bitcast3A_583, %bitcast3A_587 : vector<32xbf16>
        %add3A_589 = arith.addf %mul3A_570, %mul3A_588 : vector<32xbf16>
        %get3A_590 = arith.index_cast %add3A_561 : i32 to index
        %get3A_591 = arith.constant 48 : index
        %get3A_592 = tpu.vector_load %arg10[%get3A_590, %get3A_591] {strides = array<i32>} : memref<128x64xi32, #tpu.memory_space<vmem>>, vector<16xi32>,
        %bitcast3A_593 = vector.bitcast %get3A_592 : vector<16xi32> to vector<32xbf16>
        %get3A_594 = arith.index_cast %add3A_561 : i32 to index
        %get3A_595 = arith.constant 48 : index
        %get3A_596 = tpu.vector_load %arg11[%get3A_594, %get3A_595] {strides = array<i32>} : memref<128x64xi32, #tpu.memory_space<vmem>>, vector<16xi32>,
        %bitcast3A_597 = vector.bitcast %get3A_596 : vector<16xi32> to vector<32xbf16>
        %mul3A_598 = arith.mulf %bitcast3A_593, %bitcast3A_597 : vector<32xbf16>
        %add3A_599 = arith.addf %mul3A_579, %mul3A_598 : vector<32xbf16>
        %add3A_600 = arith.addf %add3A_589, %add3A_599 : vector<32xbf16>
        %unpack3A_601 = tpu.unpack_subelements %add3A_600, 0 {pack_format = #tpu.pack_format<interleaved>} : vector<32xbf16> -> vector<16xf32>
        %unpack3A_602 = tpu.unpack_subelements %add3A_600, 1 {pack_format = #tpu.pack_format<interleaved>} : vector<32xbf16> -> vector<16xf32>
        %add3A_603 = arith.addf %unpack3A_601, %unpack3A_602 : vector<16xf32>
        %mul3A_604 = arith.constant 16 : i32
        %mul3A_605 = arith.muli %add3A_561, %mul3A_604 : i32
        %swap3A_606 = arith.index_cast %mul3A_605 : i32 to index
        %swap3A_607 = tpu.vector_load %arg12[%swap3A_606] {strides = array<i32>} : memref<2048xf32, #tpu.memory_space<vmem>>, vector<16xf32>,
        tpu.vector_store %arg12[%swap3A_606], %add3A_603 {strides = array<i32>} : memref<2048xf32, #tpu.memory_space<vmem>>, vector<16xf32>,
        %scan3A_608 = arith.constant 10 : i32
        %scan3A_609 = arith.addi %scan3A_93, %scan3A_608 : i32
        %mul3A_610 = arith.constant 1 : i32
        %mul3A_611 = arith.muli %scan3A_609, %mul3A_610 : i32
        %add3A_612 = arith.constant 0 : i32
        %add3A_613 = arith.addi %add3A_612, %mul3A_611 : i32
        %get3A_614 = arith.index_cast %add3A_613 : i32 to index
        %get3A_615 = arith.constant 0 : index
        %get3A_616 = tpu.vector_load %arg10[%get3A_614, %get3A_615] {strides = array<i32>} : memref<128x64xi32, #tpu.memory_space<vmem>>, vector<16xi32>,
        %bitcast3A_617 = vector.bitcast %get3A_616 : vector<16xi32> to vector<32xbf16>
        %get3A_618 = arith.index_cast %add3A_613 : i32 to index
        %get3A_619 = arith.constant 0 : index
        %get3A_620 = tpu.vector_load %arg11[%get3A_618, %get3A_619] {strides = array<i32>} : memref<128x64xi32, #tpu.memory_space<vmem>>, vector<16xi32>,
        %bitcast3A_621 = vector.bitcast %get3A_620 : vector<16xi32> to vector<32xbf16>
        %mul3A_622 = arith.mulf %bitcast3A_617, %bitcast3A_621 : vector<32xbf16>
        %get3A_623 = arith.index_cast %add3A_613 : i32 to index
        %get3A_624 = arith.constant 16 : index
        %get3A_625 = tpu.vector_load %arg10[%get3A_623, %get3A_624] {strides = array<i32>} : memref<128x64xi32, #tpu.memory_space<vmem>>, vector<16xi32>,
        %bitcast3A_626 = vector.bitcast %get3A_625 : vector<16xi32> to vector<32xbf16>
        %get3A_627 = arith.index_cast %add3A_613 : i32 to index
        %get3A_628 = arith.constant 16 : index
        %get3A_629 = tpu.vector_load %arg11[%get3A_627, %get3A_628] {strides = array<i32>} : memref<128x64xi32, #tpu.memory_space<vmem>>, vector<16xi32>,
        %bitcast3A_630 = vector.bitcast %get3A_629 : vector<16xi32> to vector<32xbf16>
        %mul3A_631 = arith.mulf %bitcast3A_626, %bitcast3A_630 : vector<32xbf16>
        %get3A_632 = arith.index_cast %add3A_613 : i32 to index
        %get3A_633 = arith.constant 32 : index
        %get3A_634 = tpu.vector_load %arg10[%get3A_632, %get3A_633] {strides = array<i32>} : memref<128x64xi32, #tpu.memory_space<vmem>>, vector<16xi32>,
        %bitcast3A_635 = vector.bitcast %get3A_634 : vector<16xi32> to vector<32xbf16>
        %get3A_636 = arith.index_cast %add3A_613 : i32 to index
        %get3A_637 = arith.constant 32 : index
        %get3A_638 = tpu.vector_load %arg11[%get3A_636, %get3A_637] {strides = array<i32>} : memref<128x64xi32, #tpu.memory_space<vmem>>, vector<16xi32>,
        %bitcast3A_639 = vector.bitcast %get3A_638 : vector<16xi32> to vector<32xbf16>
        %mul3A_640 = arith.mulf %bitcast3A_635, %bitcast3A_639 : vector<32xbf16>
        %add3A_641 = arith.addf %mul3A_622, %mul3A_640 : vector<32xbf16>
        %get3A_642 = arith.index_cast %add3A_613 : i32 to index
        %get3A_643 = arith.constant 48 : index
        %get3A_644 = tpu.vector_load %arg10[%get3A_642, %get3A_643] {strides = array<i32>} : memref<128x64xi32, #tpu.memory_space<vmem>>, vector<16xi32>,
        %bitcast3A_645 = vector.bitcast %get3A_644 : vector<16xi32> to vector<32xbf16>
        %get3A_646 = arith.index_cast %add3A_613 : i32 to index
        %get3A_647 = arith.constant 48 : index
        %get3A_648 = tpu.vector_load %arg11[%get3A_646, %get3A_647] {strides = array<i32>} : memref<128x64xi32, #tpu.memory_space<vmem>>, vector<16xi32>,
        %bitcast3A_649 = vector.bitcast %get3A_648 : vector<16xi32> to vector<32xbf16>
        %mul3A_650 = arith.mulf %bitcast3A_645, %bitcast3A_649 : vector<32xbf16>
        %add3A_651 = arith.addf %mul3A_631, %mul3A_650 : vector<32xbf16>
        %add3A_652 = arith.addf %add3A_641, %add3A_651 : vector<32xbf16>
        %unpack3A_653 = tpu.unpack_subelements %add3A_652, 0 {pack_format = #tpu.pack_format<interleaved>} : vector<32xbf16> -> vector<16xf32>
        %unpack3A_654 = tpu.unpack_subelements %add3A_652, 1 {pack_format = #tpu.pack_format<interleaved>} : vector<32xbf16> -> vector<16xf32>
        %add3A_655 = arith.addf %unpack3A_653, %unpack3A_654 : vector<16xf32>
        %mul3A_656 = arith.constant 16 : i32
        %mul3A_657 = arith.muli %add3A_613, %mul3A_656 : i32
        %swap3A_658 = arith.index_cast %mul3A_657 : i32 to index
        %swap3A_659 = tpu.vector_load %arg12[%swap3A_658] {strides = array<i32>} : memref<2048xf32, #tpu.memory_space<vmem>>, vector<16xf32>,
        tpu.vector_store %arg12[%swap3A_658], %add3A_655 {strides = array<i32>} : memref<2048xf32, #tpu.memory_space<vmem>>, vector<16xf32>,
        %scan3A_660 = arith.constant 11 : i32
        %scan3A_661 = arith.addi %scan3A_93, %scan3A_660 : i32
        %mul3A_662 = arith.constant 1 : i32
        %mul3A_663 = arith.muli %scan3A_661, %mul3A_662 : i32
        %add3A_664 = arith.constant 0 : i32
        %add3A_665 = arith.addi %add3A_664, %mul3A_663 : i32
        %get3A_666 = arith.index_cast %add3A_665 : i32 to index
        %get3A_667 = arith.constant 0 : index
        %get3A_668 = tpu.vector_load %arg10[%get3A_666, %get3A_667] {strides = array<i32>} : memref<128x64xi32, #tpu.memory_space<vmem>>, vector<16xi32>,
        %bitcast3A_669 = vector.bitcast %get3A_668 : vector<16xi32> to vector<32xbf16>
        %get3A_670 = arith.index_cast %add3A_665 : i32 to index
        %get3A_671 = arith.constant 0 : index
        %get3A_672 = tpu.vector_load %arg11[%get3A_670, %get3A_671] {strides = array<i32>} : memref<128x64xi32, #tpu.memory_space<vmem>>, vector<16xi32>,
        %bitcast3A_673 = vector.bitcast %get3A_672 : vector<16xi32> to vector<32xbf16>
        %mul3A_674 = arith.mulf %bitcast3A_669, %bitcast3A_673 : vector<32xbf16>
        %get3A_675 = arith.index_cast %add3A_665 : i32 to index
        %get3A_676 = arith.constant 16 : index
        %get3A_677 = tpu.vector_load %arg10[%get3A_675, %get3A_676] {strides = array<i32>} : memref<128x64xi32, #tpu.memory_space<vmem>>, vector<16xi32>,
        %bitcast3A_678 = vector.bitcast %get3A_677 : vector<16xi32> to vector<32xbf16>
        %get3A_679 = arith.index_cast %add3A_665 : i32 to index
        %get3A_680 = arith.constant 16 : index
        %get3A_681 = tpu.vector_load %arg11[%get3A_679, %get3A_680] {strides = array<i32>} : memref<128x64xi32, #tpu.memory_space<vmem>>, vector<16xi32>,
        %bitcast3A_682 = vector.bitcast %get3A_681 : vector<16xi32> to vector<32xbf16>
        %mul3A_683 = arith.mulf %bitcast3A_678, %bitcast3A_682 : vector<32xbf16>
        %get3A_684 = arith.index_cast %add3A_665 : i32 to index
        %get3A_685 = arith.constant 32 : index
        %get3A_686 = tpu.vector_load %arg10[%get3A_684, %get3A_685] {strides = array<i32>} : memref<128x64xi32, #tpu.memory_space<vmem>>, vector<16xi32>,
        %bitcast3A_687 = vector.bitcast %get3A_686 : vector<16xi32> to vector<32xbf16>
        %get3A_688 = arith.index_cast %add3A_665 : i32 to index
        %get3A_689 = arith.constant 32 : index
        %get3A_690 = tpu.vector_load %arg11[%get3A_688, %get3A_689] {strides = array<i32>} : memref<128x64xi32, #tpu.memory_space<vmem>>, vector<16xi32>,
        %bitcast3A_691 = vector.bitcast %get3A_690 : vector<16xi32> to vector<32xbf16>
        %mul3A_692 = arith.mulf %bitcast3A_687, %bitcast3A_691 : vector<32xbf16>
        %add3A_693 = arith.addf %mul3A_674, %mul3A_692 : vector<32xbf16>
        %get3A_694 = arith.index_cast %add3A_665 : i32 to index
        %get3A_695 = arith.constant 48 : index
        %get3A_696 = tpu.vector_load %arg10[%get3A_694, %get3A_695] {strides = array<i32>} : memref<128x64xi32, #tpu.memory_space<vmem>>, vector<16xi32>,
        %bitcast3A_697 = vector.bitcast %get3A_696 : vector<16xi32> to vector<32xbf16>
        %get3A_698 = arith.index_cast %add3A_665 : i32 to index
        %get3A_699 = arith.constant 48 : index
        %get3A_700 = tpu.vector_load %arg11[%get3A_698, %get3A_699] {strides = array<i32>} : memref<128x64xi32, #tpu.memory_space<vmem>>, vector<16xi32>,
        %bitcast3A_701 = vector.bitcast %get3A_700 : vector<16xi32> to vector<32xbf16>
        %mul3A_702 = arith.mulf %bitcast3A_697, %bitcast3A_701 : vector<32xbf16>
        %add3A_703 = arith.addf %mul3A_683, %mul3A_702 : vector<32xbf16>
        %add3A_704 = arith.addf %add3A_693, %add3A_703 : vector<32xbf16>
        %unpack3A_705 = tpu.unpack_subelements %add3A_704, 0 {pack_format = #tpu.pack_format<interleaved>} : vector<32xbf16> -> vector<16xf32>
        %unpack3A_706 = tpu.unpack_subelements %add3A_704, 1 {pack_format = #tpu.pack_format<interleaved>} : vector<32xbf16> -> vector<16xf32>
        %add3A_707 = arith.addf %unpack3A_705, %unpack3A_706 : vector<16xf32>
        %mul3A_708 = arith.constant 16 : i32
        %mul3A_709 = arith.muli %add3A_665, %mul3A_708 : i32
        %swap3A_710 = arith.index_cast %mul3A_709 : i32 to index
        %swap3A_711 = tpu.vector_load %arg12[%swap3A_710] {strides = array<i32>} : memref<2048xf32, #tpu.memory_space<vmem>>, vector<16xf32>,
        tpu.vector_store %arg12[%swap3A_710], %add3A_707 {strides = array<i32>} : memref<2048xf32, #tpu.memory_space<vmem>>, vector<16xf32>,
        %scan3A_712 = arith.constant 12 : i32
        %scan3A_713 = arith.addi %scan3A_93, %scan3A_712 : i32
        %mul3A_714 = arith.constant 1 : i32
        %mul3A_715 = arith.muli %scan3A_713, %mul3A_714 : i32
        %add3A_716 = arith.constant 0 : i32
        %add3A_717 = arith.addi %add3A_716, %mul3A_715 : i32
        %get3A_718 = arith.index_cast %add3A_717 : i32 to index
        %get3A_719 = arith.constant 0 : index
        %get3A_720 = tpu.vector_load %arg10[%get3A_718, %get3A_719] {strides = array<i32>} : memref<128x64xi32, #tpu.memory_space<vmem>>, vector<16xi32>,
        %bitcast3A_721 = vector.bitcast %get3A_720 : vector<16xi32> to vector<32xbf16>
        %get3A_722 = arith.index_cast %add3A_717 : i32 to index
        %get3A_723 = arith.constant 0 : index
        %get3A_724 = tpu.vector_load %arg11[%get3A_722, %get3A_723] {strides = array<i32>} : memref<128x64xi32, #tpu.memory_space<vmem>>, vector<16xi32>,
        %bitcast3A_725 = vector.bitcast %get3A_724 : vector<16xi32> to vector<32xbf16>
        %mul3A_726 = arith.mulf %bitcast3A_721, %bitcast3A_725 : vector<32xbf16>
        %get3A_727 = arith.index_cast %add3A_717 : i32 to index
        %get3A_728 = arith.constant 16 : index
        %get3A_729 = tpu.vector_load %arg10[%get3A_727, %get3A_728] {strides = array<i32>} : memref<128x64xi32, #tpu.memory_space<vmem>>, vector<16xi32>,
        %bitcast3A_730 = vector.bitcast %get3A_729 : vector<16xi32> to vector<32xbf16>
        %get3A_731 = arith.index_cast %add3A_717 : i32 to index
        %get3A_732 = arith.constant 16 : index
        %get3A_733 = tpu.vector_load %arg11[%get3A_731, %get3A_732] {strides = array<i32>} : memref<128x64xi32, #tpu.memory_space<vmem>>, vector<16xi32>,
        %bitcast3A_734 = vector.bitcast %get3A_733 : vector<16xi32> to vector<32xbf16>
        %mul3A_735 = arith.mulf %bitcast3A_730, %bitcast3A_734 : vector<32xbf16>
        %get3A_736 = arith.index_cast %add3A_717 : i32 to index
        %get3A_737 = arith.constant 32 : index
        %get3A_738 = tpu.vector_load %arg10[%get3A_736, %get3A_737] {strides = array<i32>} : memref<128x64xi32, #tpu.memory_space<vmem>>, vector<16xi32>,
        %bitcast3A_739 = vector.bitcast %get3A_738 : vector<16xi32> to vector<32xbf16>
        %get3A_740 = arith.index_cast %add3A_717 : i32 to index
        %get3A_741 = arith.constant 32 : index
        %get3A_742 = tpu.vector_load %arg11[%get3A_740, %get3A_741] {strides = array<i32>} : memref<128x64xi32, #tpu.memory_space<vmem>>, vector<16xi32>,
        %bitcast3A_743 = vector.bitcast %get3A_742 : vector<16xi32> to vector<32xbf16>
        %mul3A_744 = arith.mulf %bitcast3A_739, %bitcast3A_743 : vector<32xbf16>
        %add3A_745 = arith.addf %mul3A_726, %mul3A_744 : vector<32xbf16>
        %get3A_746 = arith.index_cast %add3A_717 : i32 to index
        %get3A_747 = arith.constant 48 : index
        %get3A_748 = tpu.vector_load %arg10[%get3A_746, %get3A_747] {strides = array<i32>} : memref<128x64xi32, #tpu.memory_space<vmem>>, vector<16xi32>,
        %bitcast3A_749 = vector.bitcast %get3A_748 : vector<16xi32> to vector<32xbf16>
        %get3A_750 = arith.index_cast %add3A_717 : i32 to index
        %get3A_751 = arith.constant 48 : index
        %get3A_752 = tpu.vector_load %arg11[%get3A_750, %get3A_751] {strides = array<i32>} : memref<128x64xi32, #tpu.memory_space<vmem>>, vector<16xi32>,
        %bitcast3A_753 = vector.bitcast %get3A_752 : vector<16xi32> to vector<32xbf16>
        %mul3A_754 = arith.mulf %bitcast3A_749, %bitcast3A_753 : vector<32xbf16>
        %add3A_755 = arith.addf %mul3A_735, %mul3A_754 : vector<32xbf16>
        %add3A_756 = arith.addf %add3A_745, %add3A_755 : vector<32xbf16>
        %unpack3A_757 = tpu.unpack_subelements %add3A_756, 0 {pack_format = #tpu.pack_format<interleaved>} : vector<32xbf16> -> vector<16xf32>
        %unpack3A_758 = tpu.unpack_subelements %add3A_756, 1 {pack_format = #tpu.pack_format<interleaved>} : vector<32xbf16> -> vector<16xf32>
        %add3A_759 = arith.addf %unpack3A_757, %unpack3A_758 : vector<16xf32>
        %mul3A_760 = arith.constant 16 : i32
        %mul3A_761 = arith.muli %add3A_717, %mul3A_760 : i32
        %swap3A_762 = arith.index_cast %mul3A_761 : i32 to index
        %swap3A_763 = tpu.vector_load %arg12[%swap3A_762] {strides = array<i32>} : memref<2048xf32, #tpu.memory_space<vmem>>, vector<16xf32>,
        tpu.vector_store %arg12[%swap3A_762], %add3A_759 {strides = array<i32>} : memref<2048xf32, #tpu.memory_space<vmem>>, vector<16xf32>,
        %scan3A_764 = arith.constant 13 : i32
        %scan3A_765 = arith.addi %scan3A_93, %scan3A_764 : i32
        %mul3A_766 = arith.constant 1 : i32
        %mul3A_767 = arith.muli %scan3A_765, %mul3A_766 : i32
        %add3A_768 = arith.constant 0 : i32
        %add3A_769 = arith.addi %add3A_768, %mul3A_767 : i32
        %get3A_770 = arith.index_cast %add3A_769 : i32 to index
        %get3A_771 = arith.constant 0 : index
        %get3A_772 = tpu.vector_load %arg10[%get3A_770, %get3A_771] {strides = array<i32>} : memref<128x64xi32, #tpu.memory_space<vmem>>, vector<16xi32>,
        %bitcast3A_773 = vector.bitcast %get3A_772 : vector<16xi32> to vector<32xbf16>
        %get3A_774 = arith.index_cast %add3A_769 : i32 to index
        %get3A_775 = arith.constant 0 : index
        %get3A_776 = tpu.vector_load %arg11[%get3A_774, %get3A_775] {strides = array<i32>} : memref<128x64xi32, #tpu.memory_space<vmem>>, vector<16xi32>,
        %bitcast3A_777 = vector.bitcast %get3A_776 : vector<16xi32> to vector<32xbf16>
        %mul3A_778 = arith.mulf %bitcast3A_773, %bitcast3A_777 : vector<32xbf16>
        %get3A_779 = arith.index_cast %add3A_769 : i32 to index
        %get3A_780 = arith.constant 16 : index
        %get3A_781 = tpu.vector_load %arg10[%get3A_779, %get3A_780] {strides = array<i32>} : memref<128x64xi32, #tpu.memory_space<vmem>>, vector<16xi32>,
        %bitcast3A_782 = vector.bitcast %get3A_781 : vector<16xi32> to vector<32xbf16>
        %get3A_783 = arith.index_cast %add3A_769 : i32 to index
        %get3A_784 = arith.constant 16 : index
        %get3A_785 = tpu.vector_load %arg11[%get3A_783, %get3A_784] {strides = array<i32>} : memref<128x64xi32, #tpu.memory_space<vmem>>, vector<16xi32>,
        %bitcast3A_786 = vector.bitcast %get3A_785 : vector<16xi32> to vector<32xbf16>
        %mul3A_787 = arith.mulf %bitcast3A_782, %bitcast3A_786 : vector<32xbf16>
        %get3A_788 = arith.index_cast %add3A_769 : i32 to index
        %get3A_789 = arith.constant 32 : index
        %get3A_790 = tpu.vector_load %arg10[%get3A_788, %get3A_789] {strides = array<i32>} : memref<128x64xi32, #tpu.memory_space<vmem>>, vector<16xi32>,
        %bitcast3A_791 = vector.bitcast %get3A_790 : vector<16xi32> to vector<32xbf16>
        %get3A_792 = arith.index_cast %add3A_769 : i32 to index
        %get3A_793 = arith.constant 32 : index
        %get3A_794 = tpu.vector_load %arg11[%get3A_792, %get3A_793] {strides = array<i32>} : memref<128x64xi32, #tpu.memory_space<vmem>>, vector<16xi32>,
        %bitcast3A_795 = vector.bitcast %get3A_794 : vector<16xi32> to vector<32xbf16>
        %mul3A_796 = arith.mulf %bitcast3A_791, %bitcast3A_795 : vector<32xbf16>
        %add3A_797 = arith.addf %mul3A_778, %mul3A_796 : vector<32xbf16>
        %get3A_798 = arith.index_cast %add3A_769 : i32 to index
        %get3A_799 = arith.constant 48 : index
        %get3A_800 = tpu.vector_load %arg10[%get3A_798, %get3A_799] {strides = array<i32>} : memref<128x64xi32, #tpu.memory_space<vmem>>, vector<16xi32>,
        %bitcast3A_801 = vector.bitcast %get3A_800 : vector<16xi32> to vector<32xbf16>
        %get3A_802 = arith.index_cast %add3A_769 : i32 to index
        %get3A_803 = arith.constant 48 : index
        %get3A_804 = tpu.vector_load %arg11[%get3A_802, %get3A_803] {strides = array<i32>} : memref<128x64xi32, #tpu.memory_space<vmem>>, vector<16xi32>,
        %bitcast3A_805 = vector.bitcast %get3A_804 : vector<16xi32> to vector<32xbf16>
        %mul3A_806 = arith.mulf %bitcast3A_801, %bitcast3A_805 : vector<32xbf16>
        %add3A_807 = arith.addf %mul3A_787, %mul3A_806 : vector<32xbf16>
        %add3A_808 = arith.addf %add3A_797, %add3A_807 : vector<32xbf16>
        %unpack3A_809 = tpu.unpack_subelements %add3A_808, 0 {pack_format = #tpu.pack_format<interleaved>} : vector<32xbf16> -> vector<16xf32>
        %unpack3A_810 = tpu.unpack_subelements %add3A_808, 1 {pack_format = #tpu.pack_format<interleaved>} : vector<32xbf16> -> vector<16xf32>
        %add3A_811 = arith.addf %unpack3A_809, %unpack3A_810 : vector<16xf32>
        %mul3A_812 = arith.constant 16 : i32
        %mul3A_813 = arith.muli %add3A_769, %mul3A_812 : i32
        %swap3A_814 = arith.index_cast %mul3A_813 : i32 to index
        %swap3A_815 = tpu.vector_load %arg12[%swap3A_814] {strides = array<i32>} : memref<2048xf32, #tpu.memory_space<vmem>>, vector<16xf32>,
        tpu.vector_store %arg12[%swap3A_814], %add3A_811 {strides = array<i32>} : memref<2048xf32, #tpu.memory_space<vmem>>, vector<16xf32>,
        %scan3A_816 = arith.constant 14 : i32
        %scan3A_817 = arith.addi %scan3A_93, %scan3A_816 : i32
        %mul3A_818 = arith.constant 1 : i32
        %mul3A_819 = arith.muli %scan3A_817, %mul3A_818 : i32
        %add3A_820 = arith.constant 0 : i32
        %add3A_821 = arith.addi %add3A_820, %mul3A_819 : i32
        %get3A_822 = arith.index_cast %add3A_821 : i32 to index
        %get3A_823 = arith.constant 0 : index
        %get3A_824 = tpu.vector_load %arg10[%get3A_822, %get3A_823] {strides = array<i32>} : memref<128x64xi32, #tpu.memory_space<vmem>>, vector<16xi32>,
        %bitcast3A_825 = vector.bitcast %get3A_824 : vector<16xi32> to vector<32xbf16>
        %get3A_826 = arith.index_cast %add3A_821 : i32 to index
        %get3A_827 = arith.constant 0 : index
        %get3A_828 = tpu.vector_load %arg11[%get3A_826, %get3A_827] {strides = array<i32>} : memref<128x64xi32, #tpu.memory_space<vmem>>, vector<16xi32>,
        %bitcast3A_829 = vector.bitcast %get3A_828 : vector<16xi32> to vector<32xbf16>
        %mul3A_830 = arith.mulf %bitcast3A_825, %bitcast3A_829 : vector<32xbf16>
        %get3A_831 = arith.index_cast %add3A_821 : i32 to index
        %get3A_832 = arith.constant 16 : index
        %get3A_833 = tpu.vector_load %arg10[%get3A_831, %get3A_832] {strides = array<i32>} : memref<128x64xi32, #tpu.memory_space<vmem>>, vector<16xi32>,
        %bitcast3A_834 = vector.bitcast %get3A_833 : vector<16xi32> to vector<32xbf16>
        %get3A_835 = arith.index_cast %add3A_821 : i32 to index
        %get3A_836 = arith.constant 16 : index
        %get3A_837 = tpu.vector_load %arg11[%get3A_835, %get3A_836] {strides = array<i32>} : memref<128x64xi32, #tpu.memory_space<vmem>>, vector<16xi32>,
        %bitcast3A_838 = vector.bitcast %get3A_837 : vector<16xi32> to vector<32xbf16>
        %mul3A_839 = arith.mulf %bitcast3A_834, %bitcast3A_838 : vector<32xbf16>
        %get3A_840 = arith.index_cast %add3A_821 : i32 to index
        %get3A_841 = arith.constant 32 : index
        %get3A_842 = tpu.vector_load %arg10[%get3A_840, %get3A_841] {strides = array<i32>} : memref<128x64xi32, #tpu.memory_space<vmem>>, vector<16xi32>,
        %bitcast3A_843 = vector.bitcast %get3A_842 : vector<16xi32> to vector<32xbf16>
        %get3A_844 = arith.index_cast %add3A_821 : i32 to index
        %get3A_845 = arith.constant 32 : index
        %get3A_846 = tpu.vector_load %arg11[%get3A_844, %get3A_845] {strides = array<i32>} : memref<128x64xi32, #tpu.memory_space<vmem>>, vector<16xi32>,
        %bitcast3A_847 = vector.bitcast %get3A_846 : vector<16xi32> to vector<32xbf16>
        %mul3A_848 = arith.mulf %bitcast3A_843, %bitcast3A_847 : vector<32xbf16>
        %add3A_849 = arith.addf %mul3A_830, %mul3A_848 : vector<32xbf16>
        %get3A_850 = arith.index_cast %add3A_821 : i32 to index
        %get3A_851 = arith.constant 48 : index
        %get3A_852 = tpu.vector_load %arg10[%get3A_850, %get3A_851] {strides = array<i32>} : memref<128x64xi32, #tpu.memory_space<vmem>>, vector<16xi32>,
        %bitcast3A_853 = vector.bitcast %get3A_852 : vector<16xi32> to vector<32xbf16>
        %get3A_854 = arith.index_cast %add3A_821 : i32 to index
        %get3A_855 = arith.constant 48 : index
        %get3A_856 = tpu.vector_load %arg11[%get3A_854, %get3A_855] {strides = array<i32>} : memref<128x64xi32, #tpu.memory_space<vmem>>, vector<16xi32>,
        %bitcast3A_857 = vector.bitcast %get3A_856 : vector<16xi32> to vector<32xbf16>
        %mul3A_858 = arith.mulf %bitcast3A_853, %bitcast3A_857 : vector<32xbf16>
        %add3A_859 = arith.addf %mul3A_839, %mul3A_858 : vector<32xbf16>
        %add3A_860 = arith.addf %add3A_849, %add3A_859 : vector<32xbf16>
        %unpack3A_861 = tpu.unpack_subelements %add3A_860, 0 {pack_format = #tpu.pack_format<interleaved>} : vector<32xbf16> -> vector<16xf32>
        %unpack3A_862 = tpu.unpack_subelements %add3A_860, 1 {pack_format = #tpu.pack_format<interleaved>} : vector<32xbf16> -> vector<16xf32>
        %add3A_863 = arith.addf %unpack3A_861, %unpack3A_862 : vector<16xf32>
        %mul3A_864 = arith.constant 16 : i32
        %mul3A_865 = arith.muli %add3A_821, %mul3A_864 : i32
        %swap3A_866 = arith.index_cast %mul3A_865 : i32 to index
        %swap3A_867 = tpu.vector_load %arg12[%swap3A_866] {strides = array<i32>} : memref<2048xf32, #tpu.memory_space<vmem>>, vector<16xf32>,
        tpu.vector_store %arg12[%swap3A_866], %add3A_863 {strides = array<i32>} : memref<2048xf32, #tpu.memory_space<vmem>>, vector<16xf32>,
        %scan3A_868 = arith.constant 15 : i32
        %scan3A_869 = arith.addi %scan3A_93, %scan3A_868 : i32
        %mul3A_870 = arith.constant 1 : i32
        %mul3A_871 = arith.muli %scan3A_869, %mul3A_870 : i32
        %add3A_872 = arith.constant 0 : i32
        %add3A_873 = arith.addi %add3A_872, %mul3A_871 : i32
        %get3A_874 = arith.index_cast %add3A_873 : i32 to index
        %get3A_875 = arith.constant 0 : index
        %get3A_876 = tpu.vector_load %arg10[%get3A_874, %get3A_875] {strides = array<i32>} : memref<128x64xi32, #tpu.memory_space<vmem>>, vector<16xi32>,
        %bitcast3A_877 = vector.bitcast %get3A_876 : vector<16xi32> to vector<32xbf16>
        %get3A_878 = arith.index_cast %add3A_873 : i32 to index
        %get3A_879 = arith.constant 0 : index
        %get3A_880 = tpu.vector_load %arg11[%get3A_878, %get3A_879] {strides = array<i32>} : memref<128x64xi32, #tpu.memory_space<vmem>>, vector<16xi32>,
        %bitcast3A_881 = vector.bitcast %get3A_880 : vector<16xi32> to vector<32xbf16>
        %mul3A_882 = arith.mulf %bitcast3A_877, %bitcast3A_881 : vector<32xbf16>
        %get3A_883 = arith.index_cast %add3A_873 : i32 to index
        %get3A_884 = arith.constant 16 : index
        %get3A_885 = tpu.vector_load %arg10[%get3A_883, %get3A_884] {strides = array<i32>} : memref<128x64xi32, #tpu.memory_space<vmem>>, vector<16xi32>,
        %bitcast3A_886 = vector.bitcast %get3A_885 : vector<16xi32> to vector<32xbf16>
        %get3A_887 = arith.index_cast %add3A_873 : i32 to index
        %get3A_888 = arith.constant 16 : index
        %get3A_889 = tpu.vector_load %arg11[%get3A_887, %get3A_888] {strides = array<i32>} : memref<128x64xi32, #tpu.memory_space<vmem>>, vector<16xi32>,
        %bitcast3A_890 = vector.bitcast %get3A_889 : vector<16xi32> to vector<32xbf16>
        %mul3A_891 = arith.mulf %bitcast3A_886, %bitcast3A_890 : vector<32xbf16>
        %get3A_892 = arith.index_cast %add3A_873 : i32 to index
        %get3A_893 = arith.constant 32 : index
        %get3A_894 = tpu.vector_load %arg10[%get3A_892, %get3A_893] {strides = array<i32>} : memref<128x64xi32, #tpu.memory_space<vmem>>, vector<16xi32>,
        %bitcast3A_895 = vector.bitcast %get3A_894 : vector<16xi32> to vector<32xbf16>
        %get3A_896 = arith.index_cast %add3A_873 : i32 to index
        %get3A_897 = arith.constant 32 : index
        %get3A_898 = tpu.vector_load %arg11[%get3A_896, %get3A_897] {strides = array<i32>} : memref<128x64xi32, #tpu.memory_space<vmem>>, vector<16xi32>,
        %bitcast3A_899 = vector.bitcast %get3A_898 : vector<16xi32> to vector<32xbf16>
        %mul3A_900 = arith.mulf %bitcast3A_895, %bitcast3A_899 : vector<32xbf16>
        %add3A_901 = arith.addf %mul3A_882, %mul3A_900 : vector<32xbf16>
        %get3A_902 = arith.index_cast %add3A_873 : i32 to index
        %get3A_903 = arith.constant 48 : index
        %get3A_904 = tpu.vector_load %arg10[%get3A_902, %get3A_903] {strides = array<i32>} : memref<128x64xi32, #tpu.memory_space<vmem>>, vector<16xi32>,
        %bitcast3A_905 = vector.bitcast %get3A_904 : vector<16xi32> to vector<32xbf16>
        %get3A_906 = arith.index_cast %add3A_873 : i32 to index
        %get3A_907 = arith.constant 48 : index
        %get3A_908 = tpu.vector_load %arg11[%get3A_906, %get3A_907] {strides = array<i32>} : memref<128x64xi32, #tpu.memory_space<vmem>>, vector<16xi32>,
        %bitcast3A_909 = vector.bitcast %get3A_908 : vector<16xi32> to vector<32xbf16>
        %mul3A_910 = arith.mulf %bitcast3A_905, %bitcast3A_909 : vector<32xbf16>
        %add3A_911 = arith.addf %mul3A_891, %mul3A_910 : vector<32xbf16>
        %add3A_912 = arith.addf %add3A_901, %add3A_911 : vector<32xbf16>
        %unpack3A_913 = tpu.unpack_subelements %add3A_912, 0 {pack_format = #tpu.pack_format<interleaved>} : vector<32xbf16> -> vector<16xf32>
        %unpack3A_914 = tpu.unpack_subelements %add3A_912, 1 {pack_format = #tpu.pack_format<interleaved>} : vector<32xbf16> -> vector<16xf32>
        %add3A_915 = arith.addf %unpack3A_913, %unpack3A_914 : vector<16xf32>
        %mul3A_916 = arith.constant 16 : i32
        %mul3A_917 = arith.muli %add3A_873, %mul3A_916 : i32
        %swap3A_918 = arith.index_cast %mul3A_917 : i32 to index
        %swap3A_919 = tpu.vector_load %arg12[%swap3A_918] {strides = array<i32>} : memref<2048xf32, #tpu.memory_space<vmem>>, vector<16xf32>,
        tpu.vector_store %arg12[%swap3A_918], %add3A_915 {strides = array<i32>} : memref<2048xf32, #tpu.memory_space<vmem>>, vector<16xf32>,
      }
      %scan3A_84 = arith.constant 128 : i32
      %scan3A_85 = arith.constant 0 : i32
      %scan3A_86 = arith.constant 8 : i32
      %scan3A_87 = arith.addi %scan3A_85, %scan3A_86 : i32
      %scan3A_88 = arith.constant 2 : i32
      scf.for %scan3A_93 = %scan3A_85 to %scan3A_87 step %scan3A_88  : i32 {
        %mul3A_94 = arith.constant 1 : i32
        %mul3A_95 = arith.muli %scan3A_93, %mul3A_94 : i32
        %add3A_96 = arith.constant 0 : i32
        %add3A_97 = arith.addi %add3A_96, %mul3A_95 : i32
        %mul3A_98 = arith.constant 16 : i32
        %mul3A_99 = arith.muli %add3A_97, %mul3A_98 : i32
        %iota3A = tpu.iota {dimensions = array<i32: 0>} : vector<16xi32>
        %add3A_100 = vector.broadcast %mul3A_99 : i32 to vector<16xi32>
        %add3A_101 = arith.addi %add3A_100, %iota3A : vector<16xi32>
        %mul3A_102 = arith.constant 16 : i32
        %mul3A_103 = vector.broadcast %mul3A_102 : i32 to vector<16xi32>
        %mul3A_104 = arith.muli %add3A_101, %mul3A_103 : vector<16xi32>
        %gather3A = tpu.vector_load_idx %arg12[%mul3A_104] : memref<2048xf32, #tpu.memory_space<vmem>>[vector<16xi32>], vector<16xf32>,
        %add3A_105 = arith.constant 1 : i32
        %add3A_106 = vector.broadcast %add3A_105 : i32 to vector<16xi32>
        %add3A_107 = arith.addi %mul3A_104, %add3A_106 : vector<16xi32>
        %gather3A_108 = tpu.vector_load_idx %arg12[%add3A_107] : memref<2048xf32, #tpu.memory_space<vmem>>[vector<16xi32>], vector<16xf32>,
        %add3A_109 = arith.addf %gather3A, %gather3A_108 : vector<16xf32>
        %add3A_110 = arith.constant 2 : i32
        %add3A_111 = vector.broadcast %add3A_110 : i32 to vector<16xi32>
        %add3A_112 = arith.addi %mul3A_104, %add3A_111 : vector<16xi32>
        %gather3A_113 = tpu.vector_load_idx %arg12[%add3A_112] : memref<2048xf32, #tpu.memory_space<vmem>>[vector<16xi32>], vector<16xf32>,
        %add3A_114 = arith.addf %add3A_109, %gather3A_113 : vector<16xf32>
        %add3A_115 = arith.constant 3 : i32
        %add3A_116 = vector.broadcast %add3A_115 : i32 to vector<16xi32>
        %add3A_117 = arith.addi %mul3A_104, %add3A_116 : vector<16xi32>
        %gather3A_118 = tpu.vector_load_idx %arg12[%add3A_117] : memref<2048xf32, #tpu.memory_space<vmem>>[vector<16xi32>], vector<16xf32>,
        %add3A_119 = arith.addf %add3A_114, %gather3A_118 : vector<16xf32>
        %add3A_120 = arith.constant 4 : i32
        %add3A_121 = vector.broadcast %add3A_120 : i32 to vector<16xi32>
        %add3A_122 = arith.addi %mul3A_104, %add3A_121 : vector<16xi32>
        %gather3A_123 = tpu.vector_load_idx %arg12[%add3A_122] : memref<2048xf32, #tpu.memory_space<vmem>>[vector<16xi32>], vector<16xf32>,
        %add3A_124 = arith.addf %add3A_119, %gather3A_123 : vector<16xf32>
        %add3A_125 = arith.constant 5 : i32
        %add3A_126 = vector.broadcast %add3A_125 : i32 to vector<16xi32>
        %add3A_127 = arith.addi %mul3A_104, %add3A_126 : vector<16xi32>
        %gather3A_128 = tpu.vector_load_idx %arg12[%add3A_127] : memref<2048xf32, #tpu.memory_space<vmem>>[vector<16xi32>], vector<16xf32>,
        %add3A_129 = arith.addf %add3A_124, %gather3A_128 : vector<16xf32>
        %add3A_130 = arith.constant 6 : i32
        %add3A_131 = vector.broadcast %add3A_130 : i32 to vector<16xi32>
        %add3A_132 = arith.addi %mul3A_104, %add3A_131 : vector<16xi32>
        %gather3A_133 = tpu.vector_load_idx %arg12[%add3A_132] : memref<2048xf32, #tpu.memory_space<vmem>>[vector<16xi32>], vector<16xf32>,
        %add3A_134 = arith.addf %add3A_129, %gather3A_133 : vector<16xf32>
        %add3A_135 = arith.constant 7 : i32
        %add3A_136 = vector.broadcast %add3A_135 : i32 to vector<16xi32>
        %add3A_137 = arith.addi %mul3A_104, %add3A_136 : vector<16xi32>
        %gather3A_138 = tpu.vector_load_idx %arg12[%add3A_137] : memref<2048xf32, #tpu.memory_space<vmem>>[vector<16xi32>], vector<16xf32>,
        %add3A_139 = arith.addf %add3A_134, %gather3A_138 : vector<16xf32>
        %add3A_140 = arith.constant 8 : i32
        %add3A_141 = vector.broadcast %add3A_140 : i32 to vector<16xi32>
        %add3A_142 = arith.addi %mul3A_104, %add3A_141 : vector<16xi32>
        %gather3A_143 = tpu.vector_load_idx %arg12[%add3A_142] : memref<2048xf32, #tpu.memory_space<vmem>>[vector<16xi32>], vector<16xf32>,
        %add3A_144 = arith.addf %add3A_139, %gather3A_143 : vector<16xf32>
        %add3A_145 = arith.constant 9 : i32
        %add3A_146 = vector.broadcast %add3A_145 : i32 to vector<16xi32>
        %add3A_147 = arith.addi %mul3A_104, %add3A_146 : vector<16xi32>
        %gather3A_148 = tpu.vector_load_idx %arg12[%add3A_147] : memref<2048xf32, #tpu.memory_space<vmem>>[vector<16xi32>], vector<16xf32>,
        %add3A_149 = arith.addf %add3A_144, %gather3A_148 : vector<16xf32>
        %add3A_150 = arith.constant 10 : i32
        %add3A_151 = vector.broadcast %add3A_150 : i32 to vector<16xi32>
        %add3A_152 = arith.addi %mul3A_104, %add3A_151 : vector<16xi32>
        %gather3A_153 = tpu.vector_load_idx %arg12[%add3A_152] : memref<2048xf32, #tpu.memory_space<vmem>>[vector<16xi32>], vector<16xf32>,
        %add3A_154 = arith.addf %add3A_149, %gather3A_153 : vector<16xf32>
        %add3A_155 = arith.constant 11 : i32
        %add3A_156 = vector.broadcast %add3A_155 : i32 to vector<16xi32>
        %add3A_157 = arith.addi %mul3A_104, %add3A_156 : vector<16xi32>
        %gather3A_158 = tpu.vector_load_idx %arg12[%add3A_157] : memref<2048xf32, #tpu.memory_space<vmem>>[vector<16xi32>], vector<16xf32>,
        %add3A_159 = arith.addf %add3A_154, %gather3A_158 : vector<16xf32>
        %add3A_160 = arith.constant 12 : i32
        %add3A_161 = vector.broadcast %add3A_160 : i32 to vector<16xi32>
        %add3A_162 = arith.addi %mul3A_104, %add3A_161 : vector<16xi32>
        %gather3A_163 = tpu.vector_load_idx %arg12[%add3A_162] : memref<2048xf32, #tpu.memory_space<vmem>>[vector<16xi32>], vector<16xf32>,
        %add3A_164 = arith.addf %add3A_159, %gather3A_163 : vector<16xf32>
        %add3A_165 = arith.constant 13 : i32
        %add3A_166 = vector.broadcast %add3A_165 : i32 to vector<16xi32>
        %add3A_167 = arith.addi %mul3A_104, %add3A_166 : vector<16xi32>
        %gather3A_168 = tpu.vector_load_idx %arg12[%add3A_167] : memref<2048xf32, #tpu.memory_space<vmem>>[vector<16xi32>], vector<16xf32>,
        %add3A_169 = arith.addf %add3A_164, %gather3A_168 : vector<16xf32>
        %add3A_170 = arith.constant 14 : i32
        %add3A_171 = vector.broadcast %add3A_170 : i32 to vector<16xi32>
        %add3A_172 = arith.addi %mul3A_104, %add3A_171 : vector<16xi32>
        %gather3A_173 = tpu.vector_load_idx %arg12[%add3A_172] : memref<2048xf32, #tpu.memory_space<vmem>>[vector<16xi32>], vector<16xf32>,
        %add3A_174 = arith.addf %add3A_169, %gather3A_173 : vector<16xf32>
        %add3A_175 = arith.constant 15 : i32
        %add3A_176 = vector.broadcast %add3A_175 : i32 to vector<16xi32>
        %add3A_177 = arith.addi %mul3A_104, %add3A_176 : vector<16xi32>
        %gather3A_178 = tpu.vector_load_idx %arg12[%add3A_177] : memref<2048xf32, #tpu.memory_space<vmem>>[vector<16xi32>], vector<16xf32>,
        %add3A_179 = arith.addf %add3A_174, %gather3A_178 : vector<16xf32>
        %mul3A_180 = arith.constant 16 : i32
        %mul3A_181 = arith.muli %add3A_97, %mul3A_180 : i32
        %swap3A = arith.index_cast %mul3A_181 : i32 to index
        %swap3A_182 = tpu.vector_load %arg13[%swap3A] {strides = array<i32>} : memref<128xf32, #tpu.memory_space<vmem>>, vector<16xf32>,
        tpu.vector_store %arg13[%swap3A], %add3A_179 {strides = array<i32>} : memref<128xf32, #tpu.memory_space<vmem>>, vector<16xf32>,
        %scan3A_183 = arith.constant 1 : i32
        %scan3A_184 = arith.addi %scan3A_93, %scan3A_183 : i32
        %mul3A_185 = arith.constant 1 : i32
        %mul3A_186 = arith.muli %scan3A_184, %mul3A_185 : i32
        %add3A_187 = arith.constant 0 : i32
        %add3A_188 = arith.addi %add3A_187, %mul3A_186 : i32
        %mul3A_189 = arith.constant 16 : i32
        %mul3A_190 = arith.muli %add3A_188, %mul3A_189 : i32
        %iota3A_191 = tpu.iota {dimensions = array<i32: 0>} : vector<16xi32>
        %add3A_192 = vector.broadcast %mul3A_190 : i32 to vector<16xi32>
        %add3A_193 = arith.addi %add3A_192, %iota3A_191 : vector<16xi32>
        %mul3A_194 = arith.constant 16 : i32
        %mul3A_195 = vector.broadcast %mul3A_194 : i32 to vector<16xi32>
        %mul3A_196 = arith.muli %add3A_193, %mul3A_195 : vector<16xi32>
        %gather3A_197 = tpu.vector_load_idx %arg12[%mul3A_196] : memref<2048xf32, #tpu.memory_space<vmem>>[vector<16xi32>], vector<16xf32>,
        %add3A_198 = arith.constant 1 : i32
        %add3A_199 = vector.broadcast %add3A_198 : i32 to vector<16xi32>
        %add3A_200 = arith.addi %mul3A_196, %add3A_199 : vector<16xi32>
        %gather3A_201 = tpu.vector_load_idx %arg12[%add3A_200] : memref<2048xf32, #tpu.memory_space<vmem>>[vector<16xi32>], vector<16xf32>,
        %add3A_202 = arith.addf %gather3A_197, %gather3A_201 : vector<16xf32>
        %add3A_203 = arith.constant 2 : i32
        %add3A_204 = vector.broadcast %add3A_203 : i32 to vector<16xi32>
        %add3A_205 = arith.addi %mul3A_196, %add3A_204 : vector<16xi32>
        %gather3A_206 = tpu.vector_load_idx %arg12[%add3A_205] : memref<2048xf32, #tpu.memory_space<vmem>>[vector<16xi32>], vector<16xf32>,
        %add3A_207 = arith.addf %add3A_202, %gather3A_206 : vector<16xf32>
        %add3A_208 = arith.constant 3 : i32
        %add3A_209 = vector.broadcast %add3A_208 : i32 to vector<16xi32>
        %add3A_210 = arith.addi %mul3A_196, %add3A_209 : vector<16xi32>
        %gather3A_211 = tpu.vector_load_idx %arg12[%add3A_210] : memref<2048xf32, #tpu.memory_space<vmem>>[vector<16xi32>], vector<16xf32>,
        %add3A_212 = arith.addf %add3A_207, %gather3A_211 : vector<16xf32>
        %add3A_213 = arith.constant 4 : i32
        %add3A_214 = vector.broadcast %add3A_213 : i32 to vector<16xi32>
        %add3A_215 = arith.addi %mul3A_196, %add3A_214 : vector<16xi32>
        %gather3A_216 = tpu.vector_load_idx %arg12[%add3A_215] : memref<2048xf32, #tpu.memory_space<vmem>>[vector<16xi32>], vector<16xf32>,
        %add3A_217 = arith.addf %add3A_212, %gather3A_216 : vector<16xf32>
        %add3A_218 = arith.constant 5 : i32
        %add3A_219 = vector.broadcast %add3A_218 : i32 to vector<16xi32>
        %add3A_220 = arith.addi %mul3A_196, %add3A_219 : vector<16xi32>
        %gather3A_221 = tpu.vector_load_idx %arg12[%add3A_220] : memref<2048xf32, #tpu.memory_space<vmem>>[vector<16xi32>], vector<16xf32>,
        %add3A_222 = arith.addf %add3A_217, %gather3A_221 : vector<16xf32>
        %add3A_223 = arith.constant 6 : i32
        %add3A_224 = vector.broadcast %add3A_223 : i32 to vector<16xi32>
        %add3A_225 = arith.addi %mul3A_196, %add3A_224 : vector<16xi32>
        %gather3A_226 = tpu.vector_load_idx %arg12[%add3A_225] : memref<2048xf32, #tpu.memory_space<vmem>>[vector<16xi32>], vector<16xf32>,
        %add3A_227 = arith.addf %add3A_222, %gather3A_226 : vector<16xf32>
        %add3A_228 = arith.constant 7 : i32
        %add3A_229 = vector.broadcast %add3A_228 : i32 to vector<16xi32>
        %add3A_230 = arith.addi %mul3A_196, %add3A_229 : vector<16xi32>
        %gather3A_231 = tpu.vector_load_idx %arg12[%add3A_230] : memref<2048xf32, #tpu.memory_space<vmem>>[vector<16xi32>], vector<16xf32>,
        %add3A_232 = arith.addf %add3A_227, %gather3A_231 : vector<16xf32>
        %add3A_233 = arith.constant 8 : i32
        %add3A_234 = vector.broadcast %add3A_233 : i32 to vector<16xi32>
        %add3A_235 = arith.addi %mul3A_196, %add3A_234 : vector<16xi32>
        %gather3A_236 = tpu.vector_load_idx %arg12[%add3A_235] : memref<2048xf32, #tpu.memory_space<vmem>>[vector<16xi32>], vector<16xf32>,
        %add3A_237 = arith.addf %add3A_232, %gather3A_236 : vector<16xf32>
        %add3A_238 = arith.constant 9 : i32
        %add3A_239 = vector.broadcast %add3A_238 : i32 to vector<16xi32>
        %add3A_240 = arith.addi %mul3A_196, %add3A_239 : vector<16xi32>
        %gather3A_241 = tpu.vector_load_idx %arg12[%add3A_240] : memref<2048xf32, #tpu.memory_space<vmem>>[vector<16xi32>], vector<16xf32>,
        %add3A_242 = arith.addf %add3A_237, %gather3A_241 : vector<16xf32>
        %add3A_243 = arith.constant 10 : i32
        %add3A_244 = vector.broadcast %add3A_243 : i32 to vector<16xi32>
        %add3A_245 = arith.addi %mul3A_196, %add3A_244 : vector<16xi32>
        %gather3A_246 = tpu.vector_load_idx %arg12[%add3A_245] : memref<2048xf32, #tpu.memory_space<vmem>>[vector<16xi32>], vector<16xf32>,
        %add3A_247 = arith.addf %add3A_242, %gather3A_246 : vector<16xf32>
        %add3A_248 = arith.constant 11 : i32
        %add3A_249 = vector.broadcast %add3A_248 : i32 to vector<16xi32>
        %add3A_250 = arith.addi %mul3A_196, %add3A_249 : vector<16xi32>
        %gather3A_251 = tpu.vector_load_idx %arg12[%add3A_250] : memref<2048xf32, #tpu.memory_space<vmem>>[vector<16xi32>], vector<16xf32>,
        %add3A_252 = arith.addf %add3A_247, %gather3A_251 : vector<16xf32>
        %add3A_253 = arith.constant 12 : i32
        %add3A_254 = vector.broadcast %add3A_253 : i32 to vector<16xi32>
        %add3A_255 = arith.addi %mul3A_196, %add3A_254 : vector<16xi32>
        %gather3A_256 = tpu.vector_load_idx %arg12[%add3A_255] : memref<2048xf32, #tpu.memory_space<vmem>>[vector<16xi32>], vector<16xf32>,
        %add3A_257 = arith.addf %add3A_252, %gather3A_256 : vector<16xf32>
        %add3A_258 = arith.constant 13 : i32
        %add3A_259 = vector.broadcast %add3A_258 : i32 to vector<16xi32>
        %add3A_260 = arith.addi %mul3A_196, %add3A_259 : vector<16xi32>
        %gather3A_261 = tpu.vector_load_idx %arg12[%add3A_260] : memref<2048xf32, #tpu.memory_space<vmem>>[vector<16xi32>], vector<16xf32>,
        %add3A_262 = arith.addf %add3A_257, %gather3A_261 : vector<16xf32>
        %add3A_263 = arith.constant 14 : i32
        %add3A_264 = vector.broadcast %add3A_263 : i32 to vector<16xi32>
        %add3A_265 = arith.addi %mul3A_196, %add3A_264 : vector<16xi32>
        %gather3A_266 = tpu.vector_load_idx %arg12[%add3A_265] : memref<2048xf32, #tpu.memory_space<vmem>>[vector<16xi32>], vector<16xf32>,
        %add3A_267 = arith.addf %add3A_262, %gather3A_266 : vector<16xf32>
        %add3A_268 = arith.constant 15 : i32
        %add3A_269 = vector.broadcast %add3A_268 : i32 to vector<16xi32>
        %add3A_270 = arith.addi %mul3A_196, %add3A_269 : vector<16xi32>
        %gather3A_271 = tpu.vector_load_idx %arg12[%add3A_270] : memref<2048xf32, #tpu.memory_space<vmem>>[vector<16xi32>], vector<16xf32>,
        %add3A_272 = arith.addf %add3A_267, %gather3A_271 : vector<16xf32>
        %mul3A_273 = arith.constant 16 : i32
        %mul3A_274 = arith.muli %add3A_188, %mul3A_273 : i32
        %swap3A_275 = arith.index_cast %mul3A_274 : i32 to index
        %swap3A_276 = tpu.vector_load %arg13[%swap3A_275] {strides = array<i32>} : memref<128xf32, #tpu.memory_space<vmem>>, vector<16xf32>,
        tpu.vector_store %arg13[%swap3A_275], %add3A_272 {strides = array<i32>} : memref<128xf32, #tpu.memory_space<vmem>>, vector<16xf32>,
      }
      %scan3A_89 = arith.constant 8 : i32
      %mul3A_90 = arith.constant 128 : i32
      %mul3A_91 = arith.muli %add3A_67, %mul3A_90 : i32
      %add3A_92 = arith.addi %mul3A_2, %mul3A_91 : i32
      "tpu.region"() ({
        %run_scoped3A = tpu.sem_alloc : memref<!tpu.dma_semaphore, #tpu.memory_space<semaphore_mem>>
        %dma_start3A_93 = tpu.memref_slice %arg5[%add3A_92] : memref<524288xf32, #tpu.memory_space<hbm>> -> memref<128xf32, #tpu.memory_space<hbm>>
        %dma_start3A_94 = tpu.memref_slice %arg5[%add3A_92] : memref<524288xf32, #tpu.memory_space<hbm>> -> memref<128xf32, #tpu.memory_space<hbm>>
        tpu.enqueue_dma source(%arg13 : memref<128xf32, #tpu.memory_space<vmem>>) target(%dma_start3A_94 : memref<128xf32, #tpu.memory_space<hbm>>) target_semaphore(%run_scoped3A : memref<!tpu.dma_semaphore, #tpu.memory_space<semaphore_mem>>)
        %dma_wait3A_95 = tpu.memref_slice %arg5[%add3A_92] : memref<524288xf32, #tpu.memory_space<hbm>> -> memref<128xf32, #tpu.memory_space<hbm>>
        %dma_wait3A_96 = tpu.memref_slice %arg5[%add3A_92] : memref<524288xf32, #tpu.memory_space<hbm>> -> memref<128xf32, #tpu.memory_space<hbm>>
        tpu.wait_dma2 semaphore(%run_scoped3A : memref<!tpu.dma_semaphore, #tpu.memory_space<semaphore_mem>>) src(%arg13 : memref<128xf32, #tpu.memory_space<vmem>>) dst(%dma_wait3A_96 : memref<128xf32, #tpu.memory_space<hbm>>)
        tpu.yield
      }) : () -> ()
    }
    %scan3A_15 = arith.constant 64 : i32
    return
  }
}

module attributes {stable_mosaic.version = 14 : i64} {
  func.func @_pack_tc_body(%arg0: i32, %arg1: memref<10000x128xf32, #tpu.memory_space<vmem>>, %arg2: memref<5000x128xi32, #tpu.memory_space<vmem>>) attributes {dimension_semantics = [#tpu.dimension_semantics<arbitrary>], iteration_bounds = array<i64: 10>, scalar_prefetch = 0 : i64, scratch_operands = 0 : i64, tpu.core_type = #tpu.core_type<tc>, window_params = [{transform_indices = @transform_0, window_bounds = array<i64: 10000, 128>}, {transform_indices = @transform_1, window_bounds = array<i64: 5000, 128>}]} {
    %get3A = arith.constant 0 : index
    %get3A_0 = arith.constant 0 : index
    %get3A_1 = vector.load %arg1[%get3A, %get3A_0] : memref<10000x128xf32, #tpu.memory_space<vmem>>, vector<10000x128xf32>
    %bitcast_convert_type3A = tpu.bitcast %get3A_1 : vector<10000x128xf32> -> vector<10000x128xi32>
    %slice3A = vector.extract_strided_slice %bitcast_convert_type3A {offsets = [0, 0], sizes = [5000, 128], strides = [1, 1]} : vector<10000x128xi32> to vector<5000x128xi32>
    %add3A = arith.constant 32767 : i32
    %add3A_2 = vector.broadcast %add3A : i32 to vector<5000x128xi32>
    %add3A_3 = arith.addi %slice3A, %add3A_2 : vector<5000x128xi32>
    %shift_right_logical3A = arith.constant 16 : i32
    %shift_right_logical3A_4 = vector.broadcast %shift_right_logical3A : i32 to vector<5000x128xi32>
    %shift_right_logical3A_5 = arith.shrui %slice3A, %shift_right_logical3A_4 : vector<5000x128xi32>
    %and3A = arith.constant 1 : i32
    %and3A_6 = vector.broadcast %and3A : i32 to vector<5000x128xi32>
    %and3A_7 = arith.andi %shift_right_logical3A_5, %and3A_6 : vector<5000x128xi32>
    %add3A_8 = arith.addi %add3A_3, %and3A_7 : vector<5000x128xi32>
    %shift_right_logical3A_9 = arith.constant 16 : i32
    %shift_right_logical3A_10 = vector.broadcast %shift_right_logical3A_9 : i32 to vector<5000x128xi32>
    %shift_right_logical3A_11 = arith.shrui %add3A_8, %shift_right_logical3A_10 : vector<5000x128xi32>
    %slice3A_12 = vector.extract_strided_slice %bitcast_convert_type3A {offsets = [5000, 0], sizes = [5000, 128], strides = [1, 1]} : vector<10000x128xi32> to vector<5000x128xi32>
    %add3A_13 = arith.constant 32767 : i32
    %add3A_14 = vector.broadcast %add3A_13 : i32 to vector<5000x128xi32>
    %add3A_15 = arith.addi %slice3A_12, %add3A_14 : vector<5000x128xi32>
    %shift_right_logical3A_16 = arith.constant 16 : i32
    %shift_right_logical3A_17 = vector.broadcast %shift_right_logical3A_16 : i32 to vector<5000x128xi32>
    %shift_right_logical3A_18 = arith.shrui %slice3A_12, %shift_right_logical3A_17 : vector<5000x128xi32>
    %and3A_19 = arith.constant 1 : i32
    %and3A_20 = vector.broadcast %and3A_19 : i32 to vector<5000x128xi32>
    %and3A_21 = arith.andi %shift_right_logical3A_18, %and3A_20 : vector<5000x128xi32>
    %add3A_22 = arith.addi %add3A_15, %and3A_21 : vector<5000x128xi32>
    %shift_right_logical3A_23 = arith.constant 16 : i32
    %shift_right_logical3A_24 = vector.broadcast %shift_right_logical3A_23 : i32 to vector<5000x128xi32>
    %shift_right_logical3A_25 = arith.shrui %add3A_22, %shift_right_logical3A_24 : vector<5000x128xi32>
    %roll3A = arith.constant 64 : i32
    %roll3A_26 = tpu.dynamic_rotate %shift_right_logical3A_11 by %roll3A dim 1 : vector<5000x128xi32>, i32 -> vector<5000x128xi32>
    %shift_left3A = arith.constant 16 : i32
    %shift_left3A_27 = vector.broadcast %shift_left3A : i32 to vector<5000x128xi32>
    %shift_left3A_28 = arith.shli %roll3A_26, %shift_left3A_27 : vector<5000x128xi32>
    %or3A = arith.ori %shift_right_logical3A_11, %shift_left3A_28 : vector<5000x128xi32>
    %roll3A_29 = arith.constant 64 : i32
    %roll3A_30 = tpu.dynamic_rotate %shift_right_logical3A_25 by %roll3A_29 dim 1 : vector<5000x128xi32>, i32 -> vector<5000x128xi32>
    %shift_left3A_31 = arith.constant 16 : i32
    %shift_left3A_32 = vector.broadcast %shift_left3A_31 : i32 to vector<5000x128xi32>
    %shift_left3A_33 = arith.shli %shift_right_logical3A_25, %shift_left3A_32 : vector<5000x128xi32>
    %or3A_34 = arith.ori %roll3A_30, %shift_left3A_33 : vector<5000x128xi32>
    %iota3A = tpu.iota {dimensions = array<i32: 1>} : vector<5000x128xi32>
    %lt3A = arith.constant 64 : i32
    %lt3A_35 = vector.broadcast %lt3A : i32 to vector<5000x128xi32>
    %lt3A_36 = arith.cmpi ult, %iota3A, %lt3A_35 : vector<5000x128xi32>
    %select_n3A = arith.select %lt3A_36, %or3A, %or3A_34 : vector<5000x128xi1>, vector<5000x128xi32>
    %bitcast_convert_type3A_37 = tpu.bitcast %select_n3A : vector<5000x128xi32> -> vector<5000x128xi32>
    %swap3A = arith.constant 0 : index
    %swap3A_38 = arith.constant 0 : index
    %swap3A_39 = vector.load %arg2[%swap3A, %swap3A_38] : memref<5000x128xi32, #tpu.memory_space<vmem>>, vector<5000x128xi32>
    tpu.vector_store %arg2[%swap3A, %swap3A_38], %bitcast_convert_type3A_37 {strides = array<i32>} : memref<5000x128xi32, #tpu.memory_space<vmem>>, vector<5000x128xi32>,
    return
  }
  func.func @transform_0(%arg0: i32) -> (i32, i32) {
    %c0_i32 = arith.constant 0 : i32
    %c0_i32_0 = arith.constant 0 : i32
    return %arg0, %c0_i32 : i32, i32
  }
  func.func @transform_1(%arg0: i32) -> (i32, i32) {
    %c0_i32 = arith.constant 0 : i32
    %c0_i32_0 = arith.constant 0 : i32
    return %arg0, %c0_i32 : i32, i32
  }
}

module attributes {stable_mosaic.version = 14 : i64} {
  func.func @_loss_tc_body(%arg0: memref<2048x128xf32, #tpu.memory_space<vmem>>, %arg1: memref<2048x128xf32, #tpu.memory_space<vmem>>, %arg2: memref<1x1xf32, #tpu.memory_space<smem>>) attributes {dimension_semantics = [], scalar_prefetch = 0 : i64, scratch_operands = 0 : i64, tpu.core_type = #tpu.core_type<tc>} {
    %get3A = arith.constant 0 : index
    %get3A_0 = arith.constant 0 : index
    %get3A_1 = vector.load %arg0[%get3A, %get3A_0] : memref<2048x128xf32, #tpu.memory_space<vmem>>, vector<2048x128xf32>
    %get3A_2 = arith.constant 0 : index
    %get3A_3 = arith.constant 0 : index
    %get3A_4 = vector.load %arg1[%get3A_2, %get3A_3] : memref<2048x128xf32, #tpu.memory_space<vmem>>, vector<2048x128xf32>
    %sub3A = arith.constant -3.20054416E-4 : f32
    %sub3A_5 = vector.broadcast %sub3A : f32 to vector<2048x128xf32>
    %sub3A_6 = arith.subf %sub3A_5, %get3A_1 : vector<2048x128xf32>
    %exp3A = math.exp %sub3A_6 : vector<2048x128xf32>
    %neg3A = arith.constant 0.000000e+00 : f32
    %neg3A_7 = vector.broadcast %neg3A : f32 to vector<2048x128xf32>
    %neg3A_8 = arith.subf %neg3A_7, %exp3A : vector<2048x128xf32>
    %log1p3A = math.log1p %neg3A_8 : vector<2048x128xf32>
    %reduce_sum3A = vector.shape_cast %log1p3A : vector<2048x128xf32> to vector<1x2048x128xf32>
    %reduce_sum3A_9 = arith.constant dense<0.000000e+00> : vector<1xf32>
    %reduce_sum3A_10 = vector.multi_reduction <add>, %reduce_sum3A, %reduce_sum3A_9 [1, 2] : vector<1x2048x128xf32> to vector<1xf32>
    %reduce_sum3A_11 = vector.shape_cast %reduce_sum3A_10 : vector<1xf32> to vector<1x1x1xf32>
    %reduce_sum3A_12 = vector.extract %reduce_sum3A_11[0, 0, 0] : f32 from vector<1x1x1xf32>
    %div3A = arith.constant 2.621440e+05 : f32
    %div3A_13 = arith.divf %reduce_sum3A_12, %div3A : f32
    %neg3A_14 = arith.constant 0.000000e+00 : f32
    %neg3A_15 = arith.subf %neg3A_14, %div3A_13 : f32
    %reduce_sum3A_16 = vector.shape_cast %get3A_4 : vector<2048x128xf32> to vector<1x2048x128xf32>
    %reduce_sum3A_17 = arith.constant dense<0.000000e+00> : vector<1xf32>
    %reduce_sum3A_18 = vector.multi_reduction <add>, %reduce_sum3A_16, %reduce_sum3A_17 [1, 2] : vector<1x2048x128xf32> to vector<1xf32>
    %reduce_sum3A_19 = vector.shape_cast %reduce_sum3A_18 : vector<1xf32> to vector<1x1x1xf32>
    %reduce_sum3A_20 = vector.extract %reduce_sum3A_19[0, 0, 0] : f32 from vector<1x1x1xf32>
    %div3A_21 = arith.constant 2.621440e+05 : f32
    %div3A_22 = arith.divf %reduce_sum3A_20, %div3A_21 : f32
    %mul3A = arith.constant 3123.96875 : f32
    %mul3A_23 = arith.mulf %mul3A, %div3A_22 : f32
    %add3A = arith.addf %neg3A_15, %mul3A_23 : f32
    %div3A_24 = arith.constant 3124.96875 : f32
    %div3A_25 = arith.divf %add3A, %div3A_24 : f32
    %swap3A = arith.constant 0 : index
    %swap3A_26 = arith.constant 0 : index
    %swap3A_27 = memref.load %arg2[%swap3A, %swap3A_26] : memref<1x1xf32, #tpu.memory_space<smem>>
    memref.store %div3A_25, %arg2[%swap3A, %swap3A_26] : memref<1x1xf32, #tpu.memory_space<smem>>
    return
  }
}

</mosaic_0001>

<sc_bundles>
// kernel: kernel.5.cloned.1.call-start
scs
__scs_entry_jumppad:
0x0: {  	(pc) =	sbr.rel $0x88, $3  }
0x1: {  	(tag) =	ssettag $0x0;
	lr =	simm.s32 $0x1  }
0x2: {  	[smem:$0x3F9E] =	sst lr;
	_ =	strace $0xD0000000  }
0x3: {  	_ = 	snop  }
0x4: {  	_ = 	snop  }
0x5: {  	_ = 	snop  }
0x6: {  	_ = 	snop  }
0x7: {  	_ = 	snop  }
__scs_overlays_trampoline_lowered:
0x8: {  	[smem:$0x3FAD] =	sst s0  }
0x9: {  	[smem:$0x3FAE] =	sst s1  }
0xa: {  	[smem:$0x3FAF] =	sst s2  }
0xb: {  	[smem:$0x3FB0] =	sst s3  }
0xc: {  	[smem:$0x3FB1] =	sst s4  }
0xd: {  	[smem:$0x3FB2] =	sst s5  }
0xe: {  	[smem:$0x3FB3] =	sst s6  }
0xf: {  	[smem:$0x3FB4] =	sst s7  }
0x10: {  	[smem:$0x3FB5] =	sst s8  }
0x11: {  	[smem:$0x3FB6] =	sst s9;
	s0 =	simm.s32 @!p0 $0x0  }
0x12: {  	s1 =	sld [smem:$0x3F9C];
	s0 =	simm.s32 @p0 $0x1  }
0x13: {  	[smem:$0x3FB7] =	sst s0;
	s0 =	simm.s32 @!p1 $0x0  }
0x14: {  	s2 =	sld [smem:$0x3F9B];
	s0 =	simm.s32 @p1 $0x1  }
0x15: {  	[smem:$0x3FB8] =	sst s0;
	s0 =	simm.s32 @!p2 $0x0  }
0x16: {  	s3 =	sld [smem:$0x3FDB];
	s0 =	simm.s32 @p2 $0x1  }
0x17: {  	s4 =	simm.s32 $0x1BF5;
	[smem:$0x3FBA] =	sst s0  }
0x18: {  	s0 =	sld [smem:$0x3F9D];
	_ =	swait.ge [sflag:s4], $0x0  }
0x19: {  	s7 =	sld [smem:$0x3F9E]  }
0x1a: {  	s8 =	sadd.s32 $0xFFFFE003, lr  }
0x1b: {  	s9 =	sadd.s32 $0xFFFFFEF7, lr;
	s5 =	simm.s32 $0xFFFFFFFF;
	p2 =	slt.u32 s8, $0xFFFFF086  }
0x1c: {  	p1 =	slt.u32 s9, $0xF7A;
	s5 =	simm.s32 @!p2 $0x0  }
0x1d: {  	s5 =	simm.s32 @p1 $0x1;
	p0 =	seq.s32 s7, s2  }
0x1e: {  	s7 =	smul.u32 @!p0 $0xF7A, s2;
	p2 =	seq.s32 @!p0 s5, $0x0  }
0x1f: {  	s9 =	smul.u32 $0xF7A, s1;
	s8 =	simm.s32 @!p0 $0x1BF5;
	p2 =	por !p2, p0  }
0x20: {  	[sflag:s8] =	ssyncset.s32 @!p0 $0xFFFFF086;
	s6 =	sadd.s32 @!p0 s3, s7;
	s7 =	simm.s32 @!p0 $0x108  }
0x21: {  	s3 =	sadd.s32 s3, s9;
	s6 =	sadd.s32 @!p0 $0x88, s6;
	s7 =	simm.s32 @p2 $0x1082  }
0x22: {  	[simem:s7], [sflag:s8] =	dma.local @!p0 [hbm:s6], $0xF7A  }
0x23: {  	s9 =	sor.u32 $0xD0000000, s2;
	s6 =	simm.s32 $0x108;
	_ =	swait.ge @!p0 [sflag:s8], $0x0  }
0x24: {  	s3 =	sadd.s32 $0x88, s3;
	s6 =	simm.s32 @!p1 $0x1082;
	[sflag:s4] =	ssyncset.s32 $0xFFFFF086  }
0x25: {  	[simem:s6], [sflag:s4] =	dma.local [hbm:s3], $0xF7A  }
0x26: {  	[smem:$0x3F9E] =	sst s1;
	(tag) =	ssettag s2;
	_ =	strace s9  }
0x27: {  	s1 =	sld [smem:$0x3FAE]  }
0x28: {  	s2 =	sld [smem:$0x3FAF]  }
0x29: {  	s4 =	sld [smem:$0x3FB1]  }
0x2a: {  	p0 =	seq.s32 s5, $0x0;
	s5 =	sld [smem:$0x3FB2]  }
0x2b: {  	s6 =	sld [smem:$0x3FB3]  }
0x2c: {  	s7 =	sld [smem:$0x3FB4]  }
0x2d: {  	s3 =	simm.s32 $0x108;
	s8 =	sld [smem:$0x3FB5]  }
0x2e: {  	s3 =	simm.s32 @!p0 $0x1082;
	s9 =	sld [smem:$0x3FB6]  }
0x2f: {  	lr =	sadd.s32 s0, s3;
	s0 =	sld [smem:$0x3FAD]  }
0x30: {  	s3 =	sld [smem:$0x3FB0]  }
0x31: {  	[smem:$0x3FB9] =	sst s10  }
0x32: {  	s10 =	sld [smem:$0x3FB7];
	_ =	sdelay $0x3  }
0x33: {  	p0 =	seq.s32 s10, $0x1;
	s10 =	sld [smem:$0x3FB9];
	_ =	sdelay $0x3  }
0x34: {  	[smem:$0x3FB9] =	sst s10  }
0x35: {  	s10 =	sld [smem:$0x3FB8];
	_ =	sdelay $0x3  }
0x36: {  	p1 =	seq.s32 s10, $0x1;
	s10 =	sld [smem:$0x3FB9];
	_ =	sdelay $0x3  }
0x37: {  	[smem:$0x3FB9] =	sst s10  }
0x38: {  	s10 =	sld [smem:$0x3FBA]  }
0x39: {  	_ = 	snop;
	(pc) =	sbr.ind lr, $3  }
0x3a: {  	_ = 	snop  }
0x3b: {  	_ = 	snop  }
0x3c: {  	p2 =	seq.s32 s10, $0x1;
	s10 =	sld [smem:$0x3FB9]  }
0x3d: {  	_ =	shalt  }
0x3e: {  	_ =	shalt  }
0x3f: {  	_ =	shalt  }
0x40: {  	_ =	shalt  }
0x41: {  	_ =	shalt  }
0x42: {  	_ =	shalt  }
0x43: {  	_ =	shalt  }
0x44: {  	_ =	shalt  }
0x45: {  	_ =	shalt  }
0x46: {  	_ =	shalt  }
0x47: {  	_ =	shalt  }
0x48: {  	_ =	shalt  }
0x49: {  	_ =	shalt  }
0x4a: {  	_ =	shalt  }
0x4b: {  	_ =	shalt  }
0x4c: {  	_ =	shalt  }
0x4d: {  	_ =	shalt  }
0x4e: {  	_ =	shalt  }
0x4f: {  	_ =	shalt  }
0x50: {  	_ =	shalt  }
0x51: {  	_ =	shalt  }
0x52: {  	_ =	shalt  }
0x53: {  	_ =	shalt  }
0x54: {  	_ =	shalt  }
0x55: {  	_ =	shalt  }
0x56: {  	_ =	shalt  }
0x57: {  	_ =	shalt  }
0x58: {  	_ =	shalt  }
0x59: {  	_ =	shalt  }
0x5a: {  	_ =	shalt  }
0x5b: {  	_ =	shalt  }
0x5c: {  	_ =	shalt  }
0x5d: {  	_ =	shalt  }
0x5e: {  	_ =	shalt  }
0x5f: {  	_ =	shalt  }
0x60: {  	_ =	shalt  }
0x61: {  	_ =	shalt  }
0x62: {  	_ =	shalt  }
0x63: {  	_ =	shalt  }
0x64: {  	_ =	shalt  }
0x65: {  	_ =	shalt  }
0x66: {  	_ =	shalt  }
0x67: {  	_ =	shalt  }
0x68: {  	_ =	shalt  }
0x69: {  	_ =	shalt  }
0x6a: {  	_ =	shalt  }
0x6b: {  	_ =	shalt  }
0x6c: {  	_ =	shalt  }
0x6d: {  	_ =	shalt  }
0x6e: {  	_ =	shalt  }
0x6f: {  	_ =	shalt  }
0x70: {  	_ =	shalt  }
0x71: {  	_ =	shalt  }
0x72: {  	_ =	shalt  }
0x73: {  	_ =	shalt  }
0x74: {  	_ =	shalt  }
0x75: {  	_ =	shalt  }
0x76: {  	_ =	shalt  }
0x77: {  	_ =	shalt  }
0x78: {  	_ =	shalt  }
0x79: {  	_ =	shalt  }
0x7a: {  	_ =	shalt  }
0x7b: {  	_ =	shalt  }
0x7c: {  	_ =	shalt  }
0x7d: {  	_ =	shalt  }
0x7e: {  	_ =	shalt  }
0x7f: {  	_ =	shalt  }
0x80: {  	_ =	shalt  }
0x81: {  	_ =	shalt  }
0x82: {  	_ =	shalt  }
0x83: {  	_ =	shalt  }
0x84: {  	_ =	shalt  }
0x85: {  	_ =	shalt  }
0x86: {  	_ =	shalt  }
0x87: {  	_ =	shalt  }
.Lfunc_end0:
.L_simem_size_0:
called_computation_lowered:
.L_overlay_start_0:
0x88: {  	s2 =	sld [smem:$0x3FD9]  }
0x89: {  	s3 =	sld [smem:$0x3FFE];
	_ =	sdelay $0x1  }
0x8a: {  	s1 =	srdreg.scid  }
0x8b: {  	s0 =	sand.u32 $0x1, s1  }
0x8c: {  	s16 =	sshll.u32 s0, $0xA;
	s2 =	sadd.s32 s3, s2  }
0x8d: {  	s2 =	sadd.s32 s2, s16  }
0x8e: {  	[smem:$0x3FC5] =	sst s2  }
0x8f: {  	_ = 	snop  }
0x90: {  	(tm) =	ssettm $0x1  }
0x91: {  	s17 =	sld [smem:$0x3FFB];
	_ =	sdelay $0x3  }
0x92: {  	_ =	strace s17  }
0x93: {  	s2 =	sld [smem:$0x3FFC];
	_ =	sdelay $0x3  }
0x94: {  	_ =	strace s2  }
0x95: {  	s2 =	sld [smem:$0x3FFD];
	_ =	sdelay $0x3  }
0x96: {  	_ =	strace s2  }
0x97: {  	_ =	strace $0x8FFFFFFF  }
0x98: {  	s18 =	sld [smem:$0x3FDB];
	_ =	sdelay $0x1  }
0x99: {  	s19 =	simm.s32 $_scs_section_size  }
0x9a: {  	s4 =	simm.s32 $_size__tile_overlayer_lowered;
	s5 =	simm.s32 $_tile_overlayer_lowered  }
0x9b: {  	s22 =	simm.s32 $0x1BFF;
	s21 =	sshll.u32 s5, $0x1;
	s2 =	sadd.s32 s19, s18  }
0x9c: {  	s6 =	simm.s32 $0x0;
	s20 =	sshll.u32 s4, $0x1;
	s4 =	sadd.s32 s21, s2  }
0x9d: {  	[timem:s6], [sflag:s22] =	dma.local [hbm:s4], s20  }
0x9e: {  	_ =	swait.ge [sflag:s22], s20  }
0x9f: {  	s3 =	ssub.s32 $0x0, s20;
	[sflag:s22] =	ssyncset.done $0x0  }
0xa0: {  	[sflag:s22] =	ssyncadd.s32 s3;
	_ =	sdelay $0x1  }
0xa1: {  	s23 =	simm.s32 $0x1B8B  }
0xa2: {  	_ =	swait.ge [sflag:s23], $0x1  }
0xa3: {  	[sflag:s23] =	ssyncset.done $0x0  }
0xa4: {  	s25 =	simm.s32 $0x1B8E;
	s24 =	sld [smem:$0x3FFE];
	[sflag:s23] =	ssyncadd.s32 $0xFFFFFFFF  }
0xa5: {  	s26 =	simm.s32 $execute0_lowered;
	[smem:$0x3FD2] =	sst s25  }
0xa6: {  	s4 =	sshll.u32 s26, $0x1;
	_ =	strace $0x80000046;
	[dreg:$0x1] =	wrdreg $0xFFFFFFFF  }
0xa7: {  	s28 =	simm.s32 $_size_execute0_lowered;
	s2 =	sadd.s32 s2, s4;
	[dreg:$0x0] =	wrdreg $0x0  }
0xa8: {  	s4 =	sshll.u32 s28, $0x1;
	[dreg:$0x2] =	wrdreg s2  }
0xa9: {  	[dreg:$0x3] =	wrdreg s4  }
0xaa: {  	[dreg:$0x4] =	wrdreg $0xC0  }
0xab: {  	_ =	task [dreg:s6], $0x5FFFF  }
0xac: {  	[dreg:$0x1] =	wrdreg $0xFFFFFFFF  }
0xad: {  	[dreg:$0x0] =	wrdreg $0x60  }
0xae: {  	[dreg:$0x2] =	wrdreg s24  }
0xaf: {  	[dreg:$0x3] =	wrdreg $0x9  }
0xb0: {  	_ =	task.clear_ibuf [dreg:s6], $0x4FFFF;
	_ =	strace $0x90000046  }
0xb1: {  	s29 =	simm.s32 $0x9;
	_ =	strace $0x80000048  }
0xb2: {  	_ =	swait.ge [sflag:s29], $0x1  }
0xb3: {  	[sflag:s29] =	ssyncadd.s32 $0xFFFFFFFF  }
0xb4: {  	_ =	strace $0x90000048  }
0xb5: {  	_ =	sfence  }
0xb6: {  	s30 =	sld [smem:$0x0];
	_ =	sdelay $0x2  }
0xb7: {  	s31 =	sshll.u32 s1, $0xD;
	s1 =	sshrl.u32 s1, $0x2  }
0xb8: {  	s3 =	sand.u32 $0x4000, s31;
	s1 =	sadd.s32 s1, s30  }
0xb9: {  	s0 =	sor.u32 s3, s0;
	s1 =	sshll.u32 s1, $0x11  }
0xba: {  	s0 =	sor.u32 s1, s0  }
0xbb: {  	s0 =	sadd.s32 $0x8F2B, s0  }
0xbc: {  	[sflag:s0] =	ssyncadd.remote.s32 $0x1  }
0xbd: {  	_ =	sfence.sel $0xFFFF  }
0xbe: {  	[dreg:$0x0] =	wrdreg $0xFFFFFFFF;
	(pc) =	sbr.abs _section_cstart, $3  }
0xbf: {  	[dreg:$0x1] =	wrdreg $0xFFFFFFFF  }
0xc0: {  	_ =	task.clear_ibuf [dreg:s6], $0x2FFFF;
	_ =	strace $0x9FFFFFFF  }
0xc1: {  	(tm) =	ssettm $0x7FFFFFFF  }
tec
execute0_lowered:
.L_overlay_start_1:
0x0: {  	(tag) =	ssettag $0x1  }
0x1: {  	s5 =	rddreg [dreg:$0x0]  }
0x2: {  	s0 =	rddreg [dreg:$0x1];
	s3 =	srdreg.scid;
	s2 =	simm.s32 $0x0  }
0x3: {  	s1 =	stileid.u32;
	s9 =	simm.s32 $0x3;
	s10 =	simm.s32 $0x4000  }
0x4: {  	s11 =	simm.s32 $0x80;
	s12 =	simm.s32 $0x8000;
	s13 =	simm.s32 $0xA000  }
0x5: {  	s14 =	simm.s32 $0xC000;
	s15 =	simm.s32 $0xE000;
	s16 =	simm.s32 $0x1  }
0x6: {  	s17 =	simm.s32 $0x10000;
	s18 =	simm.s32 $0x10800;
	s19 =	simm.s32 $0x2  }
0x7: {  	s20 =	simm.s32 $0x0;
	s30 =	simm.s32 $0x10;
	s4 =	sand.u32 $0x1, s3  }
0x8: {  	[smem:$0x7FF] =	sst s2;
	s29 =	sshll.u32 s1, $0xF;
	s6 =	sshll.u32 s4, $0xE  }
0x9: {  	_ =	strace $0x80000047;
	s31 =	ssub.s32 $0x2, s4;
	s3 =	sor.u32 s6, s29  }
0xa: {  	s4 =	sadd.s32 $0xC00, s5;
	s8 =	sshrl.u32 s31, $0x1;
	s7 =	sshrl.u32 s3, $0x3  }
0xb: {  	v0 =	vlaneseq.u32;
	s8 =	ssub.s32 s31, s8;
	s7 =	sadd.s32 s7, s5;
	s5 =	sadd.s32 $0xE4200, s5  }
0xc: {  	v0 =	vmul.u32 $0x10, v0;
	s8 =	smax.u32 s8, $0x1;
	s6 =	sadd.s32 $0xD4200, s7;
	s7 =	sadd.s32 $0xC4200, s7  }
.LBB2_1:
0xd: {  	[tilespmem:s2], [sflag:$0x3] =	stream.linear.gather [hbm4b:s6+s2], $0x4000, $0x38;
	[tilespmem:$0x10880] =	vst v63  }
0xe: {  	_ =	swait.ge [sflag:s9], $0x4000  }
0xf: {  	[sflag:s9] =	ssyncset.done $0x0  }
0x10: {  	[sflag:s9] =	ssyncadd.s32 $0xFFFFC000  }
0x11: {  	[tilespmem:s10], [sflag:$0x3] =	stream.linear.gather [hbm4b:s7+s2], $0x4000, $0x38;
	[tilespmem:$0x10880] =	vst v63  }
0x12: {  	_ =	swait.ge [sflag:s9], $0x4000  }
0x13: {  	[sflag:s9] =	ssyncset.done $0x0  }
0x14: {  	[sflag:s9] =	ssyncadd.s32 $0xFFFFC000  }
0x15: {  	[tilespmem:s12], [sflag:$0x1] =	stream.indirect.gather [hbm4b:s4+s11], $0x40, s2, s11, $0xb8;
	[tilespmem:$0x10880] =	vst v63  }
0x16: {  	s21 =	simm.s32 $0x0  }
0x17: {  	[tilespmem:s13], [sflag:$0x1] =	stream.indirect.gather [hbm4b:s4+s11], $0x40, s10, s11, $0xb8;
	[tilespmem:$0x10880] =	vst v63  }
.LBB2_2:
0x18: {  	s23 =	sshll.u32 s21, $0x8  }
0x19: {  	s22 =	sor.u32 $0x80, s23  }
0x1a: {  	[tilespmem:s14], [sflag:$0x2] =	stream.indirect.gather [hbm4b:s4+s11], $0x40, s22, s11, $0xb8;
	[tilespmem:$0x10880] =	vst v63  }
0x1b: {  	s24 =	sadd.s32 $0x4080, s23  }
0x1c: {  	[tilespmem:s15], [sflag:$0x2] =	stream.indirect.gather [hbm4b:s4+s11], $0x40, s24, s11, $0xb8;
	[tilespmem:$0x10880] =	vst v63  }
0x1d: {  	_ =	swait.ge [sflag:s16], $0x2000  }
0x1e: {  	[sflag:s16] =	ssyncset.done $0x0  }
0x1f: {  	[sflag:s16] =	ssyncadd.s32 $0xFFFFE000  }
0x20: {  	_ =	swait.ge [sflag:s16], $0x2000  }
0x21: {  	s25 =	simm.s32 $0xFFFFFFF0;
	s26 =	simm.s32 $0xA200;
	[sflag:s16] =	ssyncset.done $0x0  }
0x22: {  	s28 =	simm.s32 $0x8200;
	s29 =	simm.s32 $0x10080;
	[sflag:s16] =	ssyncadd.s32 $0xFFFFE000  }
.LBB2_3:
0x23: {  	v1 =	vld [tilespmem:s28+$0xFFFFFE00]  }
0x24: {  	v2 =	vld [tilespmem:s26+$0xFFFFFE00]  }
0x25: {  	v3 =	vld [tilespmem:s28+$0xFFFFFE10]  }
0x26: {  	v4 =	vld [tilespmem:s26+$0xFFFFFE10]  }
0x27: {  	v5 =	vld [tilespmem:s28+$0xFFFFFE20]  }
0x28: {  	v6 =	vld [tilespmem:s26+$0xFFFFFE20]  }
0x29: {  	v7 =	vld [tilespmem:s28+$0xFFFFFE30]  }
0x2a: {  	v8 =	vld [tilespmem:s26+$0xFFFFFE30];
	_ =	sdelay $0x3  }
0x2b: {  	v1 =	vmul.bf16 v2, v1;
	v2 =	vmul.bf16 v4, v3  }
0x2c: {  	v3 =	vmul.bf16 v6, v5;
	v25 =	vmul.bf16 v8, v7;
	_ =	sdelay $0x1  }
0x2d: {  	v1 =	vadd.bf16 v3, v1;
	v2 =	vadd.bf16 v25, v2;
	_ =	sdelay $0x1  }
0x2e: {  	v1 =	vadd.bf16 v2, v1;
	_ =	sdelay $0x1  }
0x2f: {  	v2 =	vunpack.i.u.bf16.f32 v1;
	v1 =	vunpack.i.l.bf16.f32 v1  }
0x30: {  	v1 =	vadd.f32 v1, v2;
	_ =	sdelay $0x1  }
0x31: {  	[tilespmem:s29+$0xFFFFFF80] =	vst v1  }
0x32: {  	v1 =	vld [tilespmem:s28+$0xFFFFFE40]  }
0x33: {  	v2 =	vld [tilespmem:s26+$0xFFFFFE40]  }
0x34: {  	v3 =	vld [tilespmem:s28+$0xFFFFFE50]  }
0x35: {  	v26 =	vld [tilespmem:s26+$0xFFFFFE50]  }
0x36: {  	v27 =	vld [tilespmem:s28+$0xFFFFFE60]  }
0x37: {  	v28 =	vld [tilespmem:s26+$0xFFFFFE60]  }
0x38: {  	v29 =	vld [tilespmem:s28+$0xFFFFFE70]  }
0x39: {  	v30 =	vld [tilespmem:s26+$0xFFFFFE70];
	_ =	sdelay $0x3  }
0x3a: {  	v1 =	vmul.bf16 v2, v1;
	v2 =	vmul.bf16 v26, v3  }
0x3b: {  	v3 =	vmul.bf16 v28, v27;
	v31 =	vmul.bf16 v30, v29;
	_ =	sdelay $0x1  }
0x3c: {  	v1 =	vadd.bf16 v3, v1;
	v2 =	vadd.bf16 v31, v2;
	_ =	sdelay $0x1  }
0x3d: {  	v1 =	vadd.bf16 v2, v1;
	_ =	sdelay $0x1  }
0x3e: {  	v2 =	vunpack.i.u.bf16.f32 v1;
	v1 =	vunpack.i.l.bf16.f32 v1  }
0x3f: {  	v1 =	vadd.f32 v1, v2;
	_ =	sdelay $0x1  }
0x40: {  	[tilespmem:s29+$0xFFFFFF90] =	vst v1  }
0x41: {  	v1 =	vld [tilespmem:s28+$0xFFFFFE80]  }
0x42: {  	v2 =	vld [tilespmem:s26+$0xFFFFFE80]  }
0x43: {  	v3 =	vld [tilespmem:s28+$0xFFFFFE90]  }
0x44: {  	v32 =	vld [tilespmem:s26+$0xFFFFFE90]  }
0x45: {  	v33 =	vld [tilespmem:s28+$0xFFFFFEA0]  }
0x46: {  	v34 =	vld [tilespmem:s26+$0xFFFFFEA0]  }
0x47: {  	v35 =	vld [tilespmem:s28+$0xFFFFFEB0]  }
0x48: {  	v36 =	vld [tilespmem:s26+$0xFFFFFEB0];
	_ =	sdelay $0x3  }
0x49: {  	v1 =	vmul.bf16 v2, v1;
	v2 =	vmul.bf16 v32, v3  }
0x4a: {  	v3 =	vmul.bf16 v34, v33;
	v37 =	vmul.bf16 v36, v35;
	_ =	sdelay $0x1  }
0x4b: {  	v1 =	vadd.bf16 v3, v1;
	v2 =	vadd.bf16 v37, v2;
	_ =	sdelay $0x1  }
0x4c: {  	v1 =	vadd.bf16 v2, v1;
	_ =	sdelay $0x1  }
0x4d: {  	v2 =	vunpack.i.u.bf16.f32 v1;
	v1 =	vunpack.i.l.bf16.f32 v1  }
0x4e: {  	v1 =	vadd.f32 v1, v2;
	_ =	sdelay $0x1  }
0x4f: {  	[tilespmem:s29+$0xFFFFFFA0] =	vst v1  }
0x50: {  	v1 =	vld [tilespmem:s28+$0xFFFFFEC0]  }
0x51: {  	v2 =	vld [tilespmem:s26+$0xFFFFFEC0]  }
0x52: {  	v3 =	vld [tilespmem:s28+$0xFFFFFED0]  }
0x53: {  	v38 =	vld [tilespmem:s26+$0xFFFFFED0]  }
0x54: {  	v39 =	vld [tilespmem:s28+$0xFFFFFEE0]  }
0x55: {  	v40 =	vld [tilespmem:s26+$0xFFFFFEE0]  }
0x56: {  	v41 =	vld [tilespmem:s28+$0xFFFFFEF0]  }
0x57: {  	v42 =	vld [tilespmem:s26+$0xFFFFFEF0];
	_ =	sdelay $0x3  }
0x58: {  	v1 =	vmul.bf16 v2, v1;
	v2 =	vmul.bf16 v38, v3  }
0x59: {  	v3 =	vmul.bf16 v40, v39;
	v43 =	vmul.bf16 v42, v41;
	_ =	sdelay $0x1  }
0x5a: {  	v1 =	vadd.bf16 v3, v1;
	v2 =	vadd.bf16 v43, v2;
	_ =	sdelay $0x1  }
0x5b: {  	v1 =	vadd.bf16 v2, v1;
	_ =	sdelay $0x1  }
0x5c: {  	v2 =	vunpack.i.u.bf16.f32 v1;
	v1 =	vunpack.i.l.bf16.f32 v1  }
0x5d: {  	v1 =	vadd.f32 v1, v2;
	_ =	sdelay $0x1  }
0x5e: {  	[tilespmem:s29+$0xFFFFFFB0] =	vst v1  }
0x5f: {  	v1 =	vld [tilespmem:s28+$0xFFFFFF00]  }
0x60: {  	v2 =	vld [tilespmem:s26+$0xFFFFFF00]  }
0x61: {  	v3 =	vld [tilespmem:s28+$0xFFFFFF10]  }
0x62: {  	v44 =	vld [tilespmem:s26+$0xFFFFFF10]  }
0x63: {  	v45 =	vld [tilespmem:s28+$0xFFFFFF20]  }
0x64: {  	v46 =	vld [tilespmem:s26+$0xFFFFFF20]  }
0x65: {  	v47 =	vld [tilespmem:s28+$0xFFFFFF30]  }
0x66: {  	v48 =	vld [tilespmem:s26+$0xFFFFFF30];
	_ =	sdelay $0x3  }
0x67: {  	v1 =	vmul.bf16 v2, v1;
	v2 =	vmul.bf16 v44, v3  }
0x68: {  	v3 =	vmul.bf16 v46, v45;
	v49 =	vmul.bf16 v48, v47;
	_ =	sdelay $0x1  }
0x69: {  	v1 =	vadd.bf16 v3, v1;
	v2 =	vadd.bf16 v49, v2;
	_ =	sdelay $0x1  }
0x6a: {  	v1 =	vadd.bf16 v2, v1;
	_ =	sdelay $0x1  }
0x6b: {  	v2 =	vunpack.i.u.bf16.f32 v1;
	v1 =	vunpack.i.l.bf16.f32 v1  }
0x6c: {  	v1 =	vadd.f32 v1, v2;
	_ =	sdelay $0x1  }
0x6d: {  	[tilespmem:s29+$0xFFFFFFC0] =	vst v1  }
0x6e: {  	v1 =	vld [tilespmem:s28+$0xFFFFFF40]  }
0x6f: {  	v2 =	vld [tilespmem:s26+$0xFFFFFF40]  }
0x70: {  	v3 =	vld [tilespmem:s28+$0xFFFFFF50]  }
0x71: {  	v50 =	vld [tilespmem:s26+$0xFFFFFF50]  }
0x72: {  	v51 =	vld [tilespmem:s28+$0xFFFFFF60]  }
0x73: {  	v52 =	vld [tilespmem:s26+$0xFFFFFF60]  }
0x74: {  	v53 =	vld [tilespmem:s28+$0xFFFFFF70]  }
0x75: {  	v54 =	vld [tilespmem:s26+$0xFFFFFF70];
	_ =	sdelay $0x3  }
0x76: {  	v1 =	vmul.bf16 v2, v1;
	v2 =	vmul.bf16 v50, v3  }
0x77: {  	v3 =	vmul.bf16 v52, v51;
	v55 =	vmul.bf16 v54, v53;
	_ =	sdelay $0x1  }
0x78: {  	v1 =	vadd.bf16 v3, v1;
	v2 =	vadd.bf16 v55, v2;
	_ =	sdelay $0x1  }
0x79: {  	v1 =	vadd.bf16 v2, v1;
	_ =	sdelay $0x1  }
0x7a: {  	v2 =	vunpack.i.u.bf16.f32 v1;
	v1 =	vunpack.i.l.bf16.f32 v1  }
0x7b: {  	v1 =	vadd.f32 v1, v2;
	_ =	sdelay $0x1  }
0x7c: {  	[tilespmem:s29+$0xFFFFFFD0] =	vst v1  }
0x7d: {  	v1 =	vld [tilespmem:s28+$0xFFFFFF80]  }
0x7e: {  	v2 =	vld [tilespmem:s26+$0xFFFFFF80]  }
0x7f: {  	v3 =	vld [tilespmem:s28+$0xFFFFFF90]  }
0x80: {  	v56 =	vld [tilespmem:s26+$0xFFFFFF90]  }
0x81: {  	v57 =	vld [tilespmem:s28+$0xFFFFFFA0]  }
0x82: {  	v58 =	vld [tilespmem:s26+$0xFFFFFFA0]  }
0x83: {  	v59 =	vld [tilespmem:s28+$0xFFFFFFB0]  }
0x84: {  	v60 =	vld [tilespmem:s26+$0xFFFFFFB0];
	_ =	sdelay $0x3  }
0x85: {  	v1 =	vmul.bf16 v2, v1;
	v2 =	vmul.bf16 v56, v3  }
0x86: {  	v3 =	vmul.bf16 v58, v57;
	v61 =	vmul.bf16 v60, v59;
	_ =	sdelay $0x1  }
0x87: {  	v1 =	vadd.bf16 v3, v1;
	v2 =	vadd.bf16 v61, v2;
	_ =	sdelay $0x1  }
0x88: {  	v1 =	vadd.bf16 v2, v1;
	_ =	sdelay $0x1  }
0x89: {  	v2 =	vunpack.i.u.bf16.f32 v1;
	v1 =	vunpack.i.l.bf16.f32 v1  }
0x8a: {  	v1 =	vadd.f32 v1, v2;
	_ =	sdelay $0x1  }
0x8b: {  	[tilespmem:s29+$0xFFFFFFE0] =	vst v1  }
0x8c: {  	v1 =	vld [tilespmem:s28+$0xFFFFFFC0]  }
0x8d: {  	v2 =	vld [tilespmem:s26+$0xFFFFFFC0]  }
0x8e: {  	v3 =	vld [tilespmem:s28+$0xFFFFFFD0]  }
0x8f: {  	v62 =	vld [tilespmem:s26+$0xFFFFFFD0]  }
0x90: {  	v63 =	vld [tilespmem:s28+$0xFFFFFFE0]  }
0x91: {  	v12 =	vld [tilespmem:s26+$0xFFFFFFE0]  }
0x92: {  	v13 =	vld [tilespmem:s28+$0xFFFFFFF0]  }
0x93: {  	v14 =	vld [tilespmem:s26+$0xFFFFFFF0];
	_ =	sdelay $0x3  }
0x94: {  	v1 =	vmul.bf16 v2, v1;
	v2 =	vmul.bf16 v62, v3  }
0x95: {  	v3 =	vmul.bf16 v12, v63;
	v15 =	vmul.bf16 v14, v13;
	_ =	sdelay $0x1  }
0x96: {  	v1 =	vadd.bf16 v3, v1;
	v2 =	vadd.bf16 v15, v2;
	_ =	sdelay $0x1  }
0x97: {  	v1 =	vadd.bf16 v2, v1;
	_ =	sdelay $0x1  }
0x98: {  	v2 =	vunpack.i.u.bf16.f32 v1;
	v1 =	vunpack.i.l.bf16.f32 v1  }
0x99: {  	v1 =	vadd.f32 v1, v2;
	_ =	sdelay $0x1  }
0x9a: {  	[tilespmem:s29+$0xFFFFFFF0] =	vst v1  }
0x9b: {  	v1 =	vld [tilespmem:s28+$0x0]  }
0x9c: {  	v2 =	vld [tilespmem:s26+$0x0]  }
0x9d: {  	v3 =	vld [tilespmem:s28+$0x10]  }
0x9e: {  	v16 =	vld [tilespmem:s26+$0x10]  }
0x9f: {  	v17 =	vld [tilespmem:s28+$0x20]  }
0xa0: {  	v18 =	vld [tilespmem:s26+$0x20]  }
0xa1: {  	v19 =	vld [tilespmem:s28+$0x30]  }
0xa2: {  	v20 =	vld [tilespmem:s26+$0x30];
	_ =	sdelay $0x3  }
0xa3: {  	v1 =	vmul.bf16 v2, v1;
	v2 =	vmul.bf16 v16, v3  }
0xa4: {  	v3 =	vmul.bf16 v18, v17;
	v21 =	vmul.bf16 v20, v19;
	_ =	sdelay $0x1  }
0xa5: {  	v1 =	vadd.bf16 v3, v1;
	v2 =	vadd.bf16 v21, v2;
	_ =	sdelay $0x1  }
0xa6: {  	v1 =	vadd.bf16 v2, v1;
	_ =	sdelay $0x1  }
0xa7: {  	v2 =	vunpack.i.u.bf16.f32 v1;
	v1 =	vunpack.i.l.bf16.f32 v1  }
0xa8: {  	v1 =	vadd.f32 v1, v2;
	_ =	sdelay $0x1  }
0xa9: {  	[tilespmem:s29+$0x0] =	vst v1  }
0xaa: {  	v1 =	vld [tilespmem:s28+$0x40]  }
0xab: {  	v2 =	vld [tilespmem:s26+$0x40]  }
0xac: {  	v3 =	vld [tilespmem:s28+$0x50]  }
0xad: {  	v22 =	vld [tilespmem:s26+$0x50]  }
0xae: {  	v23 =	vld [tilespmem:s28+$0x60]  }
0xaf: {  	v24 =	vld [tilespmem:s26+$0x60]  }
0xb0: {  	v25 =	vld [tilespmem:s28+$0x70]  }
0xb1: {  	v26 =	vld [tilespmem:s26+$0x70];
	_ =	sdelay $0x3  }
0xb2: {  	v1 =	vmul.bf16 v2, v1;
	v2 =	vmul.bf16 v22, v3  }
0xb3: {  	v3 =	vmul.bf16 v24, v23;
	v27 =	vmul.bf16 v26, v25;
	_ =	sdelay $0x1  }
0xb4: {  	v1 =	vadd.bf16 v3, v1;
	v2 =	vadd.bf16 v27, v2;
	_ =	sdelay $0x1  }
0xb5: {  	v1 =	vadd.bf16 v2, v1;
	_ =	sdelay $0x1  }
0xb6: {  	v2 =	vunpack.i.u.bf16.f32 v1;
	v1 =	vunpack.i.l.bf16.f32 v1  }
0xb7: {  	v1 =	vadd.f32 v1, v2;
	_ =	sdelay $0x1  }
0xb8: {  	[tilespmem:s29+$0x10] =	vst v1  }
0xb9: {  	v1 =	vld [tilespmem:s28+$0x80]  }
0xba: {  	v2 =	vld [tilespmem:s26+$0x80]  }
0xbb: {  	v3 =	vld [tilespmem:s28+$0x90]  }
0xbc: {  	v28 =	vld [tilespmem:s26+$0x90]  }
0xbd: {  	v29 =	vld [tilespmem:s28+$0xA0]  }
0xbe: {  	v30 =	vld [tilespmem:s26+$0xA0]  }
0xbf: {  	v31 =	vld [tilespmem:s28+$0xB0]  }
0xc0: {  	v32 =	vld [tilespmem:s26+$0xB0];
	_ =	sdelay $0x3  }
0xc1: {  	v1 =	vmul.bf16 v2, v1;
	v2 =	vmul.bf16 v28, v3  }
0xc2: {  	v3 =	vmul.bf16 v30, v29;
	v33 =	vmul.bf16 v32, v31;
	_ =	sdelay $0x1  }
0xc3: {  	v1 =	vadd.bf16 v3, v1;
	v2 =	vadd.bf16 v33, v2;
	_ =	sdelay $0x1  }
0xc4: {  	v1 =	vadd.bf16 v2, v1;
	_ =	sdelay $0x1  }
0xc5: {  	v2 =	vunpack.i.u.bf16.f32 v1;
	v1 =	vunpack.i.l.bf16.f32 v1  }
0xc6: {  	v1 =	vadd.f32 v1, v2;
	_ =	sdelay $0x1  }
0xc7: {  	[tilespmem:s29+$0x20] =	vst v1  }
0xc8: {  	v1 =	vld [tilespmem:s28+$0xC0]  }
0xc9: {  	v2 =	vld [tilespmem:s26+$0xC0]  }
0xca: {  	v3 =	vld [tilespmem:s28+$0xD0]  }
0xcb: {  	v34 =	vld [tilespmem:s26+$0xD0]  }
0xcc: {  	v35 =	vld [tilespmem:s28+$0xE0]  }
0xcd: {  	v36 =	vld [tilespmem:s26+$0xE0]  }
0xce: {  	v37 =	vld [tilespmem:s28+$0xF0]  }
0xcf: {  	v38 =	vld [tilespmem:s26+$0xF0];
	_ =	sdelay $0x3  }
0xd0: {  	v1 =	vmul.bf16 v2, v1;
	v2 =	vmul.bf16 v34, v3  }
0xd1: {  	v3 =	vmul.bf16 v36, v35;
	v39 =	vmul.bf16 v38, v37;
	_ =	sdelay $0x1  }
0xd2: {  	v1 =	vadd.bf16 v3, v1;
	v2 =	vadd.bf16 v39, v2;
	_ =	sdelay $0x1  }
0xd3: {  	v1 =	vadd.bf16 v2, v1;
	_ =	sdelay $0x1  }
0xd4: {  	v2 =	vunpack.i.u.bf16.f32 v1;
	v1 =	vunpack.i.l.bf16.f32 v1  }
0xd5: {  	v1 =	vadd.f32 v1, v2;
	_ =	sdelay $0x1  }
0xd6: {  	[tilespmem:s29+$0x30] =	vst v1  }
0xd7: {  	v1 =	vld [tilespmem:s28+$0x100]  }
0xd8: {  	v2 =	vld [tilespmem:s26+$0x100]  }
0xd9: {  	v3 =	vld [tilespmem:s28+$0x110]  }
0xda: {  	v40 =	vld [tilespmem:s26+$0x110]  }
0xdb: {  	v41 =	vld [tilespmem:s28+$0x120]  }
0xdc: {  	v42 =	vld [tilespmem:s26+$0x120]  }
0xdd: {  	v43 =	vld [tilespmem:s28+$0x130]  }
0xde: {  	v44 =	vld [tilespmem:s26+$0x130];
	_ =	sdelay $0x3  }
0xdf: {  	v1 =	vmul.bf16 v2, v1;
	v2 =	vmul.bf16 v40, v3  }
0xe0: {  	v3 =	vmul.bf16 v42, v41;
	v45 =	vmul.bf16 v44, v43;
	_ =	sdelay $0x1  }
0xe1: {  	v1 =	vadd.bf16 v3, v1;
	v2 =	vadd.bf16 v45, v2;
	_ =	sdelay $0x1  }
0xe2: {  	v1 =	vadd.bf16 v2, v1;
	_ =	sdelay $0x1  }
0xe3: {  	v2 =	vunpack.i.u.bf16.f32 v1;
	v1 =	vunpack.i.l.bf16.f32 v1  }
0xe4: {  	v1 =	vadd.f32 v1, v2;
	_ =	sdelay $0x1  }
0xe5: {  	[tilespmem:s29+$0x40] =	vst v1  }
0xe6: {  	v1 =	vld [tilespmem:s28+$0x140]  }
0xe7: {  	v2 =	vld [tilespmem:s26+$0x140]  }
0xe8: {  	v3 =	vld [tilespmem:s28+$0x150]  }
0xe9: {  	v46 =	vld [tilespmem:s26+$0x150]  }
0xea: {  	v47 =	vld [tilespmem:s28+$0x160]  }
0xeb: {  	v48 =	vld [tilespmem:s26+$0x160]  }
0xec: {  	v49 =	vld [tilespmem:s28+$0x170]  }
0xed: {  	v50 =	vld [tilespmem:s26+$0x170];
	_ =	sdelay $0x3  }
0xee: {  	v1 =	vmul.bf16 v2, v1;
	v2 =	vmul.bf16 v46, v3  }
0xef: {  	v3 =	vmul.bf16 v48, v47;
	v51 =	vmul.bf16 v50, v49;
	_ =	sdelay $0x1  }
0xf0: {  	v1 =	vadd.bf16 v3, v1;
	v2 =	vadd.bf16 v51, v2;
	_ =	sdelay $0x1  }
0xf1: {  	v1 =	vadd.bf16 v2, v1;
	_ =	sdelay $0x1  }
0xf2: {  	v2 =	vunpack.i.u.bf16.f32 v1;
	v1 =	vunpack.i.l.bf16.f32 v1  }
0xf3: {  	v1 =	vadd.f32 v1, v2;
	_ =	sdelay $0x1  }
0xf4: {  	[tilespmem:s29+$0x50] =	vst v1  }
0xf5: {  	v1 =	vld [tilespmem:s28+$0x180]  }
0xf6: {  	v2 =	vld [tilespmem:s26+$0x180]  }
0xf7: {  	v3 =	vld [tilespmem:s28+$0x190]  }
0xf8: {  	v52 =	vld [tilespmem:s26+$0x190]  }
0xf9: {  	v53 =	vld [tilespmem:s28+$0x1A0]  }
0xfa: {  	v54 =	vld [tilespmem:s26+$0x1A0]  }
0xfb: {  	v55 =	vld [tilespmem:s28+$0x1B0]  }
0xfc: {  	v56 =	vld [tilespmem:s26+$0x1B0];
	_ =	sdelay $0x3  }
0xfd: {  	v1 =	vmul.bf16 v2, v1;
	v2 =	vmul.bf16 v52, v3  }
0xfe: {  	v3 =	vmul.bf16 v54, v53;
	v57 =	vmul.bf16 v56, v55;
	_ =	sdelay $0x1  }
0xff: {  	v1 =	vadd.bf16 v3, v1;
	v2 =	vadd.bf16 v57, v2;
	_ =	sdelay $0x1  }
0x100: {  	v1 =	vadd.bf16 v2, v1;
	_ =	sdelay $0x1  }
0x101: {  	v2 =	vunpack.i.u.bf16.f32 v1;
	v1 =	vunpack.i.l.bf16.f32 v1  }
0x102: {  	v1 =	vadd.f32 v1, v2;
	_ =	sdelay $0x1  }
0x103: {  	[tilespmem:s29+$0x60] =	vst v1  }
0x104: {  	v1 =	vld [tilespmem:s28+$0x1C0]  }
0x105: {  	v2 =	vld [tilespmem:s26+$0x1C0]  }
0x106: {  	v3 =	vld [tilespmem:s28+$0x1D0]  }
0x107: {  	v58 =	vld [tilespmem:s26+$0x1D0]  }
0x108: {  	v59 =	vld [tilespmem:s28+$0x1E0]  }
0x109: {  	v60 =	vld [tilespmem:s26+$0x1E0]  }
0x10a: {  	v61 =	vld [tilespmem:s28+$0x1F0]  }
0x10b: {  	v62 =	vld [tilespmem:s26+$0x1F0];
	_ =	sdelay $0x3  }
0x10c: {  	v1 =	vmul.bf16 v2, v1;
	v2 =	vmul.bf16 v58, v3  }
0x10d: {  	v3 =	vmul.bf16 v60, v59;
	v63 =	vmul.bf16 v62, v61;
	_ =	sdelay $0x1  }
0x10e: {  	v1 =	vadd.bf16 v3, v1;
	v2 =	vadd.bf16 v63, v2  }
0x10f: {  	s25 =	sadd.s32 $0x10, s25  }
0x110: {  	p0 =	slt.u32 s25, $0x70;
	v1 =	vadd.bf16 v2, v1  }
.Ltmp0:
0x111: {  	_ = 	snop;
	(pc) =	sbr.rel @p0 .LBB2_3-.Ltmp0, $4  }
0x112: {  	v2 =	vunpack.i.u.bf16.f32 v1;
	v1 =	vunpack.i.l.bf16.f32 v1  }
0x113: {  	v1 =	vadd.f32 v1, v2  }
0x114: {  	s24 =	simm.s32 $0x10810  }
0x115: {  	s26 =	sadd.s32 $0x400, s26;
	s28 =	sadd.s32 $0x400, s28;
	[tilespmem:s29+$0x70] =	vst v1;
	s29 =	sadd.s32 $0x100, s29  }
0x116: {  	s25 =	simm.s32 $0x0  }
0x117: {  	v1 =	vmov s25  }
0x118: {  	v1 =	vshll.u32 v1, $0x4  }
0x119: {  	v1 =	vor.u32 v0, v1  }
0x11a: {  	v2 =	vor.u32 $0x1, v1;
	_ =	sdelay $0x1  }
0x11b: {  	v3 =	vor.u32 $0x2, v1;
	_ =	sdelay $0x1  }
0x11c: {  	v4 =	vor.u32 $0x3, v1;
	v5 =	vld.idx.msk [tilespmem:v1+s17+$0x0], $0xffff  }
0x11d: {  	v2 =	vld.idx.msk [tilespmem:v2+s17+$0x0], $0xffff  }
0x11e: {  	v6 =	vor.u32 $0x4, v1  }
0x11f: {  	v3 =	vld.idx.msk [tilespmem:v3+s17+$0x0], $0xffff  }
0x120: {  	v7 =	vor.u32 $0x5, v1  }
0x121: {  	v4 =	vld.idx.msk [tilespmem:v4+s17+$0x0], $0xffff  }
0x122: {  	v8 =	vor.u32 $0x6, v1;
	v2 =	vadd.f32 v2, v5  }
0x123: {  	v5 =	vld.idx.msk [tilespmem:v6+s17+$0x0], $0xffff  }
0x124: {  	v6 =	vor.u32 $0x7, v1;
	v2 =	vadd.f32 v3, v2  }
0x125: {  	v3 =	vld.idx.msk [tilespmem:v7+s17+$0x0], $0xffff  }
0x126: {  	v7 =	vor.u32 $0x8, v1;
	v2 =	vadd.f32 v4, v2  }
0x127: {  	v4 =	vld.idx.msk [tilespmem:v8+s17+$0x0], $0xffff  }
0x128: {  	v8 =	vor.u32 $0x9, v1;
	v2 =	vadd.f32 v5, v2  }
0x129: {  	v5 =	vld.idx.msk [tilespmem:v6+s17+$0x0], $0xffff  }
0x12a: {  	v6 =	vor.u32 $0xA, v1;
	v2 =	vadd.f32 v3, v2  }
0x12b: {  	v3 =	vld.idx.msk [tilespmem:v7+s17+$0x0], $0xffff  }
0x12c: {  	v7 =	vor.u32 $0xB, v1;
	v2 =	vadd.f32 v4, v2  }
0x12d: {  	v4 =	vld.idx.msk [tilespmem:v8+s17+$0x0], $0xffff  }
0x12e: {  	v8 =	vor.u32 $0xC, v1;
	v2 =	vadd.f32 v5, v2  }
0x12f: {  	v5 =	vld.idx.msk [tilespmem:v6+s17+$0x0], $0xffff  }
0x130: {  	v6 =	vor.u32 $0xD, v1;
	v2 =	vadd.f32 v3, v2  }
0x131: {  	v3 =	vld.idx.msk [tilespmem:v7+s17+$0x0], $0xffff  }
0x132: {  	v7 =	vor.u32 $0xE, v1;
	v2 =	vadd.f32 v4, v2  }
0x133: {  	v4 =	vld.idx.msk [tilespmem:v8+s17+$0x0], $0xffff  }
0x134: {  	v1 =	vor.u32 $0xF, v1;
	v2 =	vadd.f32 v5, v2  }
0x135: {  	v5 =	vld.idx.msk [tilespmem:v6+s17+$0x0], $0xffff  }
0x136: {  	v2 =	vadd.f32 v3, v2  }
0x137: {  	v3 =	vld.idx.msk [tilespmem:v7+s17+$0x0], $0xffff  }
0x138: {  	v2 =	vadd.f32 v4, v2  }
0x139: {  	v1 =	vld.idx.msk [tilespmem:v1+s17+$0x0], $0xffff  }
0x13a: {  	v4 =	vmov s30;
	v2 =	vadd.f32 v5, v2  }
0x13b: {  	v4 =	vshll.u32 v4, $0x4  }
0x13c: {  	v4 =	vor.u32 v0, v4;
	v2 =	vadd.f32 v3, v2  }
0x13d: {  	v3 =	vor.u32 $0x1, v4  }
0x13e: {  	v1 =	vadd.f32 v1, v2  }
0x13f: {  	v2 =	vor.u32 $0x2, v4  }
0x140: {  	[tilespmem:s24+$0xFFFFFFF0] =	vst v1  }
0x141: {  	v1 =	vor.u32 $0x3, v4;
	v5 =	vld.idx.msk [tilespmem:v4+s17+$0x0], $0xffff  }
0x142: {  	v3 =	vld.idx.msk [tilespmem:v3+s17+$0x0], $0xffff  }
0x143: {  	v6 =	vor.u32 $0x4, v4  }
0x144: {  	v2 =	vld.idx.msk [tilespmem:v2+s17+$0x0], $0xffff  }
0x145: {  	v7 =	vor.u32 $0x5, v4  }
0x146: {  	v1 =	vld.idx.msk [tilespmem:v1+s17+$0x0], $0xffff  }
0x147: {  	v8 =	vor.u32 $0x6, v4;
	v3 =	vadd.f32 v3, v5  }
0x148: {  	v5 =	vld.idx.msk [tilespmem:v6+s17+$0x0], $0xffff  }
0x149: {  	v6 =	vor.u32 $0x7, v4;
	v2 =	vadd.f32 v2, v3  }
0x14a: {  	v3 =	vld.idx.msk [tilespmem:v7+s17+$0x0], $0xffff  }
0x14b: {  	v7 =	vor.u32 $0x8, v4;
	v1 =	vadd.f32 v1, v2  }
0x14c: {  	v2 =	vld.idx.msk [tilespmem:v8+s17+$0x0], $0xffff  }
0x14d: {  	v8 =	vor.u32 $0x9, v4;
	v1 =	vadd.f32 v5, v1  }
0x14e: {  	v5 =	vld.idx.msk [tilespmem:v6+s17+$0x0], $0xffff  }
0x14f: {  	v6 =	vor.u32 $0xA, v4;
	v1 =	vadd.f32 v3, v1  }
0x150: {  	v3 =	vld.idx.msk [tilespmem:v7+s17+$0x0], $0xffff  }
0x151: {  	v7 =	vor.u32 $0xB, v4;
	v1 =	vadd.f32 v2, v1  }
0x152: {  	v2 =	vld.idx.msk [tilespmem:v8+s17+$0x0], $0xffff  }
0x153: {  	v8 =	vor.u32 $0xC, v4;
	v1 =	vadd.f32 v5, v1  }
0x154: {  	v5 =	vld.idx.msk [tilespmem:v6+s17+$0x0], $0xffff  }
0x155: {  	v6 =	vor.u32 $0xD, v4;
	v1 =	vadd.f32 v3, v1  }
0x156: {  	v3 =	vld.idx.msk [tilespmem:v7+s17+$0x0], $0xffff  }
0x157: {  	v7 =	vor.u32 $0xE, v4;
	v1 =	vadd.f32 v2, v1  }
0x158: {  	v2 =	vld.idx.msk [tilespmem:v8+s17+$0x0], $0xffff  }
0x159: {  	v4 =	vor.u32 $0xF, v4;
	v1 =	vadd.f32 v5, v1  }
0x15a: {  	v5 =	vld.idx.msk [tilespmem:v6+s17+$0x0], $0xffff  }
0x15b: {  	v1 =	vadd.f32 v3, v1  }
0x15c: {  	v3 =	vld.idx.msk [tilespmem:v7+s17+$0x0], $0xffff  }
0x15d: {  	v1 =	vadd.f32 v2, v1  }
0x15e: {  	s31 =	simm.s32 $0x20;
	v7 =	vld.idx.msk [tilespmem:v4+s17+$0x0], $0xffff  }
0x15f: {  	v2 =	vmov s31;
	v4 =	vadd.f32 v5, v1  }
0x160: {  	v1 =	vshll.u32 v2, $0x4  }
0x161: {  	v1 =	vor.u32 v0, v1;
	v8 =	vadd.f32 v3, v4  }
0x162: {  	v6 =	vor.u32 $0x1, v1;
	v5 =	vor.u32 $0x2, v1;
	v4 =	vor.u32 $0x3, v1  }
0x163: {  	s26 =	simm.s32 $0x2;
	s28 =	simm.s32 $0x10810;
	s25 =	simm.s32 $0x30;
	v3 =	vor.u32 $0x4, v1;
	v2 =	vor.u32 $0x5, v1;
	v7 =	vadd.f32 v7, v8  }
.LBB2_5:
0x164: {  	s26 =	sadd.s32 $0x2, s26;
	v8 =	vor.u32 $0x6, v1;
	v9 =	vor.u32 $0x7, v1;
	v10 =	vor.u32 $0x8, v1;
	s24 =	sadd.s32 $0x20, s24  }
0x165: {  	v11 =	vor.u32 $0x9, v1;
	v12 =	vor.u32 $0xA, v1;
	v13 =	vor.u32 $0xB, v1;
	p0 =	slt.u32 s26, $0x6;
	[tilespmem:s28+$0x0] =	vst v7;
	s28 =	smov.u32 s24  }
0x166: {  	v14 =	vor.u32 $0xC, v1;
	v15 =	vor.u32 $0xD, v1;
	v16 =	vor.u32 $0xE, v1;
	v7 =	vld.idx.msk [tilespmem:v1+s17+$0x0], $0xffff  }
0x167: {  	v1 =	vor.u32 $0xF, v1;
	v6 =	vld.idx.msk [tilespmem:v6+s17+$0x0], $0xffff;
	_ =	sdelay $0x1  }
0x168: {  	v5 =	vld.idx.msk [tilespmem:v5+s17+$0x0], $0xffff;
	_ =	sdelay $0x1  }
0x169: {  	v4 =	vld.idx.msk [tilespmem:v4+s17+$0x0], $0xffff;
	_ =	sdelay $0x1  }
0x16a: {  	v6 =	vadd.f32 v6, v7;
	v3 =	vld.idx.msk [tilespmem:v3+s17+$0x0], $0xffff;
	_ =	sdelay $0x1  }
0x16b: {  	v5 =	vadd.f32 v5, v6;
	v2 =	vld.idx.msk [tilespmem:v2+s17+$0x0], $0xffff;
	_ =	sdelay $0x1  }
0x16c: {  	v4 =	vadd.f32 v4, v5;
	v5 =	vld.idx.msk [tilespmem:v8+s17+$0x0], $0xffff;
	_ =	sdelay $0x1  }
0x16d: {  	v3 =	vadd.f32 v3, v4;
	v4 =	vld.idx.msk [tilespmem:v9+s17+$0x0], $0xffff;
	_ =	sdelay $0x1  }
0x16e: {  	v2 =	vadd.f32 v2, v3;
	v3 =	vld.idx.msk [tilespmem:v10+s17+$0x0], $0xffff;
	_ =	sdelay $0x1  }
0x16f: {  	v2 =	vadd.f32 v5, v2;
	v5 =	vld.idx.msk [tilespmem:v11+s17+$0x0], $0xffff;
	_ =	sdelay $0x1  }
0x170: {  	v2 =	vadd.f32 v4, v2;
	v4 =	vld.idx.msk [tilespmem:v12+s17+$0x0], $0xffff;
	_ =	sdelay $0x1  }
0x171: {  	v2 =	vadd.f32 v3, v2;
	v3 =	vld.idx.msk [tilespmem:v13+s17+$0x0], $0xffff;
	_ =	sdelay $0x1  }
0x172: {  	v2 =	vadd.f32 v5, v2;
	v5 =	vld.idx.msk [tilespmem:v14+s17+$0x0], $0xffff;
	_ =	sdelay $0x1  }
0x173: {  	v2 =	vadd.f32 v4, v2;
	v4 =	vld.idx.msk [tilespmem:v15+s17+$0x0], $0xffff;
	_ =	sdelay $0x1  }
0x174: {  	v2 =	vadd.f32 v3, v2;
	v3 =	vld.idx.msk [tilespmem:v16+s17+$0x0], $0xffff;
	_ =	sdelay $0x1  }
0x175: {  	v2 =	vadd.f32 v5, v2;
	v1 =	vld.idx.msk [tilespmem:v1+s17+$0x0], $0xffff  }
0x176: {  	v5 =	vmov s25  }
0x177: {  	v2 =	vadd.f32 v4, v2;
	v4 =	vshll.u32 v5, $0x4  }
0x178: {  	v4 =	vor.u32 v0, v4  }
0x179: {  	v2 =	vadd.f32 v3, v2;
	v3 =	vor.u32 $0x1, v4;
	_ =	sdelay $0x1  }
0x17a: {  	v1 =	vadd.f32 v1, v2;
	v2 =	vor.u32 $0x2, v4;
	_ =	sdelay $0x1  }
0x17b: {  	[tilespmem:s24+$0xFFFFFFF0] =	vst v1;
	v1 =	vor.u32 $0x3, v4  }
0x17c: {  	v5 =	vld.idx.msk [tilespmem:v4+s17+$0x0], $0xffff  }
0x17d: {  	v6 =	vor.u32 $0x4, v4;
	v3 =	vld.idx.msk [tilespmem:v3+s17+$0x0], $0xffff  }
0x17e: {  	v2 =	vld.idx.msk [tilespmem:v2+s17+$0x0], $0xffff  }
0x17f: {  	v7 =	vor.u32 $0x5, v4  }
0x180: {  	v1 =	vld.idx.msk [tilespmem:v1+s17+$0x0], $0xffff  }
0x181: {  	v8 =	vor.u32 $0x6, v4  }
0x182: {  	v6 =	vld.idx.msk [tilespmem:v6+s17+$0x0], $0xffff  }
0x183: {  	v3 =	vadd.f32 v3, v5;
	v5 =	vor.u32 $0x7, v4  }
0x184: {  	v7 =	vld.idx.msk [tilespmem:v7+s17+$0x0], $0xffff  }
0x185: {  	v2 =	vadd.f32 v2, v3;
	v3 =	vor.u32 $0x8, v4  }
0x186: {  	v8 =	vld.idx.msk [tilespmem:v8+s17+$0x0], $0xffff  }
0x187: {  	v1 =	vadd.f32 v1, v2;
	v2 =	vor.u32 $0x9, v4  }
0x188: {  	v5 =	vld.idx.msk [tilespmem:v5+s17+$0x0], $0xffff  }
0x189: {  	v1 =	vadd.f32 v6, v1;
	v6 =	vor.u32 $0xA, v4  }
0x18a: {  	v3 =	vld.idx.msk [tilespmem:v3+s17+$0x0], $0xffff  }
0x18b: {  	v1 =	vadd.f32 v7, v1;
	v7 =	vor.u32 $0xB, v4  }
0x18c: {  	v2 =	vld.idx.msk [tilespmem:v2+s17+$0x0], $0xffff  }
0x18d: {  	v1 =	vadd.f32 v8, v1;
	v8 =	vor.u32 $0xC, v4  }
0x18e: {  	v6 =	vld.idx.msk [tilespmem:v6+s17+$0x0], $0xffff  }
0x18f: {  	v1 =	vadd.f32 v5, v1;
	v5 =	vor.u32 $0xD, v4  }
0x190: {  	v7 =	vld.idx.msk [tilespmem:v7+s17+$0x0], $0xffff  }
0x191: {  	v1 =	vadd.f32 v3, v1;
	v3 =	vor.u32 $0xE, v4  }
0x192: {  	v8 =	vld.idx.msk [tilespmem:v8+s17+$0x0], $0xffff  }
0x193: {  	v1 =	vadd.f32 v2, v1;
	v2 =	vor.u32 $0xF, v4  }
0x194: {  	v4 =	vld.idx.msk [tilespmem:v5+s17+$0x0], $0xffff  }
0x195: {  	v1 =	vadd.f32 v6, v1  }
0x196: {  	v3 =	vld.idx.msk [tilespmem:v3+s17+$0x0], $0xffff  }
0x197: {  	v1 =	vadd.f32 v7, v1  }
0x198: {  	v7 =	vld.idx.msk [tilespmem:v2+s17+$0x0], $0xffff  }
0x199: {  	s25 =	sadd.s32 $0x20, s25;
	v1 =	vadd.f32 v8, v1  }
0x19a: {  	s29 =	sadd.s32 $0xFFFFFFF0, s25  }
.Ltmp1:
0x19b: {  	v2 =	vmov s29;
	v4 =	vadd.f32 v4, v1;
	(pc) =	sbr.rel @p0 .LBB2_5-.Ltmp1, $4  }
0x19c: {  	v1 =	vshll.u32 v2, $0x4  }
0x19d: {  	v1 =	vor.u32 v0, v1;
	v8 =	vadd.f32 v3, v4  }
0x19e: {  	v6 =	vor.u32 $0x1, v1;
	v5 =	vor.u32 $0x2, v1;
	v4 =	vor.u32 $0x3, v1  }
0x19f: {  	v3 =	vor.u32 $0x4, v1;
	v2 =	vor.u32 $0x5, v1;
	v7 =	vadd.f32 v7, v8  }
0x1a0: {  	_ =	sdelay $0x2  }
0x1a1: {  	[tilespmem:s28+$0x0] =	vst v7  }
0x1a2: {  	v7 =	vld.idx.msk [tilespmem:v1+s17+$0x0], $0xffff  }
0x1a3: {  	v6 =	vld.idx.msk [tilespmem:v6+s17+$0x0], $0xffff;
	_ =	sdelay $0x1  }
0x1a4: {  	v5 =	vld.idx.msk [tilespmem:v5+s17+$0x0], $0xffff;
	_ =	sdelay $0x1  }
0x1a5: {  	v4 =	vld.idx.msk [tilespmem:v4+s17+$0x0], $0xffff  }
0x1a6: {  	v8 =	vor.u32 $0x6, v1;
	v6 =	vadd.f32 v6, v7  }
0x1a7: {  	v3 =	vld.idx.msk [tilespmem:v3+s17+$0x0], $0xffff  }
0x1a8: {  	v32 =	vor.u32 $0x7, v1;
	v5 =	vadd.f32 v5, v6  }
0x1a9: {  	v2 =	vld.idx.msk [tilespmem:v2+s17+$0x0], $0xffff  }
0x1aa: {  	v33 =	vor.u32 $0x8, v1;
	v4 =	vadd.f32 v4, v5  }
0x1ab: {  	v34 =	vld.idx.msk [tilespmem:v8+s17+$0x0], $0xffff  }
0x1ac: {  	v35 =	vor.u32 $0x9, v1;
	v3 =	vadd.f32 v3, v4  }
0x1ad: {  	v36 =	vld.idx.msk [tilespmem:v32+s17+$0x0], $0xffff  }
0x1ae: {  	v37 =	vor.u32 $0xA, v1;
	v2 =	vadd.f32 v2, v3  }
0x1af: {  	v3 =	vld.idx.msk [tilespmem:v33+s17+$0x0], $0xffff  }
0x1b0: {  	v38 =	vor.u32 $0xB, v1;
	v2 =	vadd.f32 v34, v2  }
0x1b1: {  	v39 =	vld.idx.msk [tilespmem:v35+s17+$0x0], $0xffff  }
0x1b2: {  	v40 =	vor.u32 $0xC, v1;
	v2 =	vadd.f32 v36, v2  }
0x1b3: {  	v41 =	vld.idx.msk [tilespmem:v37+s17+$0x0], $0xffff  }
0x1b4: {  	v42 =	vor.u32 $0xD, v1;
	v2 =	vadd.f32 v3, v2  }
0x1b5: {  	v3 =	vld.idx.msk [tilespmem:v38+s17+$0x0], $0xffff  }
0x1b6: {  	v43 =	vor.u32 $0xE, v1;
	v2 =	vadd.f32 v39, v2  }
0x1b7: {  	v44 =	vld.idx.msk [tilespmem:v40+s17+$0x0], $0xffff  }
0x1b8: {  	v1 =	vor.u32 $0xF, v1;
	v2 =	vadd.f32 v41, v2  }
0x1b9: {  	v45 =	vld.idx.msk [tilespmem:v42+s17+$0x0], $0xffff  }
0x1ba: {  	v2 =	vadd.f32 v3, v2  }
0x1bb: {  	v3 =	vld.idx.msk [tilespmem:v43+s17+$0x0], $0xffff  }
0x1bc: {  	v2 =	vadd.f32 v44, v2  }
0x1bd: {  	v1 =	vld.idx.msk [tilespmem:v1+s17+$0x0], $0xffff  }
0x1be: {  	v46 =	vmov s25;
	v2 =	vadd.f32 v45, v2  }
0x1bf: {  	v47 =	vshll.u32 v46, $0x4  }
0x1c0: {  	v4 =	vor.u32 v0, v47;
	v2 =	vadd.f32 v3, v2  }
0x1c1: {  	v3 =	vor.u32 $0x1, v4  }
0x1c2: {  	v1 =	vadd.f32 v1, v2  }
0x1c3: {  	s24 =	sadd.s32 $0x20, s24;
	v2 =	vor.u32 $0x2, v4  }
0x1c4: {  	[tilespmem:s24+$0xFFFFFFF0] =	vst v1  }
0x1c5: {  	v1 =	vor.u32 $0x3, v4;
	v48 =	vld.idx.msk [tilespmem:v4+s17+$0x0], $0xffff  }
0x1c6: {  	v3 =	vld.idx.msk [tilespmem:v3+s17+$0x0], $0xffff  }
0x1c7: {  	v49 =	vor.u32 $0x4, v4  }
0x1c8: {  	v2 =	vld.idx.msk [tilespmem:v2+s17+$0x0], $0xffff  }
0x1c9: {  	v50 =	vor.u32 $0x5, v4  }
0x1ca: {  	v1 =	vld.idx.msk [tilespmem:v1+s17+$0x0], $0xffff  }
0x1cb: {  	v51 =	vor.u32 $0x6, v4;
	v3 =	vadd.f32 v3, v48  }
0x1cc: {  	v52 =	vld.idx.msk [tilespmem:v49+s17+$0x0], $0xffff  }
0x1cd: {  	v53 =	vor.u32 $0x7, v4;
	v2 =	vadd.f32 v2, v3  }
0x1ce: {  	v3 =	vld.idx.msk [tilespmem:v50+s17+$0x0], $0xffff  }
0x1cf: {  	v54 =	vor.u32 $0x8, v4;
	v1 =	vadd.f32 v1, v2  }
0x1d0: {  	v2 =	vld.idx.msk [tilespmem:v51+s17+$0x0], $0xffff  }
0x1d1: {  	v55 =	vor.u32 $0x9, v4;
	v1 =	vadd.f32 v52, v1  }
0x1d2: {  	v56 =	vld.idx.msk [tilespmem:v53+s17+$0x0], $0xffff  }
0x1d3: {  	v57 =	vor.u32 $0xA, v4;
	v1 =	vadd.f32 v3, v1  }
0x1d4: {  	v3 =	vld.idx.msk [tilespmem:v54+s17+$0x0], $0xffff  }
0x1d5: {  	v58 =	vor.u32 $0xB, v4;
	v1 =	vadd.f32 v2, v1  }
0x1d6: {  	v2 =	vld.idx.msk [tilespmem:v55+s17+$0x0], $0xffff  }
0x1d7: {  	v59 =	vor.u32 $0xC, v4;
	v1 =	vadd.f32 v56, v1  }
0x1d8: {  	v60 =	vld.idx.msk [tilespmem:v57+s17+$0x0], $0xffff  }
0x1d9: {  	v61 =	vor.u32 $0xD, v4;
	v1 =	vadd.f32 v3, v1  }
0x1da: {  	v3 =	vld.idx.msk [tilespmem:v58+s17+$0x0], $0xffff  }
0x1db: {  	v62 =	vor.u32 $0xE, v4;
	v1 =	vadd.f32 v2, v1  }
0x1dc: {  	v2 =	vld.idx.msk [tilespmem:v59+s17+$0x0], $0xffff  }
0x1dd: {  	v4 =	vor.u32 $0xF, v4;
	v1 =	vadd.f32 v60, v1  }
0x1de: {  	v63 =	vld.idx.msk [tilespmem:v61+s17+$0x0], $0xffff  }
0x1df: {  	v1 =	vadd.f32 v3, v1  }
0x1e0: {  	v3 =	vld.idx.msk [tilespmem:v62+s17+$0x0], $0xffff  }
0x1e1: {  	v1 =	vadd.f32 v2, v1  }
0x1e2: {  	v2 =	vld.idx.msk [tilespmem:v4+s17+$0x0], $0xffff  }
0x1e3: {  	v1 =	vadd.f32 v63, v1;
	_ =	sdelay $0x1  }
0x1e4: {  	v1 =	vadd.f32 v3, v1;
	_ =	sdelay $0x1  }
0x1e5: {  	s29 =	sor.u32 s3, s23;
	v1 =	vadd.f32 v2, v1  }
0x1e6: {  	s25 =	sshrl.u32 s29, $0x3  }
0x1e7: {  	s31 =	sadd.s32 s5, s25;
	[tilespmem:s24+$0x0] =	vst v1  }
0x1e8: {  	[hbm4b:s31+s2] =	stream.linear.scatter [tilespmem:s18], [sflag:$0x3], $0x80, $0x38;
	[tilespmem:$0x10880] =	vst v63  }
0x1e9: {  	p0 =	seq.s32 s21, $0x3F;
	_ =	swait.ge [sflag:s9], $0x80  }
0x1ea: {  	s26 =	simm.s32 @!p0 $0x8000;
	[sflag:s9] =	ssyncset.done $0x0  }
0x1eb: {  	s25 =	simm.s32 @!p0 $0x80;
	s24 =	sadd.s32 @!p0 $0x100, s23;
	[sflag:s9] =	ssyncadd.s32 $0xFFFFFF80  }
0x1ec: {  	[tilespmem:s26], [sflag:$0x1] =	stream.indirect.gather @!p0 [hbm4b:s4+s25], $0x40, s24, s25, $0xb8;
	[tilespmem:$0x10880] =	vst v63  }
0x1ed: {  	s23 =	sadd.s32 @!p0 $0x4100, s23;
	s24 =	simm.s32 @!p0 $0xA000  }
0x1ee: {  	[tilespmem:s24], [sflag:$0x1] =	stream.indirect.gather @!p0 [hbm4b:s4+s25], $0x40, s23, s25, $0xb8;
	[tilespmem:$0x10880] =	vst v63  }
0x1ef: {  	_ =	swait.ge [sflag:s19], $0x2000  }
0x1f0: {  	[sflag:s19] =	ssyncset.done $0x0  }
0x1f1: {  	[sflag:s19] =	ssyncadd.s32 $0xFFFFE000  }
0x1f2: {  	_ =	swait.ge [sflag:s19], $0x2000  }
0x1f3: {  	s28 =	simm.s32 $0x10080;
	s26 =	simm.s32 $0xC200;
	[sflag:s19] =	ssyncset.done $0x0  }
0x1f4: {  	s24 =	simm.s32 $0xFFFFFFF0;
	s25 =	simm.s32 $0xE200;
	[sflag:s19] =	ssyncadd.s32 $0xFFFFE000  }
.LBB2_7:
0x1f5: {  	v1 =	vld [tilespmem:s26+$0xFFFFFE00]  }
0x1f6: {  	v2 =	vld [tilespmem:s25+$0xFFFFFE00]  }
0x1f7: {  	v3 =	vld [tilespmem:s26+$0xFFFFFE10]  }
0x1f8: {  	v4 =	vld [tilespmem:s25+$0xFFFFFE10]  }
0x1f9: {  	v5 =	vld [tilespmem:s26+$0xFFFFFE20]  }
0x1fa: {  	v6 =	vld [tilespmem:s25+$0xFFFFFE20]  }
0x1fb: {  	v7 =	vld [tilespmem:s26+$0xFFFFFE30]  }
0x1fc: {  	v8 =	vld [tilespmem:s25+$0xFFFFFE30];
	_ =	sdelay $0x3  }
0x1fd: {  	v1 =	vmul.bf16 v2, v1;
	v2 =	vmul.bf16 v4, v3  }
0x1fe: {  	v3 =	vmul.bf16 v6, v5;
	v25 =	vmul.bf16 v8, v7;
	_ =	sdelay $0x1  }
0x1ff: {  	v1 =	vadd.bf16 v3, v1;
	v2 =	vadd.bf16 v25, v2;
	_ =	sdelay $0x1  }
0x200: {  	v1 =	vadd.bf16 v2, v1;
	_ =	sdelay $0x1  }
0x201: {  	v2 =	vunpack.i.u.bf16.f32 v1;
	v1 =	vunpack.i.l.bf16.f32 v1  }
0x202: {  	v1 =	vadd.f32 v1, v2;
	_ =	sdelay $0x1  }
0x203: {  	[tilespmem:s28+$0xFFFFFF80] =	vst v1  }
0x204: {  	v1 =	vld [tilespmem:s26+$0xFFFFFE40]  }
0x205: {  	v2 =	vld [tilespmem:s25+$0xFFFFFE40]  }
0x206: {  	v3 =	vld [tilespmem:s26+$0xFFFFFE50]  }
0x207: {  	v26 =	vld [tilespmem:s25+$0xFFFFFE50]  }
0x208: {  	v27 =	vld [tilespmem:s26+$0xFFFFFE60]  }
0x209: {  	v28 =	vld [tilespmem:s25+$0xFFFFFE60]  }
0x20a: {  	v29 =	vld [tilespmem:s26+$0xFFFFFE70]  }
0x20b: {  	v30 =	vld [tilespmem:s25+$0xFFFFFE70];
	_ =	sdelay $0x3  }
0x20c: {  	v1 =	vmul.bf16 v2, v1;
	v2 =	vmul.bf16 v26, v3  }
0x20d: {  	v3 =	vmul.bf16 v28, v27;
	v31 =	vmul.bf16 v30, v29;
	_ =	sdelay $0x1  }
0x20e: {  	v1 =	vadd.bf16 v3, v1;
	v2 =	vadd.bf16 v31, v2;
	_ =	sdelay $0x1  }
0x20f: {  	v1 =	vadd.bf16 v2, v1;
	_ =	sdelay $0x1  }
0x210: {  	v2 =	vunpack.i.u.bf16.f32 v1;
	v1 =	vunpack.i.l.bf16.f32 v1  }
0x211: {  	v1 =	vadd.f32 v1, v2;
	_ =	sdelay $0x1  }
0x212: {  	[tilespmem:s28+$0xFFFFFF90] =	vst v1  }
0x213: {  	v1 =	vld [tilespmem:s26+$0xFFFFFE80]  }
0x214: {  	v2 =	vld [tilespmem:s25+$0xFFFFFE80]  }
0x215: {  	v3 =	vld [tilespmem:s26+$0xFFFFFE90]  }
0x216: {  	v32 =	vld [tilespmem:s25+$0xFFFFFE90]  }
0x217: {  	v33 =	vld [tilespmem:s26+$0xFFFFFEA0]  }
0x218: {  	v34 =	vld [tilespmem:s25+$0xFFFFFEA0]  }
0x219: {  	v35 =	vld [tilespmem:s26+$0xFFFFFEB0]  }
0x21a: {  	v36 =	vld [tilespmem:s25+$0xFFFFFEB0];
	_ =	sdelay $0x3  }
0x21b: {  	v1 =	vmul.bf16 v2, v1;
	v2 =	vmul.bf16 v32, v3  }
0x21c: {  	v3 =	vmul.bf16 v34, v33;
	v37 =	vmul.bf16 v36, v35;
	_ =	sdelay $0x1  }
0x21d: {  	v1 =	vadd.bf16 v3, v1;
	v2 =	vadd.bf16 v37, v2;
	_ =	sdelay $0x1  }
0x21e: {  	v1 =	vadd.bf16 v2, v1;
	_ =	sdelay $0x1  }
0x21f: {  	v2 =	vunpack.i.u.bf16.f32 v1;
	v1 =	vunpack.i.l.bf16.f32 v1  }
0x220: {  	v1 =	vadd.f32 v1, v2;
	_ =	sdelay $0x1  }
0x221: {  	[tilespmem:s28+$0xFFFFFFA0] =	vst v1  }
0x222: {  	v1 =	vld [tilespmem:s26+$0xFFFFFEC0]  }
0x223: {  	v2 =	vld [tilespmem:s25+$0xFFFFFEC0]  }
0x224: {  	v3 =	vld [tilespmem:s26+$0xFFFFFED0]  }
0x225: {  	v38 =	vld [tilespmem:s25+$0xFFFFFED0]  }
0x226: {  	v39 =	vld [tilespmem:s26+$0xFFFFFEE0]  }
0x227: {  	v40 =	vld [tilespmem:s25+$0xFFFFFEE0]  }
0x228: {  	v41 =	vld [tilespmem:s26+$0xFFFFFEF0]  }
0x229: {  	v42 =	vld [tilespmem:s25+$0xFFFFFEF0];
	_ =	sdelay $0x3  }
0x22a: {  	v1 =	vmul.bf16 v2, v1;
	v2 =	vmul.bf16 v38, v3  }
0x22b: {  	v3 =	vmul.bf16 v40, v39;
	v43 =	vmul.bf16 v42, v41;
	_ =	sdelay $0x1  }
0x22c: {  	v1 =	vadd.bf16 v3, v1;
	v2 =	vadd.bf16 v43, v2;
	_ =	sdelay $0x1  }
0x22d: {  	v1 =	vadd.bf16 v2, v1;
	_ =	sdelay $0x1  }
0x22e: {  	v2 =	vunpack.i.u.bf16.f32 v1;
	v1 =	vunpack.i.l.bf16.f32 v1  }
0x22f: {  	v1 =	vadd.f32 v1, v2;
	_ =	sdelay $0x1  }
0x230: {  	[tilespmem:s28+$0xFFFFFFB0] =	vst v1  }
0x231: {  	v1 =	vld [tilespmem:s26+$0xFFFFFF00]  }
0x232: {  	v2 =	vld [tilespmem:s25+$0xFFFFFF00]  }
0x233: {  	v3 =	vld [tilespmem:s26+$0xFFFFFF10]  }
0x234: {  	v44 =	vld [tilespmem:s25+$0xFFFFFF10]  }
0x235: {  	v45 =	vld [tilespmem:s26+$0xFFFFFF20]  }
0x236: {  	v46 =	vld [tilespmem:s25+$0xFFFFFF20]  }
0x237: {  	v47 =	vld [tilespmem:s26+$0xFFFFFF30]  }
0x238: {  	v48 =	vld [tilespmem:s25+$0xFFFFFF30];
	_ =	sdelay $0x3  }
0x239: {  	v1 =	vmul.bf16 v2, v1;
	v2 =	vmul.bf16 v44, v3  }
0x23a: {  	v3 =	vmul.bf16 v46, v45;
	v49 =	vmul.bf16 v48, v47;
	_ =	sdelay $0x1  }
0x23b: {  	v1 =	vadd.bf16 v3, v1;
	v2 =	vadd.bf16 v49, v2;
	_ =	sdelay $0x1  }
0x23c: {  	v1 =	vadd.bf16 v2, v1;
	_ =	sdelay $0x1  }
0x23d: {  	v2 =	vunpack.i.u.bf16.f32 v1;
	v1 =	vunpack.i.l.bf16.f32 v1  }
0x23e: {  	v1 =	vadd.f32 v1, v2;
	_ =	sdelay $0x1  }
0x23f: {  	[tilespmem:s28+$0xFFFFFFC0] =	vst v1  }
0x240: {  	v1 =	vld [tilespmem:s26+$0xFFFFFF40]  }
0x241: {  	v2 =	vld [tilespmem:s25+$0xFFFFFF40]  }
0x242: {  	v3 =	vld [tilespmem:s26+$0xFFFFFF50]  }
0x243: {  	v50 =	vld [tilespmem:s25+$0xFFFFFF50]  }
0x244: {  	v51 =	vld [tilespmem:s26+$0xFFFFFF60]  }
0x245: {  	v52 =	vld [tilespmem:s25+$0xFFFFFF60]  }
0x246: {  	v53 =	vld [tilespmem:s26+$0xFFFFFF70]  }
0x247: {  	v54 =	vld [tilespmem:s25+$0xFFFFFF70];
	_ =	sdelay $0x3  }
0x248: {  	v1 =	vmul.bf16 v2, v1;
	v2 =	vmul.bf16 v50, v3  }
0x249: {  	v3 =	vmul.bf16 v52, v51;
	v55 =	vmul.bf16 v54, v53;
	_ =	sdelay $0x1  }
0x24a: {  	v1 =	vadd.bf16 v3, v1;
	v2 =	vadd.bf16 v55, v2;
	_ =	sdelay $0x1  }
0x24b: {  	v1 =	vadd.bf16 v2, v1;
	_ =	sdelay $0x1  }
0x24c: {  	v2 =	vunpack.i.u.bf16.f32 v1;
	v1 =	vunpack.i.l.bf16.f32 v1  }
0x24d: {  	v1 =	vadd.f32 v1, v2;
	_ =	sdelay $0x1  }
0x24e: {  	[tilespmem:s28+$0xFFFFFFD0] =	vst v1  }
0x24f: {  	v1 =	vld [tilespmem:s26+$0xFFFFFF80]  }
0x250: {  	v2 =	vld [tilespmem:s25+$0xFFFFFF80]  }
0x251: {  	v3 =	vld [tilespmem:s26+$0xFFFFFF90]  }
0x252: {  	v56 =	vld [tilespmem:s25+$0xFFFFFF90]  }
0x253: {  	v57 =	vld [tilespmem:s26+$0xFFFFFFA0]  }
0x254: {  	v58 =	vld [tilespmem:s25+$0xFFFFFFA0]  }
0x255: {  	v59 =	vld [tilespmem:s26+$0xFFFFFFB0]  }
0x256: {  	v60 =	vld [tilespmem:s25+$0xFFFFFFB0];
	_ =	sdelay $0x3  }
0x257: {  	v1 =	vmul.bf16 v2, v1;
	v2 =	vmul.bf16 v56, v3  }
0x258: {  	v3 =	vmul.bf16 v58, v57;
	v61 =	vmul.bf16 v60, v59;
	_ =	sdelay $0x1  }
0x259: {  	v1 =	vadd.bf16 v3, v1;
	v2 =	vadd.bf16 v61, v2;
	_ =	sdelay $0x1  }
0x25a: {  	v1 =	vadd.bf16 v2, v1;
	_ =	sdelay $0x1  }
0x25b: {  	v2 =	vunpack.i.u.bf16.f32 v1;
	v1 =	vunpack.i.l.bf16.f32 v1  }
0x25c: {  	v1 =	vadd.f32 v1, v2;
	_ =	sdelay $0x1  }
0x25d: {  	[tilespmem:s28+$0xFFFFFFE0] =	vst v1  }
0x25e: {  	v1 =	vld [tilespmem:s26+$0xFFFFFFC0]  }
0x25f: {  	v2 =	vld [tilespmem:s25+$0xFFFFFFC0]  }
0x260: {  	v3 =	vld [tilespmem:s26+$0xFFFFFFD0]  }
0x261: {  	v62 =	vld [tilespmem:s25+$0xFFFFFFD0]  }
0x262: {  	v63 =	vld [tilespmem:s26+$0xFFFFFFE0]  }
0x263: {  	v12 =	vld [tilespmem:s25+$0xFFFFFFE0]  }
0x264: {  	v13 =	vld [tilespmem:s26+$0xFFFFFFF0]  }
0x265: {  	v14 =	vld [tilespmem:s25+$0xFFFFFFF0];
	_ =	sdelay $0x3  }
0x266: {  	v1 =	vmul.bf16 v2, v1;
	v2 =	vmul.bf16 v62, v3  }
0x267: {  	v3 =	vmul.bf16 v12, v63;
	v15 =	vmul.bf16 v14, v13;
	_ =	sdelay $0x1  }
0x268: {  	v1 =	vadd.bf16 v3, v1;
	v2 =	vadd.bf16 v15, v2;
	_ =	sdelay $0x1  }
0x269: {  	v1 =	vadd.bf16 v2, v1;
	_ =	sdelay $0x1  }
0x26a: {  	v2 =	vunpack.i.u.bf16.f32 v1;
	v1 =	vunpack.i.l.bf16.f32 v1  }
0x26b: {  	v1 =	vadd.f32 v1, v2;
	_ =	sdelay $0x1  }
0x26c: {  	[tilespmem:s28+$0xFFFFFFF0] =	vst v1  }
0x26d: {  	v1 =	vld [tilespmem:s26+$0x0]  }
0x26e: {  	v2 =	vld [tilespmem:s25+$0x0]  }
0x26f: {  	v3 =	vld [tilespmem:s26+$0x10]  }
0x270: {  	v16 =	vld [tilespmem:s25+$0x10]  }
0x271: {  	v17 =	vld [tilespmem:s26+$0x20]  }
0x272: {  	v18 =	vld [tilespmem:s25+$0x20]  }
0x273: {  	v19 =	vld [tilespmem:s26+$0x30]  }
0x274: {  	v20 =	vld [tilespmem:s25+$0x30];
	_ =	sdelay $0x3  }
0x275: {  	v1 =	vmul.bf16 v2, v1;
	v2 =	vmul.bf16 v16, v3  }
0x276: {  	v3 =	vmul.bf16 v18, v17;
	v21 =	vmul.bf16 v20, v19;
	_ =	sdelay $0x1  }
0x277: {  	v1 =	vadd.bf16 v3, v1;
	v2 =	vadd.bf16 v21, v2;
	_ =	sdelay $0x1  }
0x278: {  	v1 =	vadd.bf16 v2, v1;
	_ =	sdelay $0x1  }
0x279: {  	v2 =	vunpack.i.u.bf16.f32 v1;
	v1 =	vunpack.i.l.bf16.f32 v1  }
0x27a: {  	v1 =	vadd.f32 v1, v2;
	_ =	sdelay $0x1  }
0x27b: {  	[tilespmem:s28+$0x0] =	vst v1  }
0x27c: {  	v1 =	vld [tilespmem:s26+$0x40]  }
0x27d: {  	v2 =	vld [tilespmem:s25+$0x40]  }
0x27e: {  	v3 =	vld [tilespmem:s26+$0x50]  }
0x27f: {  	v22 =	vld [tilespmem:s25+$0x50]  }
0x280: {  	v23 =	vld [tilespmem:s26+$0x60]  }
0x281: {  	v24 =	vld [tilespmem:s25+$0x60]  }
0x282: {  	v25 =	vld [tilespmem:s26+$0x70]  }
0x283: {  	v26 =	vld [tilespmem:s25+$0x70];
	_ =	sdelay $0x3  }
0x284: {  	v1 =	vmul.bf16 v2, v1;
	v2 =	vmul.bf16 v22, v3  }
0x285: {  	v3 =	vmul.bf16 v24, v23;
	v27 =	vmul.bf16 v26, v25;
	_ =	sdelay $0x1  }
0x286: {  	v1 =	vadd.bf16 v3, v1;
	v2 =	vadd.bf16 v27, v2;
	_ =	sdelay $0x1  }
0x287: {  	v1 =	vadd.bf16 v2, v1;
	_ =	sdelay $0x1  }
0x288: {  	v2 =	vunpack.i.u.bf16.f32 v1;
	v1 =	vunpack.i.l.bf16.f32 v1  }
0x289: {  	v1 =	vadd.f32 v1, v2;
	_ =	sdelay $0x1  }
0x28a: {  	[tilespmem:s28+$0x10] =	vst v1  }
0x28b: {  	v1 =	vld [tilespmem:s26+$0x80]  }
0x28c: {  	v2 =	vld [tilespmem:s25+$0x80]  }
0x28d: {  	v3 =	vld [tilespmem:s26+$0x90]  }
0x28e: {  	v28 =	vld [tilespmem:s25+$0x90]  }
0x28f: {  	v29 =	vld [tilespmem:s26+$0xA0]  }
0x290: {  	v30 =	vld [tilespmem:s25+$0xA0]  }
0x291: {  	v31 =	vld [tilespmem:s26+$0xB0]  }
0x292: {  	v32 =	vld [tilespmem:s25+$0xB0];
	_ =	sdelay $0x3  }
0x293: {  	v1 =	vmul.bf16 v2, v1;
	v2 =	vmul.bf16 v28, v3  }
0x294: {  	v3 =	vmul.bf16 v30, v29;
	v33 =	vmul.bf16 v32, v31;
	_ =	sdelay $0x1  }
0x295: {  	v1 =	vadd.bf16 v3, v1;
	v2 =	vadd.bf16 v33, v2;
	_ =	sdelay $0x1  }
0x296: {  	v1 =	vadd.bf16 v2, v1;
	_ =	sdelay $0x1  }
0x297: {  	v2 =	vunpack.i.u.bf16.f32 v1;
	v1 =	vunpack.i.l.bf16.f32 v1  }
0x298: {  	v1 =	vadd.f32 v1, v2;
	_ =	sdelay $0x1  }
0x299: {  	[tilespmem:s28+$0x20] =	vst v1  }
0x29a: {  	v1 =	vld [tilespmem:s26+$0xC0]  }
0x29b: {  	v2 =	vld [tilespmem:s25+$0xC0]  }
0x29c: {  	v3 =	vld [tilespmem:s26+$0xD0]  }
0x29d: {  	v34 =	vld [tilespmem:s25+$0xD0]  }
0x29e: {  	v35 =	vld [tilespmem:s26+$0xE0]  }
0x29f: {  	v36 =	vld [tilespmem:s25+$0xE0]  }
0x2a0: {  	v37 =	vld [tilespmem:s26+$0xF0]  }
0x2a1: {  	v38 =	vld [tilespmem:s25+$0xF0];
	_ =	sdelay $0x3  }
0x2a2: {  	v1 =	vmul.bf16 v2, v1;
	v2 =	vmul.bf16 v34, v3  }
0x2a3: {  	v3 =	vmul.bf16 v36, v35;
	v39 =	vmul.bf16 v38, v37;
	_ =	sdelay $0x1  }
0x2a4: {  	v1 =	vadd.bf16 v3, v1;
	v2 =	vadd.bf16 v39, v2;
	_ =	sdelay $0x1  }
0x2a5: {  	v1 =	vadd.bf16 v2, v1;
	_ =	sdelay $0x1  }
0x2a6: {  	v2 =	vunpack.i.u.bf16.f32 v1;
	v1 =	vunpack.i.l.bf16.f32 v1  }
0x2a7: {  	v1 =	vadd.f32 v1, v2;
	_ =	sdelay $0x1  }
0x2a8: {  	[tilespmem:s28+$0x30] =	vst v1  }
0x2a9: {  	v1 =	vld [tilespmem:s26+$0x100]  }
0x2aa: {  	v2 =	vld [tilespmem:s25+$0x100]  }
0x2ab: {  	v3 =	vld [tilespmem:s26+$0x110]  }
0x2ac: {  	v40 =	vld [tilespmem:s25+$0x110]  }
0x2ad: {  	v41 =	vld [tilespmem:s26+$0x120]  }
0x2ae: {  	v42 =	vld [tilespmem:s25+$0x120]  }
0x2af: {  	v43 =	vld [tilespmem:s26+$0x130]  }
0x2b0: {  	v44 =	vld [tilespmem:s25+$0x130];
	_ =	sdelay $0x3  }
0x2b1: {  	v1 =	vmul.bf16 v2, v1;
	v2 =	vmul.bf16 v40, v3  }
0x2b2: {  	v3 =	vmul.bf16 v42, v41;
	v45 =	vmul.bf16 v44, v43;
	_ =	sdelay $0x1  }
0x2b3: {  	v1 =	vadd.bf16 v3, v1;
	v2 =	vadd.bf16 v45, v2;
	_ =	sdelay $0x1  }
0x2b4: {  	v1 =	vadd.bf16 v2, v1;
	_ =	sdelay $0x1  }
0x2b5: {  	v2 =	vunpack.i.u.bf16.f32 v1;
	v1 =	vunpack.i.l.bf16.f32 v1  }
0x2b6: {  	v1 =	vadd.f32 v1, v2;
	_ =	sdelay $0x1  }
0x2b7: {  	[tilespmem:s28+$0x40] =	vst v1  }
0x2b8: {  	v1 =	vld [tilespmem:s26+$0x140]  }
0x2b9: {  	v2 =	vld [tilespmem:s25+$0x140]  }
0x2ba: {  	v3 =	vld [tilespmem:s26+$0x150]  }
0x2bb: {  	v46 =	vld [tilespmem:s25+$0x150]  }
0x2bc: {  	v47 =	vld [tilespmem:s26+$0x160]  }
0x2bd: {  	v48 =	vld [tilespmem:s25+$0x160]  }
0x2be: {  	v49 =	vld [tilespmem:s26+$0x170]  }
0x2bf: {  	v50 =	vld [tilespmem:s25+$0x170];
	_ =	sdelay $0x3  }
0x2c0: {  	v1 =	vmul.bf16 v2, v1;
	v2 =	vmul.bf16 v46, v3  }
0x2c1: {  	v3 =	vmul.bf16 v48, v47;
	v51 =	vmul.bf16 v50, v49;
	_ =	sdelay $0x1  }
0x2c2: {  	v1 =	vadd.bf16 v3, v1;
	v2 =	vadd.bf16 v51, v2;
	_ =	sdelay $0x1  }
0x2c3: {  	v1 =	vadd.bf16 v2, v1;
	_ =	sdelay $0x1  }
0x2c4: {  	v2 =	vunpack.i.u.bf16.f32 v1;
	v1 =	vunpack.i.l.bf16.f32 v1  }
0x2c5: {  	v1 =	vadd.f32 v1, v2;
	_ =	sdelay $0x1  }
0x2c6: {  	[tilespmem:s28+$0x50] =	vst v1  }
0x2c7: {  	v1 =	vld [tilespmem:s26+$0x180]  }
0x2c8: {  	v2 =	vld [tilespmem:s25+$0x180]  }
0x2c9: {  	v3 =	vld [tilespmem:s26+$0x190]  }
0x2ca: {  	v52 =	vld [tilespmem:s25+$0x190]  }
0x2cb: {  	v53 =	vld [tilespmem:s26+$0x1A0]  }
0x2cc: {  	v54 =	vld [tilespmem:s25+$0x1A0]  }
0x2cd: {  	v55 =	vld [tilespmem:s26+$0x1B0]  }
0x2ce: {  	v56 =	vld [tilespmem:s25+$0x1B0];
	_ =	sdelay $0x3  }
0x2cf: {  	v1 =	vmul.bf16 v2, v1;
	v2 =	vmul.bf16 v52, v3  }
0x2d0: {  	v3 =	vmul.bf16 v54, v53;
	v57 =	vmul.bf16 v56, v55;
	_ =	sdelay $0x1  }
0x2d1: {  	v1 =	vadd.bf16 v3, v1;
	v2 =	vadd.bf16 v57, v2;
	_ =	sdelay $0x1  }
0x2d2: {  	v1 =	vadd.bf16 v2, v1;
	_ =	sdelay $0x1  }
0x2d3: {  	v2 =	vunpack.i.u.bf16.f32 v1;
	v1 =	vunpack.i.l.bf16.f32 v1  }
0x2d4: {  	v1 =	vadd.f32 v1, v2;
	_ =	sdelay $0x1  }
0x2d5: {  	[tilespmem:s28+$0x60] =	vst v1  }
0x2d6: {  	v1 =	vld [tilespmem:s26+$0x1C0]  }
0x2d7: {  	v2 =	vld [tilespmem:s25+$0x1C0]  }
0x2d8: {  	v3 =	vld [tilespmem:s26+$0x1D0]  }
0x2d9: {  	v58 =	vld [tilespmem:s25+$0x1D0]  }
0x2da: {  	v59 =	vld [tilespmem:s26+$0x1E0]  }
0x2db: {  	v60 =	vld [tilespmem:s25+$0x1E0]  }
0x2dc: {  	v61 =	vld [tilespmem:s26+$0x1F0]  }
0x2dd: {  	v62 =	vld [tilespmem:s25+$0x1F0];
	_ =	sdelay $0x3  }
0x2de: {  	v1 =	vmul.bf16 v2, v1;
	v2 =	vmul.bf16 v58, v3  }
0x2df: {  	v3 =	vmul.bf16 v60, v59;
	v63 =	vmul.bf16 v62, v61;
	_ =	sdelay $0x1  }
0x2e0: {  	v1 =	vadd.bf16 v3, v1;
	v2 =	vadd.bf16 v63, v2  }
0x2e1: {  	s24 =	sadd.s32 $0x10, s24  }
0x2e2: {  	p0 =	slt.u32 s24, $0x70;
	v1 =	vadd.bf16 v2, v1  }
.Ltmp2:
0x2e3: {  	_ = 	snop;
	(pc) =	sbr.rel @p0 .LBB2_7-.Ltmp2, $4  }
0x2e4: {  	v2 =	vunpack.i.u.bf16.f32 v1;
	v1 =	vunpack.i.l.bf16.f32 v1  }
0x2e5: {  	v1 =	vadd.f32 v1, v2  }
0x2e6: {  	s23 =	simm.s32 $0x10810;
	s29 =	simm.s32 $0x10  }
0x2e7: {  	s25 =	sadd.s32 $0x400, s25;
	s26 =	sadd.s32 $0x400, s26;
	[tilespmem:s28+$0x70] =	vst v1;
	s28 =	sadd.s32 $0x100, s28  }
0x2e8: {  	s24 =	simm.s32 $0x0  }
0x2e9: {  	v1 =	vmov s24  }
0x2ea: {  	v1 =	vshll.u32 v1, $0x4  }
0x2eb: {  	v1 =	vor.u32 v0, v1  }
0x2ec: {  	v2 =	vor.u32 $0x1, v1;
	_ =	sdelay $0x1  }
0x2ed: {  	v3 =	vor.u32 $0x2, v1;
	_ =	sdelay $0x1  }
0x2ee: {  	v4 =	vor.u32 $0x3, v1;
	v5 =	vld.idx.msk [tilespmem:v1+s17+$0x0], $0xffff  }
0x2ef: {  	v2 =	vld.idx.msk [tilespmem:v2+s17+$0x0], $0xffff  }
0x2f0: {  	v6 =	vor.u32 $0x4, v1  }
0x2f1: {  	v3 =	vld.idx.msk [tilespmem:v3+s17+$0x0], $0xffff  }
0x2f2: {  	v7 =	vor.u32 $0x5, v1  }
0x2f3: {  	v4 =	vld.idx.msk [tilespmem:v4+s17+$0x0], $0xffff  }
0x2f4: {  	v8 =	vor.u32 $0x6, v1;
	v2 =	vadd.f32 v2, v5  }
0x2f5: {  	v5 =	vld.idx.msk [tilespmem:v6+s17+$0x0], $0xffff  }
0x2f6: {  	v6 =	vor.u32 $0x7, v1;
	v2 =	vadd.f32 v3, v2  }
0x2f7: {  	v3 =	vld.idx.msk [tilespmem:v7+s17+$0x0], $0xffff  }
0x2f8: {  	v7 =	vor.u32 $0x8, v1;
	v2 =	vadd.f32 v4, v2  }
0x2f9: {  	v4 =	vld.idx.msk [tilespmem:v8+s17+$0x0], $0xffff  }
0x2fa: {  	v8 =	vor.u32 $0x9, v1;
	v2 =	vadd.f32 v5, v2  }
0x2fb: {  	v5 =	vld.idx.msk [tilespmem:v6+s17+$0x0], $0xffff  }
0x2fc: {  	v6 =	vor.u32 $0xA, v1;
	v2 =	vadd.f32 v3, v2  }
0x2fd: {  	v3 =	vld.idx.msk [tilespmem:v7+s17+$0x0], $0xffff  }
0x2fe: {  	v7 =	vor.u32 $0xB, v1;
	v2 =	vadd.f32 v4, v2  }
0x2ff: {  	v4 =	vld.idx.msk [tilespmem:v8+s17+$0x0], $0xffff  }
0x300: {  	v8 =	vor.u32 $0xC, v1;
	v2 =	vadd.f32 v5, v2  }
0x301: {  	v5 =	vld.idx.msk [tilespmem:v6+s17+$0x0], $0xffff  }
0x302: {  	v6 =	vor.u32 $0xD, v1;
	v2 =	vadd.f32 v3, v2  }
0x303: {  	v3 =	vld.idx.msk [tilespmem:v7+s17+$0x0], $0xffff  }
0x304: {  	v7 =	vor.u32 $0xE, v1;
	v2 =	vadd.f32 v4, v2  }
0x305: {  	v4 =	vld.idx.msk [tilespmem:v8+s17+$0x0], $0xffff  }
0x306: {  	v1 =	vor.u32 $0xF, v1;
	v2 =	vadd.f32 v5, v2  }
0x307: {  	v5 =	vld.idx.msk [tilespmem:v6+s17+$0x0], $0xffff  }
0x308: {  	v2 =	vadd.f32 v3, v2  }
0x309: {  	v3 =	vld.idx.msk [tilespmem:v7+s17+$0x0], $0xffff  }
0x30a: {  	v2 =	vadd.f32 v4, v2  }
0x30b: {  	v1 =	vld.idx.msk [tilespmem:v1+s17+$0x0], $0xffff  }
0x30c: {  	v4 =	vmov s29;
	v2 =	vadd.f32 v5, v2  }
0x30d: {  	v4 =	vshll.u32 v4, $0x4  }
0x30e: {  	v4 =	vor.u32 v0, v4;
	v2 =	vadd.f32 v3, v2  }
0x30f: {  	v3 =	vor.u32 $0x1, v4  }
0x310: {  	v1 =	vadd.f32 v1, v2  }
0x311: {  	v2 =	vor.u32 $0x2, v4  }
0x312: {  	[tilespmem:s23+$0xFFFFFFF0] =	vst v1  }
0x313: {  	v1 =	vor.u32 $0x3, v4;
	v5 =	vld.idx.msk [tilespmem:v4+s17+$0x0], $0xffff  }
0x314: {  	v3 =	vld.idx.msk [tilespmem:v3+s17+$0x0], $0xffff  }
0x315: {  	v6 =	vor.u32 $0x4, v4  }
0x316: {  	v2 =	vld.idx.msk [tilespmem:v2+s17+$0x0], $0xffff  }
0x317: {  	v7 =	vor.u32 $0x5, v4  }
0x318: {  	v1 =	vld.idx.msk [tilespmem:v1+s17+$0x0], $0xffff  }
0x319: {  	v8 =	vor.u32 $0x6, v4;
	v3 =	vadd.f32 v3, v5  }
0x31a: {  	v5 =	vld.idx.msk [tilespmem:v6+s17+$0x0], $0xffff  }
0x31b: {  	v6 =	vor.u32 $0x7, v4;
	v2 =	vadd.f32 v2, v3  }
0x31c: {  	v3 =	vld.idx.msk [tilespmem:v7+s17+$0x0], $0xffff  }
0x31d: {  	v7 =	vor.u32 $0x8, v4;
	v1 =	vadd.f32 v1, v2  }
0x31e: {  	v2 =	vld.idx.msk [tilespmem:v8+s17+$0x0], $0xffff  }
0x31f: {  	v8 =	vor.u32 $0x9, v4;
	v1 =	vadd.f32 v5, v1  }
0x320: {  	v5 =	vld.idx.msk [tilespmem:v6+s17+$0x0], $0xffff  }
0x321: {  	v6 =	vor.u32 $0xA, v4;
	v1 =	vadd.f32 v3, v1  }
0x322: {  	v3 =	vld.idx.msk [tilespmem:v7+s17+$0x0], $0xffff  }
0x323: {  	v7 =	vor.u32 $0xB, v4;
	v1 =	vadd.f32 v2, v1  }
0x324: {  	v2 =	vld.idx.msk [tilespmem:v8+s17+$0x0], $0xffff  }
0x325: {  	v8 =	vor.u32 $0xC, v4;
	v1 =	vadd.f32 v5, v1  }
0x326: {  	v5 =	vld.idx.msk [tilespmem:v6+s17+$0x0], $0xffff  }
0x327: {  	v6 =	vor.u32 $0xD, v4;
	v1 =	vadd.f32 v3, v1  }
0x328: {  	v3 =	vld.idx.msk [tilespmem:v7+s17+$0x0], $0xffff  }
0x329: {  	v7 =	vor.u32 $0xE, v4;
	v1 =	vadd.f32 v2, v1  }
0x32a: {  	v2 =	vld.idx.msk [tilespmem:v8+s17+$0x0], $0xffff  }
0x32b: {  	v4 =	vor.u32 $0xF, v4;
	v1 =	vadd.f32 v5, v1  }
0x32c: {  	v5 =	vld.idx.msk [tilespmem:v6+s17+$0x0], $0xffff  }
0x32d: {  	v1 =	vadd.f32 v3, v1  }
0x32e: {  	v3 =	vld.idx.msk [tilespmem:v7+s17+$0x0], $0xffff  }
0x32f: {  	v1 =	vadd.f32 v2, v1  }
0x330: {  	s31 =	simm.s32 $0x20;
	v7 =	vld.idx.msk [tilespmem:v4+s17+$0x0], $0xffff  }
0x331: {  	v2 =	vmov s31;
	v4 =	vadd.f32 v5, v1  }
0x332: {  	v1 =	vshll.u32 v2, $0x4  }
0x333: {  	v1 =	vor.u32 v0, v1;
	v8 =	vadd.f32 v3, v4  }
0x334: {  	v6 =	vor.u32 $0x1, v1;
	v5 =	vor.u32 $0x2, v1;
	v4 =	vor.u32 $0x3, v1  }
0x335: {  	s25 =	simm.s32 $0x2;
	s26 =	simm.s32 $0x10810;
	s24 =	simm.s32 $0x30;
	v3 =	vor.u32 $0x4, v1;
	v2 =	vor.u32 $0x5, v1;
	v7 =	vadd.f32 v7, v8  }
.LBB2_9:
0x336: {  	s25 =	sadd.s32 $0x2, s25;
	v8 =	vor.u32 $0x6, v1;
	v9 =	vor.u32 $0x7, v1;
	v10 =	vor.u32 $0x8, v1;
	s23 =	sadd.s32 $0x20, s23  }
0x337: {  	v11 =	vor.u32 $0x9, v1;
	v12 =	vor.u32 $0xA, v1;
	v13 =	vor.u32 $0xB, v1;
	p0 =	slt.u32 s25, $0x6;
	[tilespmem:s26+$0x0] =	vst v7;
	s26 =	smov.u32 s23  }
0x338: {  	v14 =	vor.u32 $0xC, v1;
	v15 =	vor.u32 $0xD, v1;
	v16 =	vor.u32 $0xE, v1;
	v7 =	vld.idx.msk [tilespmem:v1+s17+$0x0], $0xffff  }
0x339: {  	v1 =	vor.u32 $0xF, v1;
	v6 =	vld.idx.msk [tilespmem:v6+s17+$0x0], $0xffff;
	_ =	sdelay $0x1  }
0x33a: {  	v5 =	vld.idx.msk [tilespmem:v5+s17+$0x0], $0xffff;
	_ =	sdelay $0x1  }
0x33b: {  	v4 =	vld.idx.msk [tilespmem:v4+s17+$0x0], $0xffff;
	_ =	sdelay $0x1  }
0x33c: {  	v6 =	vadd.f32 v6, v7;
	v3 =	vld.idx.msk [tilespmem:v3+s17+$0x0], $0xffff;
	_ =	sdelay $0x1  }
0x33d: {  	v5 =	vadd.f32 v5, v6;
	v2 =	vld.idx.msk [tilespmem:v2+s17+$0x0], $0xffff;
	_ =	sdelay $0x1  }
0x33e: {  	v4 =	vadd.f32 v4, v5;
	v5 =	vld.idx.msk [tilespmem:v8+s17+$0x0], $0xffff;
	_ =	sdelay $0x1  }
0x33f: {  	v3 =	vadd.f32 v3, v4;
	v4 =	vld.idx.msk [tilespmem:v9+s17+$0x0], $0xffff;
	_ =	sdelay $0x1  }
0x340: {  	v2 =	vadd.f32 v2, v3;
	v3 =	vld.idx.msk [tilespmem:v10+s17+$0x0], $0xffff;
	_ =	sdelay $0x1  }
0x341: {  	v2 =	vadd.f32 v5, v2;
	v5 =	vld.idx.msk [tilespmem:v11+s17+$0x0], $0xffff;
	_ =	sdelay $0x1  }
0x342: {  	v2 =	vadd.f32 v4, v2;
	v4 =	vld.idx.msk [tilespmem:v12+s17+$0x0], $0xffff;
	_ =	sdelay $0x1  }
0x343: {  	v2 =	vadd.f32 v3, v2;
	v3 =	vld.idx.msk [tilespmem:v13+s17+$0x0], $0xffff;
	_ =	sdelay $0x1  }
0x344: {  	v2 =	vadd.f32 v5, v2;
	v5 =	vld.idx.msk [tilespmem:v14+s17+$0x0], $0xffff;
	_ =	sdelay $0x1  }
0x345: {  	v2 =	vadd.f32 v4, v2;
	v4 =	vld.idx.msk [tilespmem:v15+s17+$0x0], $0xffff;
	_ =	sdelay $0x1  }
0x346: {  	v2 =	vadd.f32 v3, v2;
	v3 =	vld.idx.msk [tilespmem:v16+s17+$0x0], $0xffff;
	_ =	sdelay $0x1  }
0x347: {  	v2 =	vadd.f32 v5, v2;
	v1 =	vld.idx.msk [tilespmem:v1+s17+$0x0], $0xffff  }
0x348: {  	v5 =	vmov s24  }
0x349: {  	v2 =	vadd.f32 v4, v2;
	v4 =	vshll.u32 v5, $0x4  }
0x34a: {  	v4 =	vor.u32 v0, v4  }
0x34b: {  	v2 =	vadd.f32 v3, v2;
	v3 =	vor.u32 $0x1, v4;
	_ =	sdelay $0x1  }
0x34c: {  	v1 =	vadd.f32 v1, v2;
	v2 =	vor.u32 $0x2, v4;
	_ =	sdelay $0x1  }
0x34d: {  	[tilespmem:s23+$0xFFFFFFF0] =	vst v1;
	v1 =	vor.u32 $0x3, v4  }
0x34e: {  	v5 =	vld.idx.msk [tilespmem:v4+s17+$0x0], $0xffff  }
0x34f: {  	v6 =	vor.u32 $0x4, v4;
	v3 =	vld.idx.msk [tilespmem:v3+s17+$0x0], $0xffff  }
0x350: {  	v2 =	vld.idx.msk [tilespmem:v2+s17+$0x0], $0xffff  }
0x351: {  	v7 =	vor.u32 $0x5, v4  }
0x352: {  	v1 =	vld.idx.msk [tilespmem:v1+s17+$0x0], $0xffff  }
0x353: {  	v8 =	vor.u32 $0x6, v4  }
0x354: {  	v6 =	vld.idx.msk [tilespmem:v6+s17+$0x0], $0xffff  }
0x355: {  	v3 =	vadd.f32 v3, v5;
	v5 =	vor.u32 $0x7, v4  }
0x356: {  	v7 =	vld.idx.msk [tilespmem:v7+s17+$0x0], $0xffff  }
0x357: {  	v2 =	vadd.f32 v2, v3;
	v3 =	vor.u32 $0x8, v4  }
0x358: {  	v8 =	vld.idx.msk [tilespmem:v8+s17+$0x0], $0xffff  }
0x359: {  	v1 =	vadd.f32 v1, v2;
	v2 =	vor.u32 $0x9, v4  }
0x35a: {  	v5 =	vld.idx.msk [tilespmem:v5+s17+$0x0], $0xffff  }
0x35b: {  	v1 =	vadd.f32 v6, v1;
	v6 =	vor.u32 $0xA, v4  }
0x35c: {  	v3 =	vld.idx.msk [tilespmem:v3+s17+$0x0], $0xffff  }
0x35d: {  	v1 =	vadd.f32 v7, v1;
	v7 =	vor.u32 $0xB, v4  }
0x35e: {  	v2 =	vld.idx.msk [tilespmem:v2+s17+$0x0], $0xffff  }
0x35f: {  	v1 =	vadd.f32 v8, v1;
	v8 =	vor.u32 $0xC, v4  }
0x360: {  	v6 =	vld.idx.msk [tilespmem:v6+s17+$0x0], $0xffff  }
0x361: {  	v1 =	vadd.f32 v5, v1;
	v5 =	vor.u32 $0xD, v4  }
0x362: {  	v7 =	vld.idx.msk [tilespmem:v7+s17+$0x0], $0xffff  }
0x363: {  	v1 =	vadd.f32 v3, v1;
	v3 =	vor.u32 $0xE, v4  }
0x364: {  	v8 =	vld.idx.msk [tilespmem:v8+s17+$0x0], $0xffff  }
0x365: {  	v1 =	vadd.f32 v2, v1;
	v2 =	vor.u32 $0xF, v4  }
0x366: {  	v4 =	vld.idx.msk [tilespmem:v5+s17+$0x0], $0xffff  }
0x367: {  	v1 =	vadd.f32 v6, v1  }
0x368: {  	v3 =	vld.idx.msk [tilespmem:v3+s17+$0x0], $0xffff  }
0x369: {  	v1 =	vadd.f32 v7, v1  }
0x36a: {  	v7 =	vld.idx.msk [tilespmem:v2+s17+$0x0], $0xffff  }
0x36b: {  	s24 =	sadd.s32 $0x20, s24;
	v1 =	vadd.f32 v8, v1  }
0x36c: {  	s28 =	sadd.s32 $0xFFFFFFF0, s24  }
.Ltmp3:
0x36d: {  	v2 =	vmov s28;
	v4 =	vadd.f32 v4, v1;
	(pc) =	sbr.rel @p0 .LBB2_9-.Ltmp3, $4  }
0x36e: {  	v1 =	vshll.u32 v2, $0x4  }
0x36f: {  	v1 =	vor.u32 v0, v1;
	v8 =	vadd.f32 v3, v4  }
0x370: {  	v6 =	vor.u32 $0x1, v1;
	v5 =	vor.u32 $0x2, v1;
	v4 =	vor.u32 $0x3, v1  }
0x371: {  	v3 =	vor.u32 $0x4, v1;
	v2 =	vor.u32 $0x5, v1;
	v7 =	vadd.f32 v7, v8  }
0x372: {  	_ =	sdelay $0x2  }
0x373: {  	[tilespmem:s26+$0x0] =	vst v7  }
0x374: {  	v7 =	vld.idx.msk [tilespmem:v1+s17+$0x0], $0xffff  }
0x375: {  	v6 =	vld.idx.msk [tilespmem:v6+s17+$0x0], $0xffff;
	_ =	sdelay $0x1  }
0x376: {  	v5 =	vld.idx.msk [tilespmem:v5+s17+$0x0], $0xffff;
	_ =	sdelay $0x1  }
0x377: {  	v4 =	vld.idx.msk [tilespmem:v4+s17+$0x0], $0xffff  }
0x378: {  	v8 =	vor.u32 $0x6, v1;
	v6 =	vadd.f32 v6, v7  }
0x379: {  	v3 =	vld.idx.msk [tilespmem:v3+s17+$0x0], $0xffff  }
0x37a: {  	v32 =	vor.u32 $0x7, v1;
	v5 =	vadd.f32 v5, v6  }
0x37b: {  	v2 =	vld.idx.msk [tilespmem:v2+s17+$0x0], $0xffff  }
0x37c: {  	v33 =	vor.u32 $0x8, v1;
	v4 =	vadd.f32 v4, v5  }
0x37d: {  	v34 =	vld.idx.msk [tilespmem:v8+s17+$0x0], $0xffff  }
0x37e: {  	v35 =	vor.u32 $0x9, v1;
	v3 =	vadd.f32 v3, v4  }
0x37f: {  	v36 =	vld.idx.msk [tilespmem:v32+s17+$0x0], $0xffff  }
0x380: {  	v37 =	vor.u32 $0xA, v1;
	v2 =	vadd.f32 v2, v3  }
0x381: {  	v3 =	vld.idx.msk [tilespmem:v33+s17+$0x0], $0xffff  }
0x382: {  	v38 =	vor.u32 $0xB, v1;
	v2 =	vadd.f32 v34, v2  }
0x383: {  	v39 =	vld.idx.msk [tilespmem:v35+s17+$0x0], $0xffff  }
0x384: {  	v40 =	vor.u32 $0xC, v1;
	v2 =	vadd.f32 v36, v2  }
0x385: {  	v41 =	vld.idx.msk [tilespmem:v37+s17+$0x0], $0xffff  }
0x386: {  	v42 =	vor.u32 $0xD, v1;
	v2 =	vadd.f32 v3, v2  }
0x387: {  	v3 =	vld.idx.msk [tilespmem:v38+s17+$0x0], $0xffff  }
0x388: {  	v43 =	vor.u32 $0xE, v1;
	v2 =	vadd.f32 v39, v2  }
0x389: {  	v44 =	vld.idx.msk [tilespmem:v40+s17+$0x0], $0xffff  }
0x38a: {  	v1 =	vor.u32 $0xF, v1;
	v2 =	vadd.f32 v41, v2  }
0x38b: {  	v45 =	vld.idx.msk [tilespmem:v42+s17+$0x0], $0xffff  }
0x38c: {  	v2 =	vadd.f32 v3, v2  }
0x38d: {  	v3 =	vld.idx.msk [tilespmem:v43+s17+$0x0], $0xffff  }
0x38e: {  	v2 =	vadd.f32 v44, v2  }
0x38f: {  	v1 =	vld.idx.msk [tilespmem:v1+s17+$0x0], $0xffff  }
0x390: {  	v46 =	vmov s24;
	v2 =	vadd.f32 v45, v2  }
0x391: {  	v47 =	vshll.u32 v46, $0x4  }
0x392: {  	v4 =	vor.u32 v0, v47;
	v2 =	vadd.f32 v3, v2  }
0x393: {  	v3 =	vor.u32 $0x1, v4  }
0x394: {  	v1 =	vadd.f32 v1, v2  }
0x395: {  	s23 =	sadd.s32 $0x20, s23;
	v2 =	vor.u32 $0x2, v4  }
0x396: {  	[tilespmem:s23+$0xFFFFFFF0] =	vst v1  }
0x397: {  	v1 =	vor.u32 $0x3, v4;
	v48 =	vld.idx.msk [tilespmem:v4+s17+$0x0], $0xffff  }
0x398: {  	v3 =	vld.idx.msk [tilespmem:v3+s17+$0x0], $0xffff  }
0x399: {  	v49 =	vor.u32 $0x4, v4  }
0x39a: {  	v2 =	vld.idx.msk [tilespmem:v2+s17+$0x0], $0xffff  }
0x39b: {  	v50 =	vor.u32 $0x5, v4  }
0x39c: {  	v1 =	vld.idx.msk [tilespmem:v1+s17+$0x0], $0xffff  }
0x39d: {  	v51 =	vor.u32 $0x6, v4;
	v3 =	vadd.f32 v3, v48  }
0x39e: {  	v52 =	vld.idx.msk [tilespmem:v49+s17+$0x0], $0xffff  }
0x39f: {  	v53 =	vor.u32 $0x7, v4;
	v2 =	vadd.f32 v2, v3  }
0x3a0: {  	v3 =	vld.idx.msk [tilespmem:v50+s17+$0x0], $0xffff  }
0x3a1: {  	v54 =	vor.u32 $0x8, v4;
	v1 =	vadd.f32 v1, v2  }
0x3a2: {  	v2 =	vld.idx.msk [tilespmem:v51+s17+$0x0], $0xffff  }
0x3a3: {  	v55 =	vor.u32 $0x9, v4;
	v1 =	vadd.f32 v52, v1  }
0x3a4: {  	v56 =	vld.idx.msk [tilespmem:v53+s17+$0x0], $0xffff  }
0x3a5: {  	v57 =	vor.u32 $0xA, v4;
	v1 =	vadd.f32 v3, v1  }
0x3a6: {  	v3 =	vld.idx.msk [tilespmem:v54+s17+$0x0], $0xffff  }
0x3a7: {  	v58 =	vor.u32 $0xB, v4;
	v1 =	vadd.f32 v2, v1  }
0x3a8: {  	v2 =	vld.idx.msk [tilespmem:v55+s17+$0x0], $0xffff  }
0x3a9: {  	v59 =	vor.u32 $0xC, v4;
	v1 =	vadd.f32 v56, v1  }
0x3aa: {  	v60 =	vld.idx.msk [tilespmem:v57+s17+$0x0], $0xffff  }
0x3ab: {  	v61 =	vor.u32 $0xD, v4;
	v1 =	vadd.f32 v3, v1  }
0x3ac: {  	v3 =	vld.idx.msk [tilespmem:v58+s17+$0x0], $0xffff  }
0x3ad: {  	v62 =	vor.u32 $0xE, v4;
	v1 =	vadd.f32 v2, v1  }
0x3ae: {  	v2 =	vld.idx.msk [tilespmem:v59+s17+$0x0], $0xffff  }
0x3af: {  	v4 =	vor.u32 $0xF, v4;
	v1 =	vadd.f32 v60, v1  }
0x3b0: {  	v63 =	vld.idx.msk [tilespmem:v61+s17+$0x0], $0xffff  }
0x3b1: {  	v1 =	vadd.f32 v3, v1  }
0x3b2: {  	v3 =	vld.idx.msk [tilespmem:v62+s17+$0x0], $0xffff  }
0x3b3: {  	v1 =	vadd.f32 v2, v1  }
0x3b4: {  	v2 =	vld.idx.msk [tilespmem:v4+s17+$0x0], $0xffff  }
0x3b5: {  	v1 =	vadd.f32 v63, v1;
	_ =	sdelay $0x1  }
0x3b6: {  	v1 =	vadd.f32 v3, v1;
	_ =	sdelay $0x1  }
0x3b7: {  	s22 =	sor.u32 s3, s22;
	s21 =	sadd.s32 $0x1, s21;
	v1 =	vadd.f32 v2, v1  }
0x3b8: {  	s22 =	sshrl.u32 s22, $0x3;
	p0 =	sne.s32 s21, $0x40  }
.Ltmp4:
0x3b9: {  	s22 =	sadd.s32 s5, s22;
	[tilespmem:s23+$0x0] =	vst v1;
	(pc) =	sbr.rel @p0 .LBB2_2-.Ltmp4, $4  }
0x3ba: {  	[hbm4b:s22+s2] =	stream.linear.scatter [tilespmem:s18], [sflag:$0x3], $0x80, $0x38;
	[tilespmem:$0x10880] =	vst v63  }
0x3bb: {  	_ =	swait.ge [sflag:s9], $0x80  }
0x3bc: {  	[sflag:s9] =	ssyncset.done $0x0  }
0x3bd: {  	[sflag:s9] =	ssyncadd.s32 $0xFFFFFF80  }
0x3be: {  	s20 =	sadd.s32 $0x1, s20  }
0x3bf: {  	p0 =	sne.s32 s20, s8  }
.Ltmp5:
0x3c0: {  	_ = 	snop;
	(pc) =	sbr.rel @p0 .LBB2_1-.Ltmp5, $1  }
0x3c1: {  	_ =	sdelay $0x3  }
0x3c2: {  	_ =	sfence.sel $0x180000  }
0x3c3: {  	[bflag:$0x0] =	sbarrier.arrive $0xFFFF  }
0x3c4: {  	p0 =	sne.s32 s1, $0x0;
	_ =	strace $0x90000047  }
0x3c5: {  	s0 =	sadd.s32 @!p0 $0x100000, s0;
	[bflag:$0x2] =	sbarrier.arrive $0xFFFF  }
0x3c6: {  	[sflag:s0] =	ssyncadd.tile.s32 @!p0 $0x1;
	_ =	shalt  }
.Lfunc_end2:
_tile_overlayer_lowered:
.L_overlay_start_2:
0x3c7: {  	(tag) =	ssettag $0x2  }
0x3c8: {  	s0 =	rddreg [dreg:$0x0];
	s2 =	stileid.u32  }
0x3c9: {  	s1 =	rddreg [dreg:$0x1];
	p0 =	sne.s32 s2, $0x0  }
0x3ca: {  	s3 =	rddreg [dreg:$0x2];
	[bflag:$0x3] =	sbarrier.arrive $0xFFFF;
	s2 =	simm.s32 @!p0 $0x1C03  }
0x3cb: {  	[timem:s3], [sflag:s2] =	dma.local @!p0 [hbm:s0], s1  }
0x3cc: {  	s0 =	simm.s32 @!p0 $0x3  }
0x3cd: {  	_ =	swait.ge @!p0 [sflag:s0], s1  }
0x3ce: {  	s1 =	ssub.s32 @!p0 $0x0, s1;
	[sflag:s0] =	ssyncset.done @!p0 $0x0  }
0x3cf: {  	[sflag:s0] =	ssyncadd.s32 @!p0 s1  }
0x3d0: {  	[bflag:$0x3] =	sbarrier.arrive $0xFFFF  }
0x3d1: {  	_ =	shalt  }

</sc_bundles>
